<compile_context>
chip_gen: v7x
topology: tpu7x:2x2x1
jax: 0.10.2.dev20260603
libtpu: 0.0.44.dev20260713+nightly
codegen_flags: <defaults>
</compile_context>

<pallas_src>
import jax
import jax.numpy as jnp
import numpy as np
from jax import lax
from jax.experimental import pallas as pl
from jax.experimental.pallas import tpu as pltpu
from jax.experimental.pallas import tpu_sc as plsc

N, E, D, H, De = 10000, 320000, 128, 256, 16
NC, NS = 2, 16
CH = 80
SEC = 25
F = 128
RPT = (N // NS) // 8 * 8
RLAST = N - (NS - 1) * RPT

_MESH = plsc.VectorSubcoreMesh(core_axis_name="c", subcore_axis_name="s",
                               num_cores=NC, num_subcores=NS)



def _sc_segsum(tA, tB, srcg, dstg, zrows):
    nchunk = E // NS // CH
    nsect = nchunk // SEC

    def body(tA_ref, tB_ref, srcg_ref, dstg_ref, z_ref,
             outA_ref, outB_ref, src_v, dst_v, rows_v, S_sp, sem):
        cid = lax.axis_index("c")
        sid = lax.axis_index("s")

        @pl.when(sid < NS - 1)
        def _():
            pltpu.sync_copy(z_ref.at[pl.ds(0, RPT)],
                            S_sp.at[pl.ds(sid * RPT, RPT)])

        @pl.when(sid == NS - 1)
        def _():
            pltpu.sync_copy(z_ref, S_sp.at[pl.ds((NS - 1) * RPT, RLAST)])

        plsc.subcore_barrier()

        def run(table_ref, out_ref):
            def sect(s, carry):
                pltpu.sync_copy(srcg_ref.at[sid, s], src_v)
                pltpu.sync_copy(dstg_ref.at[sid, s], dst_v)

                def chunk(j, c2):
                    pltpu.async_copy(table_ref.at[src_v.at[j]], rows_v,
                                     sem).wait()
                    pltpu.sync_copy(rows_v, S_sp.at[dst_v.at[j]], add=True)
                    return c2

                return lax.fori_loop(0, SEC, chunk, carry)

            lax.fori_loop(0, nsect, sect, 0)
            plsc.subcore_barrier()

            @pl.when(sid < NS - 1)
            def _():
                pltpu.sync_copy(S_sp.at[pl.ds(sid * RPT, RPT)],
                                out_ref.at[pl.ds(sid * RPT, RPT)])

            @pl.when(sid == NS - 1)
            def _():
                pltpu.sync_copy(S_sp.at[pl.ds((NS - 1) * RPT, RLAST)],
                                out_ref.at[pl.ds((NS - 1) * RPT, RLAST)])

        @pl.when(cid == 0)
        def _():
            run(tA_ref, outA_ref)

        @pl.when(cid == 1)
        def _():
            run(tB_ref, outB_ref)

    f = pl.kernel(
        body,
        out_type=[jax.ShapeDtypeStruct((N, F), jnp.float32),
                  jax.ShapeDtypeStruct((N, F), jnp.float32)],
        mesh=_MESH,
        scratch_types=[
            pltpu.VMEM((SEC, CH), jnp.int32),
            pltpu.VMEM((SEC, CH), jnp.int32),
            pltpu.VMEM((CH, F), jnp.float32),
            pltpu.VMEM_SHARED((N, F), jnp.float32),
            pltpu.SemaphoreType.DMA,
        ],
    )
    return f(tA, tB, srcg, dstg, zrows)


def _sc_edge_gather(hs, hd, srcw, dstw):
    epw = E // (NC * NS)
    nchunk = epw // CH

    def body(hs_ref, hd_ref, srcw_ref, dstw_ref, o1_ref, o2_ref,
             src_v, dst_v, rows_v, sem):
        cid = lax.axis_index("c")
        sid = lax.axis_index("s")
        wid = cid * NS + sid
        pltpu.sync_copy(srcw_ref.at[wid], src_v)
        pltpu.sync_copy(dstw_ref.at[wid], dst_v)

        def chunk(j, carry):
            pltpu.async_copy(hs_ref.at[src_v.at[j]], rows_v, sem).wait()
            pltpu.sync_copy(rows_v, o1_ref.at[pl.ds(wid * epw + j * CH, CH)])
            pltpu.async_copy(hd_ref.at[dst_v.at[j]], rows_v, sem).wait()
            pltpu.sync_copy(rows_v, o2_ref.at[pl.ds(wid * epw + j * CH, CH)])
            return carry

        lax.fori_loop(0, nchunk, chunk, 0)

    f = pl.kernel(
        body,
        out_type=[jax.ShapeDtypeStruct((E, H), jnp.float32),
                  jax.ShapeDtypeStruct((E, H), jnp.float32)],
        mesh=_MESH,
        scratch_types=[
            pltpu.VMEM((nchunk, CH), jnp.int32),
            pltpu.VMEM((nchunk, CH), jnp.int32),
            pltpu.VMEM((CH, H), jnp.float32),
            pltpu.SemaphoreType.DMA,
        ],
    )
    return f(hs, hd, srcw, dstw)




def _sage_body(nq, relu, S0, S1, *refs):
    S_refs = refs[:nq]
    cnt_ref = refs[nq]
    h_refs = refs[nq + 1:2 * nq + 1]
    Wl_refs = refs[2 * nq + 1:3 * nq + 1]
    Wr_refs = refs[3 * nq + 1:4 * nq + 1]
    b_ref = refs[4 * nq + 1]
    o_refs = refs[4 * nq + 2:]
    c = jnp.maximum(cnt_ref[...], 1.0)
    u = b_ref[...]
    for q in range(nq):
        u = u + jnp.dot(S_refs[q][...] / c, Wl_refs[q][...],
                        preferred_element_type=jnp.float32)
        u = u + jnp.dot(h_refs[q][...], Wr_refs[q][...],
                        preferred_element_type=jnp.float32)
    if relu:
        u = jnp.maximum(u, 0.0)
    if S0 is None:
        fo = H // len(o_refs)
        for q in range(len(o_refs)):
            o_refs[q][...] = u[:, fo * q:fo * (q + 1)]
    else:
        o_refs[0][...] = jnp.dot(u, S0[...], preferred_element_type=jnp.float32)
        o_refs[1][...] = jnp.dot(u, S1[...], preferred_element_type=jnp.float32)


def _sage_layer(Ss, cnt, hs, Wls, Wrs, b, relu=True, fin=None):
    nq = len(Ss)
    blk = 512
    grid = (pl.cdiv(N, blk),)
    fS = Ss[0].shape[1]
    fh = hs[0].shape[1]
    in_specs = (
        [pl.BlockSpec((blk, fS), lambda i: (i, 0)) for _ in range(nq)]
        + [pl.BlockSpec((blk, 1), lambda i: (i, 0))]
        + [pl.BlockSpec((blk, fh), lambda i: (i, 0)) for _ in range(nq)]
        + [pl.BlockSpec((fS, H), lambda i: (0, 0)) for _ in range(nq)]
        + [pl.BlockSpec((fh, H), lambda i: (0, 0)) for _ in range(nq)]
        + [pl.BlockSpec((1, H), lambda i: (0, 0))]
    )
    if fin is None:
        out_specs = [pl.BlockSpec((blk, H // 2), lambda i: (i, 0))
                     for _ in range(2)]
        out_shape = [jax.ShapeDtypeStruct((N, H // 2), jnp.float32)
                     for _ in range(2)]
        body = lambda *refs: _sage_body(nq, relu, None, None, *refs)
        extra = []
    else:
        out_specs = [pl.BlockSpec((blk, H), lambda i: (i, 0))
                     for _ in range(2)]
        out_shape = [jax.ShapeDtypeStruct((N, H), jnp.float32)
                     for _ in range(2)]
        in_specs = in_specs + [pl.BlockSpec((H, H), lambda i: (0, 0))
                               for _ in range(2)]
        body = lambda *refs: _sage_body(nq, relu, refs[4 * nq + 2],
                                        refs[4 * nq + 3], *refs[:4 * nq + 2],
                                        *refs[4 * nq + 4:])
        extra = list(fin)
    return pl.pallas_call(
        body,
        grid=grid,
        in_specs=in_specs,
        out_specs=out_specs,
        out_shape=out_shape,
    )(*Ss, cnt, *hs, *Wls, *Wrs, b, *extra)


def _head_body(g1_ref, g2_ref, ea_ref, Wea_ref, b1_ref, W2_ref, b2_ref,
               W3_ref, b3_ref, o_ref):
    z1 = (g1_ref[...] + g2_ref[...]
          + jnp.dot(ea_ref[...], Wea_ref[...],
                    preferred_element_type=jnp.float32) + b1_ref[...])
    z1 = jnp.maximum(z1, 0.0)
    z2 = jnp.dot(z1, W2_ref[...], preferred_element_type=jnp.float32) + b2_ref[...]
    z2 = jnp.maximum(z2, 0.0)
    o_ref[...] = jnp.dot(z2, W3_ref[...], preferred_element_type=jnp.float32) + b3_ref[...]


def _edge_head(g1, g2, ea, Wea, b1, W2, b2, W3, b3):
    blk = 1024
    grid = (pl.cdiv(E, blk),)
    return pl.pallas_call(
        _head_body,
        grid=grid,
        in_specs=[
            pl.BlockSpec((blk, H), lambda i: (i, 0)),
            pl.BlockSpec((blk, H), lambda i: (i, 0)),
            pl.BlockSpec((blk, De), lambda i: (i, 0)),
            pl.BlockSpec((De, H), lambda i: (0, 0)),
            pl.BlockSpec((1, H), lambda i: (0, 0)),
            pl.BlockSpec((H, H // 2), lambda i: (0, 0)),
            pl.BlockSpec((1, H // 2), lambda i: (0, 0)),
            pl.BlockSpec((H // 2, 128), lambda i: (0, 0)),
            pl.BlockSpec((1, 128), lambda i: (0, 0)),
        ],
        out_specs=pl.BlockSpec((blk, 128), lambda i: (i, 0)),
        out_shape=jax.ShapeDtypeStruct((E, 128), jnp.float32),
    )(g1, g2, ea, Wea, b1, W2, b2, W3, b3)




def kernel(x, edge_index, edge_attr, W0l, b0l, W0r, W1l, b1l, W1r, W2l, b2l,
           W2r, g0, be0, g1, be1, Wc1, bc1, Wc2, bc2, Wc3, bc3):
    src = edge_index[0]
    dst = edge_index[1]
    nsect = E // NS // CH // SEC
    srcg = src.reshape(NS, nsect, SEC, CH)
    dstg = dst.reshape(NS, nsect, SEC, CH)
    srcw = src.reshape(NC * NS, E // (NC * NS) // CH, CH)
    dstw = dst.reshape(NC * NS, E // (NC * NS) // CH, CH)

    s0 = g0 / np.sqrt(1.0 + 1e-5)
    s1 = g1 / np.sqrt(1.0 + 1e-5)
    W0l_, W0r_, b0_ = W0l * s0[None, :], W0r * s0[None, :], (b0l * s0 + be0)
    W1l_, W1r_, b1_ = W1l * s1[None, :], W1r * s1[None, :], (b1l * s1 + be1)

    onespad = jnp.concatenate(
        [jnp.ones((N, 1), jnp.float32), jnp.zeros((N, F - 65), jnp.float32)], 1)
    t0A = jnp.concatenate([x[:, :64], onespad], axis=1)
    t0B = jnp.concatenate([x[:, 64:], jnp.zeros((N, F - 64), jnp.float32)], axis=1)
    zrows = jnp.zeros((RLAST, F), jnp.float32)

    S0A, S0B = _sc_segsum(t0A, t0B, srcg, dstg, zrows)
    cnt = S0A[:, 64:65]

    WlA0 = jnp.concatenate([W0l_[:64], jnp.zeros((F - 64, H), jnp.float32)], 0)
    WlB0 = jnp.concatenate([W0l_[64:], jnp.zeros((F - 64, H), jnp.float32)], 0)
    h1 = _sage_layer([S0A, S0B], cnt, [x[:, :64], x[:, 64:]],
                     [WlA0, WlB0], [W0r_[:64], W0r_[64:]], b0_.reshape(1, H))

    S1A, S1B = _sc_segsum(h1[0], h1[1], srcg, dstg, zrows)
    W1lh = [W1l_[:F], W1l_[F:]]
    W1rh = [W1r_[:F], W1r_[F:]]
    h2 = _sage_layer([S1A, S1B], cnt, list(h1), W1lh, W1rh, b1_.reshape(1, H))

    S2A, S2B = _sc_segsum(h2[0], h2[1], srcg, dstg, zrows)
    W2lh = [W2l[:F], W2l[F:]]
    W2rh = [W2r[:F], W2r[F:]]
    hs, hd = _sage_layer([S2A, S2B], cnt, list(h2), W2lh, W2rh,
                         b2l.reshape(1, H), relu=False,
                         fin=(Wc1[:H, :], Wc1[H:2 * H, :]))

    g1e, g2e = _sc_edge_gather(hs, hd, srcw, dstw)

    Wea = Wc1[2 * H:, :]
    W3p = jnp.zeros((H // 2, 128), jnp.float32).at[:, :2].set(Wc3)
    b3p = jnp.zeros((128,), jnp.float32).at[:2].set(bc3)
    out = _edge_head(g1e, g2e, edge_attr, Wea, bc1[None, :], Wc2, bc2[None, :],
                     W3p, b3p[None, :])
    return out[:, :2]

# --- scband reference (transcript-rebuilt; emitter-appended) ---
"""Pipeline reference for scband-edge-fraud-graph-sage-8443905704160 (READ-ONLY COPY).

The authoritative reference and input builder live on the scoring server;
editing this copy changes nothing except your own understanding.
"""

import jax, jax.numpy as jnp
import numpy as np

N, E, D, H, De = 10000, 320000, 128, 256, 16

def _init_linear(key, fan_in, fan_out):
    k1, k2 = jax.random.split(key)
    bound = 1.0 / np.sqrt(fan_in)
    W = jax.random.uniform(k1, (fan_in, fan_out), jnp.float32, -bound, bound)
    b = jax.random.uniform(k2, (fan_out,), jnp.float32, -bound, bound)
    return W, b

def setup_inputs(seed: int = 0):
    key = jax.random.key(seed)
    ks = jax.random.split(key, 16)
    inp = {}
    inp['x'] = jax.random.normal(ks[0], (N, D), dtype=jnp.float32)
    inp['edge_index'] = jax.random.randint(ks[1], (2, E), 0, N, dtype=jnp.int32)
    inp['edge_attr'] = jax.random.normal(ks[2], (E, De), dtype=jnp.float32)
    # SAGEConv layers: out = lin_l(mean_agg) + lin_r(x); lin_r has no bias (PyG default)
    W, b = _init_linear(ks[3], D, H); inp['W0l'], inp['b0l'] = W, b
    inp['W0r'], _ = _init_linear(ks[4], D, H)
    W, b = _init_linear(ks[5], H, H); inp['W1l'], inp['b1l'] = W, b
    inp['W1r'], _ = _init_linear(ks[6], H, H)
    W, b = _init_linear(ks[7], H, H); inp['W2l'], inp['b2l'] = W, b
    inp['W2r'], _ = _init_linear(ks[8], H, H)
    # BatchNorm params (eval mode: running_mean=0, running_var=1)
    inp['g0'] = jnp.ones((H,), jnp.float32); inp['be0'] = jnp.zeros((H,), jnp.float32)
    inp['g1'] = jnp.ones((H,), jnp.float32); inp['be1'] = jnp.zeros((H,), jnp.float32)
    # edge classifier: Linear(2H+De -> H), Linear(H -> H//2), Linear(H//2 -> 2)
    W, b = _init_linear(ks[9], 2 * H + De, H); inp['Wc1'], inp['bc1'] = W, b
    W, b = _init_linear(ks[10], H, H // 2); inp['Wc2'], inp['bc2'] = W, b
    W, b = _init_linear(ks[11], H // 2, 2); inp['Wc3'], inp['bc3'] = W, b
    return inp

def _sage(x, src, dst, Wl, bl, Wr, n):
    msg = x[src]
    s = jax.ops.segment_sum(msg, dst, num_segments=n)
    c = jax.ops.segment_sum(jnp.ones((src.shape[0],), jnp.float32), dst, num_segments=n)
    agg = s / jnp.clip(c, 1.0)[:, None]
    return agg @ Wl + bl + x @ Wr

def _bn(x, g, b):
    return (x / jnp.sqrt(1.0 + 1e-5)) * g + b

def reference(x, edge_index, edge_attr, W0l, b0l, W0r, W1l, b1l, W1r, W2l, b2l, W2r, g0, be0, g1, be1, Wc1, bc1, Wc2, bc2, Wc3, bc3):
    src = edge_index[0]
    dst = edge_index[1]
    h = jax.nn.relu(_bn(_sage(x, src, dst, W0l, b0l, W0r, N), g0, be0))
    h = jax.nn.relu(_bn(_sage(h, src, dst, W1l, b1l, W1r, N), g1, be1))
    h = _sage(h, src, dst, W2l, b2l, W2r, N)
    src_emb = h[src]
    dst_emb = h[dst]
    er = jnp.concatenate([src_emb, dst_emb, edge_attr], axis=1)
    z = jax.nn.relu(er @ Wc1 + bc1)
    z = jax.nn.relu(z @ Wc2 + bc2)
    return z @ Wc3 + bc3

if __name__ == "__main__":
    import jax
    _d = setup_inputs()
    print(jax.jit(kernel)(*tuple(_d.values())))

</pallas_src>

<mosaic_0001>
#map = affine_map<(d0, d1) -> (0, 0)>
#map1 = affine_map<(d0, d1) -> (0, 0, 0, 0)>
module attributes {stable_mosaic.version = 14 : i64} {
  func.func @body(%arg0: i32, %arg1: i32, %arg2: memref<10000x128xf32, #tpu.memory_space<hbm>>, %arg3: memref<10000x128xf32, #tpu.memory_space<hbm>>, %arg4: memref<16x10x25x80xi32, #tpu.memory_space<hbm>>, %arg5: memref<16x10x25x80xi32, #tpu.memory_space<hbm>>, %arg6: memref<640x128xf32, #tpu.memory_space<hbm>>, %arg7: memref<10000x128xf32, #tpu.memory_space<hbm>>, %arg8: memref<10000x128xf32, #tpu.memory_space<hbm>>, %arg9: memref<25x80xi32, #tpu.memory_space<vmem>>, %arg10: memref<25x80xi32, #tpu.memory_space<vmem>>, %arg11: memref<80x128xf32, #tpu.memory_space<vmem>>, %arg12: memref<10000x128xf32, #tpu.memory_space<vmem_shared>>, %arg13: memref<!tpu.dma_semaphore, #tpu.memory_space<semaphore_mem>>) attributes {dimension_semantics = [#tpu.dimension_semantics<core_parallel>, #tpu.dimension_semantics<subcore_parallel>], iteration_bounds = array<i64: 2, 16>, scalar_prefetch = 0 : i64, scratch_operands = 5 : i64, tpu.core_type = #tpu.core_type<sc_vector_subcore>, window_params = [{transform_indices = #map}, {transform_indices = #map}, {transform_indices = #map1}, {transform_indices = #map1}, {transform_indices = #map}, {transform_indices = #map}, {transform_indices = #map}]} {
    %lt3A = arith.constant 15 : i32
    %lt3A_0 = arith.cmpi slt, %arg1, %lt3A : i32
    %convert_element_type3A = arith.extui %lt3A_0 : i1 to i32
    %cond3A = arith.constant 0 : i32
    %cond3A_1 = arith.cmpi ne, %convert_element_type3A, %cond3A : i32
    scf.if %cond3A_1 {
      %mul3A = arith.constant 624 : i32
      %mul3A_16 = arith.muli %arg1, %mul3A : i32
      "tpu.region"() ({
        %run_scoped3A = tpu.sem_alloc : memref<!tpu.dma_semaphore, #tpu.memory_space<semaphore_mem>>
        %dma_start3A = arith.constant 0 : i32
        %dma_start3A_17 = tpu.memref_slice %arg12[%mul3A_16, %dma_start3A] : memref<10000x128xf32, #tpu.memory_space<vmem_shared>> -> memref<624x128xf32, #tpu.memory_space<vmem_shared>>
        %dma_start3A_18 = arith.constant 0 : i32
        %dma_start3A_19 = arith.constant 0 : i32
        %dma_start3A_20 = tpu.memref_slice %arg6[%dma_start3A_18, %dma_start3A_19] : memref<640x128xf32, #tpu.memory_space<hbm>> -> memref<624x128xf32, #tpu.memory_space<hbm>>
        tpu.enqueue_dma source(%dma_start3A_20 : memref<624x128xf32, #tpu.memory_space<hbm>>) target(%dma_start3A_17 : memref<624x128xf32, #tpu.memory_space<vmem_shared>>) target_semaphore(%run_scoped3A : memref<!tpu.dma_semaphore, #tpu.memory_space<semaphore_mem>>)
        %dma_wait3A = arith.constant 0 : i32
        %dma_wait3A_21 = tpu.memref_slice %arg12[%mul3A_16, %dma_wait3A] : memref<10000x128xf32, #tpu.memory_space<vmem_shared>> -> memref<624x128xf32, #tpu.memory_space<vmem_shared>>
        %dma_wait3A_22 = arith.constant 0 : i32
        %dma_wait3A_23 = arith.constant 0 : i32
        %dma_wait3A_24 = tpu.memref_slice %arg6[%dma_wait3A_22, %dma_wait3A_23] : memref<640x128xf32, #tpu.memory_space<hbm>> -> memref<624x128xf32, #tpu.memory_space<hbm>>
        tpu.wait_dma2 semaphore(%run_scoped3A : memref<!tpu.dma_semaphore, #tpu.memory_space<semaphore_mem>>) src(%dma_wait3A_24 : memref<624x128xf32, #tpu.memory_space<hbm>>) dst(%dma_wait3A_21 : memref<624x128xf32, #tpu.memory_space<vmem_shared>>)
        tpu.yield
      }) : () -> ()
    } else {
    }
    %eq3A = arith.constant 15 : i32
    %eq3A_2 = arith.cmpi eq, %arg1, %eq3A : i32
    %convert_element_type3A_3 = arith.extui %eq3A_2 : i1 to i32
    %cond3A_4 = arith.constant 0 : i32
    %cond3A_5 = arith.cmpi ne, %convert_element_type3A_3, %cond3A_4 : i32
    scf.if %cond3A_5 {
      "tpu.region"() ({
        %run_scoped3A = tpu.sem_alloc : memref<!tpu.dma_semaphore, #tpu.memory_space<semaphore_mem>>
        %dma_start3A = arith.constant 9360 : i32
        %dma_start3A_16 = arith.constant 0 : i32
        %dma_start3A_17 = tpu.memref_slice %arg12[%dma_start3A, %dma_start3A_16] : memref<10000x128xf32, #tpu.memory_space<vmem_shared>> -> memref<640x128xf32, #tpu.memory_space<vmem_shared>>
        tpu.enqueue_dma source(%arg6 : memref<640x128xf32, #tpu.memory_space<hbm>>) target(%dma_start3A_17 : memref<640x128xf32, #tpu.memory_space<vmem_shared>>) target_semaphore(%run_scoped3A : memref<!tpu.dma_semaphore, #tpu.memory_space<semaphore_mem>>)
        %dma_wait3A = arith.constant 9360 : i32
        %dma_wait3A_18 = arith.constant 0 : i32
        %dma_wait3A_19 = tpu.memref_slice %arg12[%dma_wait3A, %dma_wait3A_18] : memref<10000x128xf32, #tpu.memory_space<vmem_shared>> -> memref<640x128xf32, #tpu.memory_space<vmem_shared>>
        tpu.wait_dma2 semaphore(%run_scoped3A : memref<!tpu.dma_semaphore, #tpu.memory_space<semaphore_mem>>) src(%arg6 : memref<640x128xf32, #tpu.memory_space<hbm>>) dst(%dma_wait3A_19 : memref<640x128xf32, #tpu.memory_space<vmem_shared>>)
        tpu.yield
      }) : () -> ()
    } else {
    }
    %barrier3A = arith.constant 0 : index
    tpu.barrier barrier_id(%barrier3A)
    %eq3A_6 = arith.constant 0 : i32
    %eq3A_7 = arith.cmpi eq, %arg0, %eq3A_6 : i32
    %convert_element_type3A_8 = arith.extui %eq3A_7 : i1 to i32
    %cond3A_9 = arith.constant 0 : i32
    %cond3A_10 = arith.cmpi ne, %convert_element_type3A_8, %cond3A_9 : i32
    scf.if %cond3A_10 {
      %scan3A = arith.constant 0 : i32
      %scan3A_16 = arith.constant 0 : i32
      %scan3A_17 = arith.constant 10 : i32
      %scan3A_18 = arith.addi %scan3A_16, %scan3A_17 : i32
      %scan3A_19 = arith.constant 1 : i32
      scf.for %scan3A_32 = %scan3A_16 to %scan3A_18 step %scan3A_19  : i32 {
        "tpu.region"() ({
          %run_scoped3A = tpu.sem_alloc : memref<!tpu.dma_semaphore, #tpu.memory_space<semaphore_mem>>
          %dma_start3A = arith.constant 0 : i32
          %dma_start3A_38 = arith.constant 0 : i32
          %dma_start3A_39 = tpu.memref_slice %arg4[%arg1, %scan3A_32, %dma_start3A, %dma_start3A_38] : memref<16x10x25x80xi32, #tpu.memory_space<hbm>> -> memref<1x1x25x80xi32, #tpu.memory_space<hbm>>
          %dma_start3A_40 = tpu.memref_squeeze %dma_start3A_39 : memref<1x1x25x80xi32, #tpu.memory_space<hbm>> -> memref<25x80xi32, #tpu.memory_space<hbm>>
          %dma_start3A_41 = arith.constant 0 : i32
          %dma_start3A_42 = arith.constant 0 : i32
          %dma_start3A_43 = tpu.memref_slice %arg4[%arg1, %scan3A_32, %dma_start3A_41, %dma_start3A_42] : memref<16x10x25x80xi32, #tpu.memory_space<hbm>> -> memref<1x1x25x80xi32, #tpu.memory_space<hbm>>
          %dma_start3A_44 = tpu.memref_squeeze %dma_start3A_43 : memref<1x1x25x80xi32, #tpu.memory_space<hbm>> -> memref<25x80xi32, #tpu.memory_space<hbm>>
          tpu.enqueue_dma source(%dma_start3A_44 : memref<25x80xi32, #tpu.memory_space<hbm>>) target(%arg9 : memref<25x80xi32, #tpu.memory_space<vmem>>) target_semaphore(%run_scoped3A : memref<!tpu.dma_semaphore, #tpu.memory_space<semaphore_mem>>)
          %dma_wait3A = arith.constant 0 : i32
          %dma_wait3A_45 = arith.constant 0 : i32
          %dma_wait3A_46 = tpu.memref_slice %arg4[%arg1, %scan3A_32, %dma_wait3A, %dma_wait3A_45] : memref<16x10x25x80xi32, #tpu.memory_space<hbm>> -> memref<1x1x25x80xi32, #tpu.memory_space<hbm>>
          %dma_wait3A_47 = tpu.memref_squeeze %dma_wait3A_46 : memref<1x1x25x80xi32, #tpu.memory_space<hbm>> -> memref<25x80xi32, #tpu.memory_space<hbm>>
          %dma_wait3A_48 = arith.constant 0 : i32
          %dma_wait3A_49 = arith.constant 0 : i32
          %dma_wait3A_50 = tpu.memref_slice %arg4[%arg1, %scan3A_32, %dma_wait3A_48, %dma_wait3A_49] : memref<16x10x25x80xi32, #tpu.memory_space<hbm>> -> memref<1x1x25x80xi32, #tpu.memory_space<hbm>>
          %dma_wait3A_51 = tpu.memref_squeeze %dma_wait3A_50 : memref<1x1x25x80xi32, #tpu.memory_space<hbm>> -> memref<25x80xi32, #tpu.memory_space<hbm>>
          tpu.wait_dma2 semaphore(%run_scoped3A : memref<!tpu.dma_semaphore, #tpu.memory_space<semaphore_mem>>) src(%dma_wait3A_51 : memref<25x80xi32, #tpu.memory_space<hbm>>) dst(%arg9 : memref<25x80xi32, #tpu.memory_space<vmem>>)
          tpu.yield
        }) : () -> ()
        "tpu.region"() ({
          %run_scoped3A = tpu.sem_alloc : memref<!tpu.dma_semaphore, #tpu.memory_space<semaphore_mem>>
          %dma_start3A = arith.constant 0 : i32
          %dma_start3A_38 = arith.constant 0 : i32
          %dma_start3A_39 = tpu.memref_slice %arg5[%arg1, %scan3A_32, %dma_start3A, %dma_start3A_38] : memref<16x10x25x80xi32, #tpu.memory_space<hbm>> -> memref<1x1x25x80xi32, #tpu.memory_space<hbm>>
          %dma_start3A_40 = tpu.memref_squeeze %dma_start3A_39 : memref<1x1x25x80xi32, #tpu.memory_space<hbm>> -> memref<25x80xi32, #tpu.memory_space<hbm>>
          %dma_start3A_41 = arith.constant 0 : i32
          %dma_start3A_42 = arith.constant 0 : i32
          %dma_start3A_43 = tpu.memref_slice %arg5[%arg1, %scan3A_32, %dma_start3A_41, %dma_start3A_42] : memref<16x10x25x80xi32, #tpu.memory_space<hbm>> -> memref<1x1x25x80xi32, #tpu.memory_space<hbm>>
          %dma_start3A_44 = tpu.memref_squeeze %dma_start3A_43 : memref<1x1x25x80xi32, #tpu.memory_space<hbm>> -> memref<25x80xi32, #tpu.memory_space<hbm>>
          tpu.enqueue_dma source(%dma_start3A_44 : memref<25x80xi32, #tpu.memory_space<hbm>>) target(%arg10 : memref<25x80xi32, #tpu.memory_space<vmem>>) target_semaphore(%run_scoped3A : memref<!tpu.dma_semaphore, #tpu.memory_space<semaphore_mem>>)
          %dma_wait3A = arith.constant 0 : i32
          %dma_wait3A_45 = arith.constant 0 : i32
          %dma_wait3A_46 = tpu.memref_slice %arg5[%arg1, %scan3A_32, %dma_wait3A, %dma_wait3A_45] : memref<16x10x25x80xi32, #tpu.memory_space<hbm>> -> memref<1x1x25x80xi32, #tpu.memory_space<hbm>>
          %dma_wait3A_47 = tpu.memref_squeeze %dma_wait3A_46 : memref<1x1x25x80xi32, #tpu.memory_space<hbm>> -> memref<25x80xi32, #tpu.memory_space<hbm>>
          %dma_wait3A_48 = arith.constant 0 : i32
          %dma_wait3A_49 = arith.constant 0 : i32
          %dma_wait3A_50 = tpu.memref_slice %arg5[%arg1, %scan3A_32, %dma_wait3A_48, %dma_wait3A_49] : memref<16x10x25x80xi32, #tpu.memory_space<hbm>> -> memref<1x1x25x80xi32, #tpu.memory_space<hbm>>
          %dma_wait3A_51 = tpu.memref_squeeze %dma_wait3A_50 : memref<1x1x25x80xi32, #tpu.memory_space<hbm>> -> memref<25x80xi32, #tpu.memory_space<hbm>>
          tpu.wait_dma2 semaphore(%run_scoped3A : memref<!tpu.dma_semaphore, #tpu.memory_space<semaphore_mem>>) src(%dma_wait3A_51 : memref<25x80xi32, #tpu.memory_space<hbm>>) dst(%arg10 : memref<25x80xi32, #tpu.memory_space<vmem>>)
          tpu.yield
        }) : () -> ()
        %scan3A_33 = arith.constant 0 : i32
        %scan3A_34 = arith.constant 25 : i32
        %scan3A_35 = arith.addi %scan3A_33, %scan3A_34 : i32
        %scan3A_36 = arith.constant 1 : i32
        scf.for %scan3A_38 = %scan3A_33 to %scan3A_35 step %scan3A_36  : i32 {
          %dma_start3A = arith.constant 0 : i32
          %dma_start3A_39 = tpu.memref_slice %arg9[%scan3A_38, %dma_start3A] : memref<25x80xi32, #tpu.memory_space<vmem>> -> memref<1x80xi32, #tpu.memory_space<vmem>>
          %dma_start3A_40 = tpu.memref_squeeze %dma_start3A_39 : memref<1x80xi32, #tpu.memory_space<vmem>> -> memref<80xi32, #tpu.memory_space<vmem>>
          %dma_start3A_41 = arith.constant 0 : i32
          %dma_start3A_42 = arith.constant 0 : i32
          %dma_start3A_43 = tpu.memref_slice %arg2[%dma_start3A_41, %dma_start3A_42] : memref<10000x128xf32, #tpu.memory_space<hbm>> -> memref<10000x128xf32, #tpu.memory_space<hbm>>
          tpu.enqueue_indirect_dma source(%dma_start3A_43 : memref<10000x128xf32, #tpu.memory_space<hbm>>) target(%arg11 : memref<80x128xf32, #tpu.memory_space<vmem>>) offsets(%dma_start3A_40 : memref<80xi32, #tpu.memory_space<vmem>>) semaphore(%arg13 : memref<!tpu.dma_semaphore, #tpu.memory_space<semaphore_mem>>)
          %dma_wait3A = arith.constant 0 : i32
          %dma_wait3A_44 = tpu.memref_slice %arg9[%scan3A_38, %dma_wait3A] : memref<25x80xi32, #tpu.memory_space<vmem>> -> memref<1x80xi32, #tpu.memory_space<vmem>>
          %dma_wait3A_45 = tpu.memref_squeeze %dma_wait3A_44 : memref<1x80xi32, #tpu.memory_space<vmem>> -> memref<80xi32, #tpu.memory_space<vmem>>
          %dma_wait3A_46 = arith.constant 0 : i32
          %dma_wait3A_47 = arith.constant 0 : i32
          %dma_wait3A_48 = tpu.memref_slice %arg2[%dma_wait3A_46, %dma_wait3A_47] : memref<10000x128xf32, #tpu.memory_space<hbm>> -> memref<10000x128xf32, #tpu.memory_space<hbm>>
          tpu.wait_indirect_dma semaphore(%arg13 : memref<!tpu.dma_semaphore, #tpu.memory_space<semaphore_mem>>) src(%dma_wait3A_48 : memref<10000x128xf32, #tpu.memory_space<hbm>>) dst(%arg11 : memref<80x128xf32, #tpu.memory_space<vmem>>)
          "tpu.region"() ({
            %run_scoped3A = tpu.sem_alloc : memref<!tpu.dma_semaphore, #tpu.memory_space<semaphore_mem>>
            %dma_start3A_49 = arith.constant 0 : i32
            %dma_start3A_50 = tpu.memref_slice %arg10[%scan3A_38, %dma_start3A_49] : memref<25x80xi32, #tpu.memory_space<vmem>> -> memref<1x80xi32, #tpu.memory_space<vmem>>
            %dma_start3A_51 = tpu.memref_squeeze %dma_start3A_50 : memref<1x80xi32, #tpu.memory_space<vmem>> -> memref<80xi32, #tpu.memory_space<vmem>>
            %dma_start3A_52 = arith.constant 0 : i32
            %dma_start3A_53 = arith.constant 0 : i32
            %dma_start3A_54 = tpu.memref_slice %arg12[%dma_start3A_52, %dma_start3A_53] : memref<10000x128xf32, #tpu.memory_space<vmem_shared>> -> memref<10000x128xf32, #tpu.memory_space<vmem_shared>>
            tpu.enqueue_indirect_dma source(%arg11 : memref<80x128xf32, #tpu.memory_space<vmem>>) target(%dma_start3A_54 : memref<10000x128xf32, #tpu.memory_space<vmem_shared>>) offsets(%dma_start3A_51 : memref<80xi32, #tpu.memory_space<vmem>>) semaphore(%run_scoped3A : memref<!tpu.dma_semaphore, #tpu.memory_space<semaphore_mem>>) {add = true}
            %dma_wait3A_55 = arith.constant 0 : i32
            %dma_wait3A_56 = tpu.memref_slice %arg10[%scan3A_38, %dma_wait3A_55] : memref<25x80xi32, #tpu.memory_space<vmem>> -> memref<1x80xi32, #tpu.memory_space<vmem>>
            %dma_wait3A_57 = tpu.memref_squeeze %dma_wait3A_56 : memref<1x80xi32, #tpu.memory_space<vmem>> -> memref<80xi32, #tpu.memory_space<vmem>>
            %dma_wait3A_58 = arith.constant 0 : i32
            %dma_wait3A_59 = arith.constant 0 : i32
            %dma_wait3A_60 = tpu.memref_slice %arg12[%dma_wait3A_58, %dma_wait3A_59] : memref<10000x128xf32, #tpu.memory_space<vmem_shared>> -> memref<10000x128xf32, #tpu.memory_space<vmem_shared>>
            tpu.wait_indirect_dma semaphore(%run_scoped3A : memref<!tpu.dma_semaphore, #tpu.memory_space<semaphore_mem>>) src(%arg11 : memref<80x128xf32, #tpu.memory_space<vmem>>) dst(%dma_wait3A_60 : memref<10000x128xf32, #tpu.memory_space<vmem_shared>>)
            tpu.yield
          }) : () -> ()
        }
        %scan3A_37 = arith.constant 25 : i32
      }
      %scan3A_20 = arith.constant 10 : i32
      %barrier3A_21 = arith.constant 0 : index
      tpu.barrier barrier_id(%barrier3A_21)
      %lt3A_22 = arith.constant 15 : i32
      %lt3A_23 = arith.cmpi slt, %arg1, %lt3A_22 : i32
      %convert_element_type3A_24 = arith.extui %lt3A_23 : i1 to i32
      %cond3A_25 = arith.constant 0 : i32
      %cond3A_26 = arith.cmpi ne, %convert_element_type3A_24, %cond3A_25 : i32
      scf.if %cond3A_26 {
        %mul3A = arith.constant 624 : i32
        %mul3A_32 = arith.muli %arg1, %mul3A : i32
        %mul3A_33 = arith.constant 624 : i32
        %mul3A_34 = arith.muli %arg1, %mul3A_33 : i32
        "tpu.region"() ({
          %run_scoped3A = tpu.sem_alloc : memref<!tpu.dma_semaphore, #tpu.memory_space<semaphore_mem>>
          %dma_start3A = arith.constant 0 : i32
          %dma_start3A_35 = tpu.memref_slice %arg7[%mul3A_34, %dma_start3A] : memref<10000x128xf32, #tpu.memory_space<hbm>> -> memref<624x128xf32, #tpu.memory_space<hbm>>
          %dma_start3A_36 = arith.constant 0 : i32
          %dma_start3A_37 = tpu.memref_slice %arg12[%mul3A_32, %dma_start3A_36] : memref<10000x128xf32, #tpu.memory_space<vmem_shared>> -> memref<624x128xf32, #tpu.memory_space<vmem_shared>>
          tpu.enqueue_dma source(%dma_start3A_37 : memref<624x128xf32, #tpu.memory_space<vmem_shared>>) target(%dma_start3A_35 : memref<624x128xf32, #tpu.memory_space<hbm>>) target_semaphore(%run_scoped3A : memref<!tpu.dma_semaphore, #tpu.memory_space<semaphore_mem>>)
          %dma_wait3A = arith.constant 0 : i32
          %dma_wait3A_38 = tpu.memref_slice %arg7[%mul3A_34, %dma_wait3A] : memref<10000x128xf32, #tpu.memory_space<hbm>> -> memref<624x128xf32, #tpu.memory_space<hbm>>
          %dma_wait3A_39 = arith.constant 0 : i32
          %dma_wait3A_40 = tpu.memref_slice %arg12[%mul3A_32, %dma_wait3A_39] : memref<10000x128xf32, #tpu.memory_space<vmem_shared>> -> memref<624x128xf32, #tpu.memory_space<vmem_shared>>
          tpu.wait_dma2 semaphore(%run_scoped3A : memref<!tpu.dma_semaphore, #tpu.memory_space<semaphore_mem>>) src(%dma_wait3A_40 : memref<624x128xf32, #tpu.memory_space<vmem_shared>>) dst(%dma_wait3A_38 : memref<624x128xf32, #tpu.memory_space<hbm>>)
          tpu.yield
        }) : () -> ()
      } else {
      }
      %eq3A_27 = arith.constant 15 : i32
      %eq3A_28 = arith.cmpi eq, %arg1, %eq3A_27 : i32
      %convert_element_type3A_29 = arith.extui %eq3A_28 : i1 to i32
      %cond3A_30 = arith.constant 0 : i32
      %cond3A_31 = arith.cmpi ne, %convert_element_type3A_29, %cond3A_30 : i32
      scf.if %cond3A_31 {
        "tpu.region"() ({
          %run_scoped3A = tpu.sem_alloc : memref<!tpu.dma_semaphore, #tpu.memory_space<semaphore_mem>>
          %dma_start3A = arith.constant 9360 : i32
          %dma_start3A_32 = arith.constant 0 : i32
          %dma_start3A_33 = tpu.memref_slice %arg7[%dma_start3A, %dma_start3A_32] : memref<10000x128xf32, #tpu.memory_space<hbm>> -> memref<640x128xf32, #tpu.memory_space<hbm>>
          %dma_start3A_34 = arith.constant 9360 : i32
          %dma_start3A_35 = arith.constant 0 : i32
          %dma_start3A_36 = tpu.memref_slice %arg12[%dma_start3A_34, %dma_start3A_35] : memref<10000x128xf32, #tpu.memory_space<vmem_shared>> -> memref<640x128xf32, #tpu.memory_space<vmem_shared>>
          tpu.enqueue_dma source(%dma_start3A_36 : memref<640x128xf32, #tpu.memory_space<vmem_shared>>) target(%dma_start3A_33 : memref<640x128xf32, #tpu.memory_space<hbm>>) target_semaphore(%run_scoped3A : memref<!tpu.dma_semaphore, #tpu.memory_space<semaphore_mem>>)
          %dma_wait3A = arith.constant 9360 : i32
          %dma_wait3A_37 = arith.constant 0 : i32
          %dma_wait3A_38 = tpu.memref_slice %arg7[%dma_wait3A, %dma_wait3A_37] : memref<10000x128xf32, #tpu.memory_space<hbm>> -> memref<640x128xf32, #tpu.memory_space<hbm>>
          %dma_wait3A_39 = arith.constant 9360 : i32
          %dma_wait3A_40 = arith.constant 0 : i32
          %dma_wait3A_41 = tpu.memref_slice %arg12[%dma_wait3A_39, %dma_wait3A_40] : memref<10000x128xf32, #tpu.memory_space<vmem_shared>> -> memref<640x128xf32, #tpu.memory_space<vmem_shared>>
          tpu.wait_dma2 semaphore(%run_scoped3A : memref<!tpu.dma_semaphore, #tpu.memory_space<semaphore_mem>>) src(%dma_wait3A_41 : memref<640x128xf32, #tpu.memory_space<vmem_shared>>) dst(%dma_wait3A_38 : memref<640x128xf32, #tpu.memory_space<hbm>>)
          tpu.yield
        }) : () -> ()
      } else {
      }
    } else {
    }
    %eq3A_11 = arith.constant 1 : i32
    %eq3A_12 = arith.cmpi eq, %arg0, %eq3A_11 : i32
    %convert_element_type3A_13 = arith.extui %eq3A_12 : i1 to i32
    %cond3A_14 = arith.constant 0 : i32
    %cond3A_15 = arith.cmpi ne, %convert_element_type3A_13, %cond3A_14 : i32
    scf.if %cond3A_15 {
      %scan3A = arith.constant 0 : i32
      %scan3A_16 = arith.constant 0 : i32
      %scan3A_17 = arith.constant 10 : i32
      %scan3A_18 = arith.addi %scan3A_16, %scan3A_17 : i32
      %scan3A_19 = arith.constant 1 : i32
      scf.for %scan3A_32 = %scan3A_16 to %scan3A_18 step %scan3A_19  : i32 {
        "tpu.region"() ({
          %run_scoped3A = tpu.sem_alloc : memref<!tpu.dma_semaphore, #tpu.memory_space<semaphore_mem>>
          %dma_start3A = arith.constant 0 : i32
          %dma_start3A_38 = arith.constant 0 : i32
          %dma_start3A_39 = tpu.memref_slice %arg4[%arg1, %scan3A_32, %dma_start3A, %dma_start3A_38] : memref<16x10x25x80xi32, #tpu.memory_space<hbm>> -> memref<1x1x25x80xi32, #tpu.memory_space<hbm>>
          %dma_start3A_40 = tpu.memref_squeeze %dma_start3A_39 : memref<1x1x25x80xi32, #tpu.memory_space<hbm>> -> memref<25x80xi32, #tpu.memory_space<hbm>>
          %dma_start3A_41 = arith.constant 0 : i32
          %dma_start3A_42 = arith.constant 0 : i32
          %dma_start3A_43 = tpu.memref_slice %arg4[%arg1, %scan3A_32, %dma_start3A_41, %dma_start3A_42] : memref<16x10x25x80xi32, #tpu.memory_space<hbm>> -> memref<1x1x25x80xi32, #tpu.memory_space<hbm>>
          %dma_start3A_44 = tpu.memref_squeeze %dma_start3A_43 : memref<1x1x25x80xi32, #tpu.memory_space<hbm>> -> memref<25x80xi32, #tpu.memory_space<hbm>>
          tpu.enqueue_dma source(%dma_start3A_44 : memref<25x80xi32, #tpu.memory_space<hbm>>) target(%arg9 : memref<25x80xi32, #tpu.memory_space<vmem>>) target_semaphore(%run_scoped3A : memref<!tpu.dma_semaphore, #tpu.memory_space<semaphore_mem>>)
          %dma_wait3A = arith.constant 0 : i32
          %dma_wait3A_45 = arith.constant 0 : i32
          %dma_wait3A_46 = tpu.memref_slice %arg4[%arg1, %scan3A_32, %dma_wait3A, %dma_wait3A_45] : memref<16x10x25x80xi32, #tpu.memory_space<hbm>> -> memref<1x1x25x80xi32, #tpu.memory_space<hbm>>
          %dma_wait3A_47 = tpu.memref_squeeze %dma_wait3A_46 : memref<1x1x25x80xi32, #tpu.memory_space<hbm>> -> memref<25x80xi32, #tpu.memory_space<hbm>>
          %dma_wait3A_48 = arith.constant 0 : i32
          %dma_wait3A_49 = arith.constant 0 : i32
          %dma_wait3A_50 = tpu.memref_slice %arg4[%arg1, %scan3A_32, %dma_wait3A_48, %dma_wait3A_49] : memref<16x10x25x80xi32, #tpu.memory_space<hbm>> -> memref<1x1x25x80xi32, #tpu.memory_space<hbm>>
          %dma_wait3A_51 = tpu.memref_squeeze %dma_wait3A_50 : memref<1x1x25x80xi32, #tpu.memory_space<hbm>> -> memref<25x80xi32, #tpu.memory_space<hbm>>
          tpu.wait_dma2 semaphore(%run_scoped3A : memref<!tpu.dma_semaphore, #tpu.memory_space<semaphore_mem>>) src(%dma_wait3A_51 : memref<25x80xi32, #tpu.memory_space<hbm>>) dst(%arg9 : memref<25x80xi32, #tpu.memory_space<vmem>>)
          tpu.yield
        }) : () -> ()
        "tpu.region"() ({
          %run_scoped3A = tpu.sem_alloc : memref<!tpu.dma_semaphore, #tpu.memory_space<semaphore_mem>>
          %dma_start3A = arith.constant 0 : i32
          %dma_start3A_38 = arith.constant 0 : i32
          %dma_start3A_39 = tpu.memref_slice %arg5[%arg1, %scan3A_32, %dma_start3A, %dma_start3A_38] : memref<16x10x25x80xi32, #tpu.memory_space<hbm>> -> memref<1x1x25x80xi32, #tpu.memory_space<hbm>>
          %dma_start3A_40 = tpu.memref_squeeze %dma_start3A_39 : memref<1x1x25x80xi32, #tpu.memory_space<hbm>> -> memref<25x80xi32, #tpu.memory_space<hbm>>
          %dma_start3A_41 = arith.constant 0 : i32
          %dma_start3A_42 = arith.constant 0 : i32
          %dma_start3A_43 = tpu.memref_slice %arg5[%arg1, %scan3A_32, %dma_start3A_41, %dma_start3A_42] : memref<16x10x25x80xi32, #tpu.memory_space<hbm>> -> memref<1x1x25x80xi32, #tpu.memory_space<hbm>>
          %dma_start3A_44 = tpu.memref_squeeze %dma_start3A_43 : memref<1x1x25x80xi32, #tpu.memory_space<hbm>> -> memref<25x80xi32, #tpu.memory_space<hbm>>
          tpu.enqueue_dma source(%dma_start3A_44 : memref<25x80xi32, #tpu.memory_space<hbm>>) target(%arg10 : memref<25x80xi32, #tpu.memory_space<vmem>>) target_semaphore(%run_scoped3A : memref<!tpu.dma_semaphore, #tpu.memory_space<semaphore_mem>>)
          %dma_wait3A = arith.constant 0 : i32
          %dma_wait3A_45 = arith.constant 0 : i32
          %dma_wait3A_46 = tpu.memref_slice %arg5[%arg1, %scan3A_32, %dma_wait3A, %dma_wait3A_45] : memref<16x10x25x80xi32, #tpu.memory_space<hbm>> -> memref<1x1x25x80xi32, #tpu.memory_space<hbm>>
          %dma_wait3A_47 = tpu.memref_squeeze %dma_wait3A_46 : memref<1x1x25x80xi32, #tpu.memory_space<hbm>> -> memref<25x80xi32, #tpu.memory_space<hbm>>
          %dma_wait3A_48 = arith.constant 0 : i32
          %dma_wait3A_49 = arith.constant 0 : i32
          %dma_wait3A_50 = tpu.memref_slice %arg5[%arg1, %scan3A_32, %dma_wait3A_48, %dma_wait3A_49] : memref<16x10x25x80xi32, #tpu.memory_space<hbm>> -> memref<1x1x25x80xi32, #tpu.memory_space<hbm>>
          %dma_wait3A_51 = tpu.memref_squeeze %dma_wait3A_50 : memref<1x1x25x80xi32, #tpu.memory_space<hbm>> -> memref<25x80xi32, #tpu.memory_space<hbm>>
          tpu.wait_dma2 semaphore(%run_scoped3A : memref<!tpu.dma_semaphore, #tpu.memory_space<semaphore_mem>>) src(%dma_wait3A_51 : memref<25x80xi32, #tpu.memory_space<hbm>>) dst(%arg10 : memref<25x80xi32, #tpu.memory_space<vmem>>)
          tpu.yield
        }) : () -> ()
        %scan3A_33 = arith.constant 0 : i32
        %scan3A_34 = arith.constant 25 : i32
        %scan3A_35 = arith.addi %scan3A_33, %scan3A_34 : i32
        %scan3A_36 = arith.constant 1 : i32
        scf.for %scan3A_38 = %scan3A_33 to %scan3A_35 step %scan3A_36  : i32 {
          %dma_start3A = arith.constant 0 : i32
          %dma_start3A_39 = tpu.memref_slice %arg9[%scan3A_38, %dma_start3A] : memref<25x80xi32, #tpu.memory_space<vmem>> -> memref<1x80xi32, #tpu.memory_space<vmem>>
          %dma_start3A_40 = tpu.memref_squeeze %dma_start3A_39 : memref<1x80xi32, #tpu.memory_space<vmem>> -> memref<80xi32, #tpu.memory_space<vmem>>
          %dma_start3A_41 = arith.constant 0 : i32
          %dma_start3A_42 = arith.constant 0 : i32
          %dma_start3A_43 = tpu.memref_slice %arg3[%dma_start3A_41, %dma_start3A_42] : memref<10000x128xf32, #tpu.memory_space<hbm>> -> memref<10000x128xf32, #tpu.memory_space<hbm>>
          tpu.enqueue_indirect_dma source(%dma_start3A_43 : memref<10000x128xf32, #tpu.memory_space<hbm>>) target(%arg11 : memref<80x128xf32, #tpu.memory_space<vmem>>) offsets(%dma_start3A_40 : memref<80xi32, #tpu.memory_space<vmem>>) semaphore(%arg13 : memref<!tpu.dma_semaphore, #tpu.memory_space<semaphore_mem>>)
          %dma_wait3A = arith.constant 0 : i32
          %dma_wait3A_44 = tpu.memref_slice %arg9[%scan3A_38, %dma_wait3A] : memref<25x80xi32, #tpu.memory_space<vmem>> -> memref<1x80xi32, #tpu.memory_space<vmem>>
          %dma_wait3A_45 = tpu.memref_squeeze %dma_wait3A_44 : memref<1x80xi32, #tpu.memory_space<vmem>> -> memref<80xi32, #tpu.memory_space<vmem>>
          %dma_wait3A_46 = arith.constant 0 : i32
          %dma_wait3A_47 = arith.constant 0 : i32
          %dma_wait3A_48 = tpu.memref_slice %arg3[%dma_wait3A_46, %dma_wait3A_47] : memref<10000x128xf32, #tpu.memory_space<hbm>> -> memref<10000x128xf32, #tpu.memory_space<hbm>>
          tpu.wait_indirect_dma semaphore(%arg13 : memref<!tpu.dma_semaphore, #tpu.memory_space<semaphore_mem>>) src(%dma_wait3A_48 : memref<10000x128xf32, #tpu.memory_space<hbm>>) dst(%arg11 : memref<80x128xf32, #tpu.memory_space<vmem>>)
          "tpu.region"() ({
            %run_scoped3A = tpu.sem_alloc : memref<!tpu.dma_semaphore, #tpu.memory_space<semaphore_mem>>
            %dma_start3A_49 = arith.constant 0 : i32
            %dma_start3A_50 = tpu.memref_slice %arg10[%scan3A_38, %dma_start3A_49] : memref<25x80xi32, #tpu.memory_space<vmem>> -> memref<1x80xi32, #tpu.memory_space<vmem>>
            %dma_start3A_51 = tpu.memref_squeeze %dma_start3A_50 : memref<1x80xi32, #tpu.memory_space<vmem>> -> memref<80xi32, #tpu.memory_space<vmem>>
            %dma_start3A_52 = arith.constant 0 : i32
            %dma_start3A_53 = arith.constant 0 : i32
            %dma_start3A_54 = tpu.memref_slice %arg12[%dma_start3A_52, %dma_start3A_53] : memref<10000x128xf32, #tpu.memory_space<vmem_shared>> -> memref<10000x128xf32, #tpu.memory_space<vmem_shared>>
            tpu.enqueue_indirect_dma source(%arg11 : memref<80x128xf32, #tpu.memory_space<vmem>>) target(%dma_start3A_54 : memref<10000x128xf32, #tpu.memory_space<vmem_shared>>) offsets(%dma_start3A_51 : memref<80xi32, #tpu.memory_space<vmem>>) semaphore(%run_scoped3A : memref<!tpu.dma_semaphore, #tpu.memory_space<semaphore_mem>>) {add = true}
            %dma_wait3A_55 = arith.constant 0 : i32
            %dma_wait3A_56 = tpu.memref_slice %arg10[%scan3A_38, %dma_wait3A_55] : memref<25x80xi32, #tpu.memory_space<vmem>> -> memref<1x80xi32, #tpu.memory_space<vmem>>
            %dma_wait3A_57 = tpu.memref_squeeze %dma_wait3A_56 : memref<1x80xi32, #tpu.memory_space<vmem>> -> memref<80xi32, #tpu.memory_space<vmem>>
            %dma_wait3A_58 = arith.constant 0 : i32
            %dma_wait3A_59 = arith.constant 0 : i32
            %dma_wait3A_60 = tpu.memref_slice %arg12[%dma_wait3A_58, %dma_wait3A_59] : memref<10000x128xf32, #tpu.memory_space<vmem_shared>> -> memref<10000x128xf32, #tpu.memory_space<vmem_shared>>
            tpu.wait_indirect_dma semaphore(%run_scoped3A : memref<!tpu.dma_semaphore, #tpu.memory_space<semaphore_mem>>) src(%arg11 : memref<80x128xf32, #tpu.memory_space<vmem>>) dst(%dma_wait3A_60 : memref<10000x128xf32, #tpu.memory_space<vmem_shared>>)
            tpu.yield
          }) : () -> ()
        }
        %scan3A_37 = arith.constant 25 : i32
      }
      %scan3A_20 = arith.constant 10 : i32
      %barrier3A_21 = arith.constant 0 : index
      tpu.barrier barrier_id(%barrier3A_21)
      %lt3A_22 = arith.constant 15 : i32
      %lt3A_23 = arith.cmpi slt, %arg1, %lt3A_22 : i32
      %convert_element_type3A_24 = arith.extui %lt3A_23 : i1 to i32
      %cond3A_25 = arith.constant 0 : i32
      %cond3A_26 = arith.cmpi ne, %convert_element_type3A_24, %cond3A_25 : i32
      scf.if %cond3A_26 {
        %mul3A = arith.constant 624 : i32
        %mul3A_32 = arith.muli %arg1, %mul3A : i32
        %mul3A_33 = arith.constant 624 : i32
        %mul3A_34 = arith.muli %arg1, %mul3A_33 : i32
        "tpu.region"() ({
          %run_scoped3A = tpu.sem_alloc : memref<!tpu.dma_semaphore, #tpu.memory_space<semaphore_mem>>
          %dma_start3A = arith.constant 0 : i32
          %dma_start3A_35 = tpu.memref_slice %arg8[%mul3A_34, %dma_start3A] : memref<10000x128xf32, #tpu.memory_space<hbm>> -> memref<624x128xf32, #tpu.memory_space<hbm>>
          %dma_start3A_36 = arith.constant 0 : i32
          %dma_start3A_37 = tpu.memref_slice %arg12[%mul3A_32, %dma_start3A_36] : memref<10000x128xf32, #tpu.memory_space<vmem_shared>> -> memref<624x128xf32, #tpu.memory_space<vmem_shared>>
          tpu.enqueue_dma source(%dma_start3A_37 : memref<624x128xf32, #tpu.memory_space<vmem_shared>>) target(%dma_start3A_35 : memref<624x128xf32, #tpu.memory_space<hbm>>) target_semaphore(%run_scoped3A : memref<!tpu.dma_semaphore, #tpu.memory_space<semaphore_mem>>)
          %dma_wait3A = arith.constant 0 : i32
          %dma_wait3A_38 = tpu.memref_slice %arg8[%mul3A_34, %dma_wait3A] : memref<10000x128xf32, #tpu.memory_space<hbm>> -> memref<624x128xf32, #tpu.memory_space<hbm>>
          %dma_wait3A_39 = arith.constant 0 : i32
          %dma_wait3A_40 = tpu.memref_slice %arg12[%mul3A_32, %dma_wait3A_39] : memref<10000x128xf32, #tpu.memory_space<vmem_shared>> -> memref<624x128xf32, #tpu.memory_space<vmem_shared>>
          tpu.wait_dma2 semaphore(%run_scoped3A : memref<!tpu.dma_semaphore, #tpu.memory_space<semaphore_mem>>) src(%dma_wait3A_40 : memref<624x128xf32, #tpu.memory_space<vmem_shared>>) dst(%dma_wait3A_38 : memref<624x128xf32, #tpu.memory_space<hbm>>)
          tpu.yield
        }) : () -> ()
      } else {
      }
      %eq3A_27 = arith.constant 15 : i32
      %eq3A_28 = arith.cmpi eq, %arg1, %eq3A_27 : i32
      %convert_element_type3A_29 = arith.extui %eq3A_28 : i1 to i32
      %cond3A_30 = arith.constant 0 : i32
      %cond3A_31 = arith.cmpi ne, %convert_element_type3A_29, %cond3A_30 : i32
      scf.if %cond3A_31 {
        "tpu.region"() ({
          %run_scoped3A = tpu.sem_alloc : memref<!tpu.dma_semaphore, #tpu.memory_space<semaphore_mem>>
          %dma_start3A = arith.constant 9360 : i32
          %dma_start3A_32 = arith.constant 0 : i32
          %dma_start3A_33 = tpu.memref_slice %arg8[%dma_start3A, %dma_start3A_32] : memref<10000x128xf32, #tpu.memory_space<hbm>> -> memref<640x128xf32, #tpu.memory_space<hbm>>
          %dma_start3A_34 = arith.constant 9360 : i32
          %dma_start3A_35 = arith.constant 0 : i32
          %dma_start3A_36 = tpu.memref_slice %arg12[%dma_start3A_34, %dma_start3A_35] : memref<10000x128xf32, #tpu.memory_space<vmem_shared>> -> memref<640x128xf32, #tpu.memory_space<vmem_shared>>
          tpu.enqueue_dma source(%dma_start3A_36 : memref<640x128xf32, #tpu.memory_space<vmem_shared>>) target(%dma_start3A_33 : memref<640x128xf32, #tpu.memory_space<hbm>>) target_semaphore(%run_scoped3A : memref<!tpu.dma_semaphore, #tpu.memory_space<semaphore_mem>>)
          %dma_wait3A = arith.constant 9360 : i32
          %dma_wait3A_37 = arith.constant 0 : i32
          %dma_wait3A_38 = tpu.memref_slice %arg8[%dma_wait3A, %dma_wait3A_37] : memref<10000x128xf32, #tpu.memory_space<hbm>> -> memref<640x128xf32, #tpu.memory_space<hbm>>
          %dma_wait3A_39 = arith.constant 9360 : i32
          %dma_wait3A_40 = arith.constant 0 : i32
          %dma_wait3A_41 = tpu.memref_slice %arg12[%dma_wait3A_39, %dma_wait3A_40] : memref<10000x128xf32, #tpu.memory_space<vmem_shared>> -> memref<640x128xf32, #tpu.memory_space<vmem_shared>>
          tpu.wait_dma2 semaphore(%run_scoped3A : memref<!tpu.dma_semaphore, #tpu.memory_space<semaphore_mem>>) src(%dma_wait3A_41 : memref<640x128xf32, #tpu.memory_space<vmem_shared>>) dst(%dma_wait3A_38 : memref<640x128xf32, #tpu.memory_space<hbm>>)
          tpu.yield
        }) : () -> ()
      } else {
      }
    } else {
    }
    return
  }
}

#map = affine_map<(d0, d1) -> (0, 0)>
#map1 = affine_map<(d0, d1) -> (0, 0, 0)>
module attributes {stable_mosaic.version = 14 : i64} {
  func.func @body(%arg0: i32, %arg1: i32, %arg2: memref<10000x256xf32, #tpu.memory_space<hbm>>, %arg3: memref<10000x256xf32, #tpu.memory_space<hbm>>, %arg4: memref<32x125x80xi32, #tpu.memory_space<hbm>>, %arg5: memref<32x125x80xi32, #tpu.memory_space<hbm>>, %arg6: memref<320000x256xf32, #tpu.memory_space<hbm>>, %arg7: memref<320000x256xf32, #tpu.memory_space<hbm>>, %arg8: memref<125x80xi32, #tpu.memory_space<vmem>>, %arg9: memref<125x80xi32, #tpu.memory_space<vmem>>, %arg10: memref<80x256xf32, #tpu.memory_space<vmem>>, %arg11: memref<!tpu.dma_semaphore, #tpu.memory_space<semaphore_mem>>) attributes {dimension_semantics = [#tpu.dimension_semantics<core_parallel>, #tpu.dimension_semantics<subcore_parallel>], iteration_bounds = array<i64: 2, 16>, scalar_prefetch = 0 : i64, scratch_operands = 4 : i64, tpu.core_type = #tpu.core_type<sc_vector_subcore>, window_params = [{transform_indices = #map}, {transform_indices = #map}, {transform_indices = #map1}, {transform_indices = #map1}, {transform_indices = #map}, {transform_indices = #map}]} {
    %mul3A = arith.constant 16 : i32
    %mul3A_0 = arith.muli %arg0, %mul3A : i32
    %add3A = arith.addi %mul3A_0, %arg1 : i32
    "tpu.region"() ({
      %run_scoped3A = tpu.sem_alloc : memref<!tpu.dma_semaphore, #tpu.memory_space<semaphore_mem>>
      %dma_start3A = arith.constant 0 : i32
      %dma_start3A_6 = arith.constant 0 : i32
      %dma_start3A_7 = tpu.memref_slice %arg4[%add3A, %dma_start3A, %dma_start3A_6] : memref<32x125x80xi32, #tpu.memory_space<hbm>> -> memref<1x125x80xi32, #tpu.memory_space<hbm>>
      %dma_start3A_8 = tpu.memref_squeeze %dma_start3A_7 : memref<1x125x80xi32, #tpu.memory_space<hbm>> -> memref<125x80xi32, #tpu.memory_space<hbm>>
      %dma_start3A_9 = arith.constant 0 : i32
      %dma_start3A_10 = arith.constant 0 : i32
      %dma_start3A_11 = tpu.memref_slice %arg4[%add3A, %dma_start3A_9, %dma_start3A_10] : memref<32x125x80xi32, #tpu.memory_space<hbm>> -> memref<1x125x80xi32, #tpu.memory_space<hbm>>
      %dma_start3A_12 = tpu.memref_squeeze %dma_start3A_11 : memref<1x125x80xi32, #tpu.memory_space<hbm>> -> memref<125x80xi32, #tpu.memory_space<hbm>>
      tpu.enqueue_dma source(%dma_start3A_12 : memref<125x80xi32, #tpu.memory_space<hbm>>) target(%arg8 : memref<125x80xi32, #tpu.memory_space<vmem>>) target_semaphore(%run_scoped3A : memref<!tpu.dma_semaphore, #tpu.memory_space<semaphore_mem>>)
      %dma_wait3A = arith.constant 0 : i32
      %dma_wait3A_13 = arith.constant 0 : i32
      %dma_wait3A_14 = tpu.memref_slice %arg4[%add3A, %dma_wait3A, %dma_wait3A_13] : memref<32x125x80xi32, #tpu.memory_space<hbm>> -> memref<1x125x80xi32, #tpu.memory_space<hbm>>
      %dma_wait3A_15 = tpu.memref_squeeze %dma_wait3A_14 : memref<1x125x80xi32, #tpu.memory_space<hbm>> -> memref<125x80xi32, #tpu.memory_space<hbm>>
      %dma_wait3A_16 = arith.constant 0 : i32
      %dma_wait3A_17 = arith.constant 0 : i32
      %dma_wait3A_18 = tpu.memref_slice %arg4[%add3A, %dma_wait3A_16, %dma_wait3A_17] : memref<32x125x80xi32, #tpu.memory_space<hbm>> -> memref<1x125x80xi32, #tpu.memory_space<hbm>>
      %dma_wait3A_19 = tpu.memref_squeeze %dma_wait3A_18 : memref<1x125x80xi32, #tpu.memory_space<hbm>> -> memref<125x80xi32, #tpu.memory_space<hbm>>
      tpu.wait_dma2 semaphore(%run_scoped3A : memref<!tpu.dma_semaphore, #tpu.memory_space<semaphore_mem>>) src(%dma_wait3A_19 : memref<125x80xi32, #tpu.memory_space<hbm>>) dst(%arg8 : memref<125x80xi32, #tpu.memory_space<vmem>>)
      tpu.yield
    }) : () -> ()
    "tpu.region"() ({
      %run_scoped3A = tpu.sem_alloc : memref<!tpu.dma_semaphore, #tpu.memory_space<semaphore_mem>>
      %dma_start3A = arith.constant 0 : i32
      %dma_start3A_6 = arith.constant 0 : i32
      %dma_start3A_7 = tpu.memref_slice %arg5[%add3A, %dma_start3A, %dma_start3A_6] : memref<32x125x80xi32, #tpu.memory_space<hbm>> -> memref<1x125x80xi32, #tpu.memory_space<hbm>>
      %dma_start3A_8 = tpu.memref_squeeze %dma_start3A_7 : memref<1x125x80xi32, #tpu.memory_space<hbm>> -> memref<125x80xi32, #tpu.memory_space<hbm>>
      %dma_start3A_9 = arith.constant 0 : i32
      %dma_start3A_10 = arith.constant 0 : i32
      %dma_start3A_11 = tpu.memref_slice %arg5[%add3A, %dma_start3A_9, %dma_start3A_10] : memref<32x125x80xi32, #tpu.memory_space<hbm>> -> memref<1x125x80xi32, #tpu.memory_space<hbm>>
      %dma_start3A_12 = tpu.memref_squeeze %dma_start3A_11 : memref<1x125x80xi32, #tpu.memory_space<hbm>> -> memref<125x80xi32, #tpu.memory_space<hbm>>
      tpu.enqueue_dma source(%dma_start3A_12 : memref<125x80xi32, #tpu.memory_space<hbm>>) target(%arg9 : memref<125x80xi32, #tpu.memory_space<vmem>>) target_semaphore(%run_scoped3A : memref<!tpu.dma_semaphore, #tpu.memory_space<semaphore_mem>>)
      %dma_wait3A = arith.constant 0 : i32
      %dma_wait3A_13 = arith.constant 0 : i32
      %dma_wait3A_14 = tpu.memref_slice %arg5[%add3A, %dma_wait3A, %dma_wait3A_13] : memref<32x125x80xi32, #tpu.memory_space<hbm>> -> memref<1x125x80xi32, #tpu.memory_space<hbm>>
      %dma_wait3A_15 = tpu.memref_squeeze %dma_wait3A_14 : memref<1x125x80xi32, #tpu.memory_space<hbm>> -> memref<125x80xi32, #tpu.memory_space<hbm>>
      %dma_wait3A_16 = arith.constant 0 : i32
      %dma_wait3A_17 = arith.constant 0 : i32
      %dma_wait3A_18 = tpu.memref_slice %arg5[%add3A, %dma_wait3A_16, %dma_wait3A_17] : memref<32x125x80xi32, #tpu.memory_space<hbm>> -> memref<1x125x80xi32, #tpu.memory_space<hbm>>
      %dma_wait3A_19 = tpu.memref_squeeze %dma_wait3A_18 : memref<1x125x80xi32, #tpu.memory_space<hbm>> -> memref<125x80xi32, #tpu.memory_space<hbm>>
      tpu.wait_dma2 semaphore(%run_scoped3A : memref<!tpu.dma_semaphore, #tpu.memory_space<semaphore_mem>>) src(%dma_wait3A_19 : memref<125x80xi32, #tpu.memory_space<hbm>>) dst(%arg9 : memref<125x80xi32, #tpu.memory_space<vmem>>)
      tpu.yield
    }) : () -> ()
    %scan3A = arith.constant 0 : i32
    %scan3A_1 = arith.constant 0 : i32
    %scan3A_2 = arith.constant 125 : i32
    %scan3A_3 = arith.addi %scan3A_1, %scan3A_2 : i32
    %scan3A_4 = arith.constant 1 : i32
    scf.for %scan3A_6 = %scan3A_1 to %scan3A_3 step %scan3A_4  : i32 {
      %dma_start3A = arith.constant 0 : i32
      %dma_start3A_7 = tpu.memref_slice %arg8[%scan3A_6, %dma_start3A] : memref<125x80xi32, #tpu.memory_space<vmem>> -> memref<1x80xi32, #tpu.memory_space<vmem>>
      %dma_start3A_8 = tpu.memref_squeeze %dma_start3A_7 : memref<1x80xi32, #tpu.memory_space<vmem>> -> memref<80xi32, #tpu.memory_space<vmem>>
      %dma_start3A_9 = arith.constant 0 : i32
      %dma_start3A_10 = arith.constant 0 : i32
      %dma_start3A_11 = tpu.memref_slice %arg2[%dma_start3A_9, %dma_start3A_10] : memref<10000x256xf32, #tpu.memory_space<hbm>> -> memref<10000x256xf32, #tpu.memory_space<hbm>>
      tpu.enqueue_indirect_dma source(%dma_start3A_11 : memref<10000x256xf32, #tpu.memory_space<hbm>>) target(%arg10 : memref<80x256xf32, #tpu.memory_space<vmem>>) offsets(%dma_start3A_8 : memref<80xi32, #tpu.memory_space<vmem>>) semaphore(%arg11 : memref<!tpu.dma_semaphore, #tpu.memory_space<semaphore_mem>>)
      %dma_wait3A = arith.constant 0 : i32
      %dma_wait3A_12 = tpu.memref_slice %arg8[%scan3A_6, %dma_wait3A] : memref<125x80xi32, #tpu.memory_space<vmem>> -> memref<1x80xi32, #tpu.memory_space<vmem>>
      %dma_wait3A_13 = tpu.memref_squeeze %dma_wait3A_12 : memref<1x80xi32, #tpu.memory_space<vmem>> -> memref<80xi32, #tpu.memory_space<vmem>>
      %dma_wait3A_14 = arith.constant 0 : i32
      %dma_wait3A_15 = arith.constant 0 : i32
      %dma_wait3A_16 = tpu.memref_slice %arg2[%dma_wait3A_14, %dma_wait3A_15] : memref<10000x256xf32, #tpu.memory_space<hbm>> -> memref<10000x256xf32, #tpu.memory_space<hbm>>
      tpu.wait_indirect_dma semaphore(%arg11 : memref<!tpu.dma_semaphore, #tpu.memory_space<semaphore_mem>>) src(%dma_wait3A_16 : memref<10000x256xf32, #tpu.memory_space<hbm>>) dst(%arg10 : memref<80x256xf32, #tpu.memory_space<vmem>>)
      %mul3A_17 = arith.constant 10000 : i32
      %mul3A_18 = arith.muli %add3A, %mul3A_17 : i32
      %mul3A_19 = arith.constant 80 : i32
      %mul3A_20 = arith.muli %scan3A_6, %mul3A_19 : i32
      %add3A_21 = arith.addi %mul3A_18, %mul3A_20 : i32
      "tpu.region"() ({
        %run_scoped3A = tpu.sem_alloc : memref<!tpu.dma_semaphore, #tpu.memory_space<semaphore_mem>>
        %dma_start3A_39 = arith.constant 0 : i32
        %dma_start3A_40 = tpu.memref_slice %arg6[%add3A_21, %dma_start3A_39] : memref<320000x256xf32, #tpu.memory_space<hbm>> -> memref<80x256xf32, #tpu.memory_space<hbm>>
        %dma_start3A_41 = arith.constant 0 : i32
        %dma_start3A_42 = tpu.memref_slice %arg6[%add3A_21, %dma_start3A_41] : memref<320000x256xf32, #tpu.memory_space<hbm>> -> memref<80x256xf32, #tpu.memory_space<hbm>>
        tpu.enqueue_dma source(%arg10 : memref<80x256xf32, #tpu.memory_space<vmem>>) target(%dma_start3A_42 : memref<80x256xf32, #tpu.memory_space<hbm>>) target_semaphore(%run_scoped3A : memref<!tpu.dma_semaphore, #tpu.memory_space<semaphore_mem>>)
        %dma_wait3A_43 = arith.constant 0 : i32
        %dma_wait3A_44 = tpu.memref_slice %arg6[%add3A_21, %dma_wait3A_43] : memref<320000x256xf32, #tpu.memory_space<hbm>> -> memref<80x256xf32, #tpu.memory_space<hbm>>
        %dma_wait3A_45 = arith.constant 0 : i32
        %dma_wait3A_46 = tpu.memref_slice %arg6[%add3A_21, %dma_wait3A_45] : memref<320000x256xf32, #tpu.memory_space<hbm>> -> memref<80x256xf32, #tpu.memory_space<hbm>>
        tpu.wait_dma2 semaphore(%run_scoped3A : memref<!tpu.dma_semaphore, #tpu.memory_space<semaphore_mem>>) src(%arg10 : memref<80x256xf32, #tpu.memory_space<vmem>>) dst(%dma_wait3A_46 : memref<80x256xf32, #tpu.memory_space<hbm>>)
        tpu.yield
      }) : () -> ()
      %dma_start3A_22 = arith.constant 0 : i32
      %dma_start3A_23 = tpu.memref_slice %arg9[%scan3A_6, %dma_start3A_22] : memref<125x80xi32, #tpu.memory_space<vmem>> -> memref<1x80xi32, #tpu.memory_space<vmem>>
      %dma_start3A_24 = tpu.memref_squeeze %dma_start3A_23 : memref<1x80xi32, #tpu.memory_space<vmem>> -> memref<80xi32, #tpu.memory_space<vmem>>
      %dma_start3A_25 = arith.constant 0 : i32
      %dma_start3A_26 = arith.constant 0 : i32
      %dma_start3A_27 = tpu.memref_slice %arg3[%dma_start3A_25, %dma_start3A_26] : memref<10000x256xf32, #tpu.memory_space<hbm>> -> memref<10000x256xf32, #tpu.memory_space<hbm>>
      tpu.enqueue_indirect_dma source(%dma_start3A_27 : memref<10000x256xf32, #tpu.memory_space<hbm>>) target(%arg10 : memref<80x256xf32, #tpu.memory_space<vmem>>) offsets(%dma_start3A_24 : memref<80xi32, #tpu.memory_space<vmem>>) semaphore(%arg11 : memref<!tpu.dma_semaphore, #tpu.memory_space<semaphore_mem>>)
      %dma_wait3A_28 = arith.constant 0 : i32
      %dma_wait3A_29 = tpu.memref_slice %arg9[%scan3A_6, %dma_wait3A_28] : memref<125x80xi32, #tpu.memory_space<vmem>> -> memref<1x80xi32, #tpu.memory_space<vmem>>
      %dma_wait3A_30 = tpu.memref_squeeze %dma_wait3A_29 : memref<1x80xi32, #tpu.memory_space<vmem>> -> memref<80xi32, #tpu.memory_space<vmem>>
      %dma_wait3A_31 = arith.constant 0 : i32
      %dma_wait3A_32 = arith.constant 0 : i32
      %dma_wait3A_33 = tpu.memref_slice %arg3[%dma_wait3A_31, %dma_wait3A_32] : memref<10000x256xf32, #tpu.memory_space<hbm>> -> memref<10000x256xf32, #tpu.memory_space<hbm>>
      tpu.wait_indirect_dma semaphore(%arg11 : memref<!tpu.dma_semaphore, #tpu.memory_space<semaphore_mem>>) src(%dma_wait3A_33 : memref<10000x256xf32, #tpu.memory_space<hbm>>) dst(%arg10 : memref<80x256xf32, #tpu.memory_space<vmem>>)
      %mul3A_34 = arith.constant 10000 : i32
      %mul3A_35 = arith.muli %add3A, %mul3A_34 : i32
      %mul3A_36 = arith.constant 80 : i32
      %mul3A_37 = arith.muli %scan3A_6, %mul3A_36 : i32
      %add3A_38 = arith.addi %mul3A_35, %mul3A_37 : i32
      "tpu.region"() ({
        %run_scoped3A = tpu.sem_alloc : memref<!tpu.dma_semaphore, #tpu.memory_space<semaphore_mem>>
        %dma_start3A_39 = arith.constant 0 : i32
        %dma_start3A_40 = tpu.memref_slice %arg7[%add3A_38, %dma_start3A_39] : memref<320000x256xf32, #tpu.memory_space<hbm>> -> memref<80x256xf32, #tpu.memory_space<hbm>>
        %dma_start3A_41 = arith.constant 0 : i32
        %dma_start3A_42 = tpu.memref_slice %arg7[%add3A_38, %dma_start3A_41] : memref<320000x256xf32, #tpu.memory_space<hbm>> -> memref<80x256xf32, #tpu.memory_space<hbm>>
        tpu.enqueue_dma source(%arg10 : memref<80x256xf32, #tpu.memory_space<vmem>>) target(%dma_start3A_42 : memref<80x256xf32, #tpu.memory_space<hbm>>) target_semaphore(%run_scoped3A : memref<!tpu.dma_semaphore, #tpu.memory_space<semaphore_mem>>)
        %dma_wait3A_43 = arith.constant 0 : i32
        %dma_wait3A_44 = tpu.memref_slice %arg7[%add3A_38, %dma_wait3A_43] : memref<320000x256xf32, #tpu.memory_space<hbm>> -> memref<80x256xf32, #tpu.memory_space<hbm>>
        %dma_wait3A_45 = arith.constant 0 : i32
        %dma_wait3A_46 = tpu.memref_slice %arg7[%add3A_38, %dma_wait3A_45] : memref<320000x256xf32, #tpu.memory_space<hbm>> -> memref<80x256xf32, #tpu.memory_space<hbm>>
        tpu.wait_dma2 semaphore(%run_scoped3A : memref<!tpu.dma_semaphore, #tpu.memory_space<semaphore_mem>>) src(%arg10 : memref<80x256xf32, #tpu.memory_space<vmem>>) dst(%dma_wait3A_46 : memref<80x256xf32, #tpu.memory_space<hbm>>)
        tpu.yield
      }) : () -> ()
    }
    %scan3A_5 = arith.constant 125 : i32
    return
  }
}

#map = affine_map<(d0, d1) -> (0, 0)>
#map1 = affine_map<(d0, d1) -> (0, 0, 0, 0)>
module attributes {stable_mosaic.version = 14 : i64} {
  func.func @body(%arg0: i32, %arg1: i32, %arg2: memref<10000x128xf32, #tpu.memory_space<hbm>>, %arg3: memref<10000x128xf32, #tpu.memory_space<hbm>>, %arg4: memref<16x10x25x80xi32, #tpu.memory_space<hbm>>, %arg5: memref<16x10x25x80xi32, #tpu.memory_space<hbm>>, %arg6: memref<640x128xf32, #tpu.memory_space<hbm>>, %arg7: memref<10000x128xf32, #tpu.memory_space<hbm>>, %arg8: memref<10000x128xf32, #tpu.memory_space<hbm>>, %arg9: memref<25x80xi32, #tpu.memory_space<vmem>>, %arg10: memref<25x80xi32, #tpu.memory_space<vmem>>, %arg11: memref<80x128xf32, #tpu.memory_space<vmem>>, %arg12: memref<10000x128xf32, #tpu.memory_space<vmem_shared>>, %arg13: memref<!tpu.dma_semaphore, #tpu.memory_space<semaphore_mem>>) attributes {dimension_semantics = [#tpu.dimension_semantics<core_parallel>, #tpu.dimension_semantics<subcore_parallel>], iteration_bounds = array<i64: 2, 16>, scalar_prefetch = 0 : i64, scratch_operands = 5 : i64, tpu.core_type = #tpu.core_type<sc_vector_subcore>, window_params = [{transform_indices = #map}, {transform_indices = #map}, {transform_indices = #map1}, {transform_indices = #map1}, {transform_indices = #map}, {transform_indices = #map}, {transform_indices = #map}]} {
    %lt3A = arith.constant 15 : i32
    %lt3A_0 = arith.cmpi slt, %arg1, %lt3A : i32
    %convert_element_type3A = arith.extui %lt3A_0 : i1 to i32
    %cond3A = arith.constant 0 : i32
    %cond3A_1 = arith.cmpi ne, %convert_element_type3A, %cond3A : i32
    scf.if %cond3A_1 {
      %mul3A = arith.constant 624 : i32
      %mul3A_16 = arith.muli %arg1, %mul3A : i32
      "tpu.region"() ({
        %run_scoped3A = tpu.sem_alloc : memref<!tpu.dma_semaphore, #tpu.memory_space<semaphore_mem>>
        %dma_start3A = arith.constant 0 : i32
        %dma_start3A_17 = tpu.memref_slice %arg12[%mul3A_16, %dma_start3A] : memref<10000x128xf32, #tpu.memory_space<vmem_shared>> -> memref<624x128xf32, #tpu.memory_space<vmem_shared>>
        %dma_start3A_18 = arith.constant 0 : i32
        %dma_start3A_19 = arith.constant 0 : i32
        %dma_start3A_20 = tpu.memref_slice %arg6[%dma_start3A_18, %dma_start3A_19] : memref<640x128xf32, #tpu.memory_space<hbm>> -> memref<624x128xf32, #tpu.memory_space<hbm>>
        tpu.enqueue_dma source(%dma_start3A_20 : memref<624x128xf32, #tpu.memory_space<hbm>>) target(%dma_start3A_17 : memref<624x128xf32, #tpu.memory_space<vmem_shared>>) target_semaphore(%run_scoped3A : memref<!tpu.dma_semaphore, #tpu.memory_space<semaphore_mem>>)
        %dma_wait3A = arith.constant 0 : i32
        %dma_wait3A_21 = tpu.memref_slice %arg12[%mul3A_16, %dma_wait3A] : memref<10000x128xf32, #tpu.memory_space<vmem_shared>> -> memref<624x128xf32, #tpu.memory_space<vmem_shared>>
        %dma_wait3A_22 = arith.constant 0 : i32
        %dma_wait3A_23 = arith.constant 0 : i32
        %dma_wait3A_24 = tpu.memref_slice %arg6[%dma_wait3A_22, %dma_wait3A_23] : memref<640x128xf32, #tpu.memory_space<hbm>> -> memref<624x128xf32, #tpu.memory_space<hbm>>
        tpu.wait_dma2 semaphore(%run_scoped3A : memref<!tpu.dma_semaphore, #tpu.memory_space<semaphore_mem>>) src(%dma_wait3A_24 : memref<624x128xf32, #tpu.memory_space<hbm>>) dst(%dma_wait3A_21 : memref<624x128xf32, #tpu.memory_space<vmem_shared>>)
        tpu.yield
      }) : () -> ()
    } else {
    }
    %eq3A = arith.constant 15 : i32
    %eq3A_2 = arith.cmpi eq, %arg1, %eq3A : i32
    %convert_element_type3A_3 = arith.extui %eq3A_2 : i1 to i32
    %cond3A_4 = arith.constant 0 : i32
    %cond3A_5 = arith.cmpi ne, %convert_element_type3A_3, %cond3A_4 : i32
    scf.if %cond3A_5 {
      "tpu.region"() ({
        %run_scoped3A = tpu.sem_alloc : memref<!tpu.dma_semaphore, #tpu.memory_space<semaphore_mem>>
        %dma_start3A = arith.constant 9360 : i32
        %dma_start3A_16 = arith.constant 0 : i32
        %dma_start3A_17 = tpu.memref_slice %arg12[%dma_start3A, %dma_start3A_16] : memref<10000x128xf32, #tpu.memory_space<vmem_shared>> -> memref<640x128xf32, #tpu.memory_space<vmem_shared>>
        tpu.enqueue_dma source(%arg6 : memref<640x128xf32, #tpu.memory_space<hbm>>) target(%dma_start3A_17 : memref<640x128xf32, #tpu.memory_space<vmem_shared>>) target_semaphore(%run_scoped3A : memref<!tpu.dma_semaphore, #tpu.memory_space<semaphore_mem>>)
        %dma_wait3A = arith.constant 9360 : i32
        %dma_wait3A_18 = arith.constant 0 : i32
        %dma_wait3A_19 = tpu.memref_slice %arg12[%dma_wait3A, %dma_wait3A_18] : memref<10000x128xf32, #tpu.memory_space<vmem_shared>> -> memref<640x128xf32, #tpu.memory_space<vmem_shared>>
        tpu.wait_dma2 semaphore(%run_scoped3A : memref<!tpu.dma_semaphore, #tpu.memory_space<semaphore_mem>>) src(%arg6 : memref<640x128xf32, #tpu.memory_space<hbm>>) dst(%dma_wait3A_19 : memref<640x128xf32, #tpu.memory_space<vmem_shared>>)
        tpu.yield
      }) : () -> ()
    } else {
    }
    %barrier3A = arith.constant 0 : index
    tpu.barrier barrier_id(%barrier3A)
    %eq3A_6 = arith.constant 0 : i32
    %eq3A_7 = arith.cmpi eq, %arg0, %eq3A_6 : i32
    %convert_element_type3A_8 = arith.extui %eq3A_7 : i1 to i32
    %cond3A_9 = arith.constant 0 : i32
    %cond3A_10 = arith.cmpi ne, %convert_element_type3A_8, %cond3A_9 : i32
    scf.if %cond3A_10 {
      %scan3A = arith.constant 0 : i32
      %scan3A_16 = arith.constant 0 : i32
      %scan3A_17 = arith.constant 10 : i32
      %scan3A_18 = arith.addi %scan3A_16, %scan3A_17 : i32
      %scan3A_19 = arith.constant 1 : i32
      scf.for %scan3A_32 = %scan3A_16 to %scan3A_18 step %scan3A_19  : i32 {
        "tpu.region"() ({
          %run_scoped3A = tpu.sem_alloc : memref<!tpu.dma_semaphore, #tpu.memory_space<semaphore_mem>>
          %dma_start3A = arith.constant 0 : i32
          %dma_start3A_38 = arith.constant 0 : i32
          %dma_start3A_39 = tpu.memref_slice %arg4[%arg1, %scan3A_32, %dma_start3A, %dma_start3A_38] : memref<16x10x25x80xi32, #tpu.memory_space<hbm>> -> memref<1x1x25x80xi32, #tpu.memory_space<hbm>>
          %dma_start3A_40 = tpu.memref_squeeze %dma_start3A_39 : memref<1x1x25x80xi32, #tpu.memory_space<hbm>> -> memref<25x80xi32, #tpu.memory_space<hbm>>
          %dma_start3A_41 = arith.constant 0 : i32
          %dma_start3A_42 = arith.constant 0 : i32
          %dma_start3A_43 = tpu.memref_slice %arg4[%arg1, %scan3A_32, %dma_start3A_41, %dma_start3A_42] : memref<16x10x25x80xi32, #tpu.memory_space<hbm>> -> memref<1x1x25x80xi32, #tpu.memory_space<hbm>>
          %dma_start3A_44 = tpu.memref_squeeze %dma_start3A_43 : memref<1x1x25x80xi32, #tpu.memory_space<hbm>> -> memref<25x80xi32, #tpu.memory_space<hbm>>
          tpu.enqueue_dma source(%dma_start3A_44 : memref<25x80xi32, #tpu.memory_space<hbm>>) target(%arg9 : memref<25x80xi32, #tpu.memory_space<vmem>>) target_semaphore(%run_scoped3A : memref<!tpu.dma_semaphore, #tpu.memory_space<semaphore_mem>>)
          %dma_wait3A = arith.constant 0 : i32
          %dma_wait3A_45 = arith.constant 0 : i32
          %dma_wait3A_46 = tpu.memref_slice %arg4[%arg1, %scan3A_32, %dma_wait3A, %dma_wait3A_45] : memref<16x10x25x80xi32, #tpu.memory_space<hbm>> -> memref<1x1x25x80xi32, #tpu.memory_space<hbm>>
          %dma_wait3A_47 = tpu.memref_squeeze %dma_wait3A_46 : memref<1x1x25x80xi32, #tpu.memory_space<hbm>> -> memref<25x80xi32, #tpu.memory_space<hbm>>
          %dma_wait3A_48 = arith.constant 0 : i32
          %dma_wait3A_49 = arith.constant 0 : i32
          %dma_wait3A_50 = tpu.memref_slice %arg4[%arg1, %scan3A_32, %dma_wait3A_48, %dma_wait3A_49] : memref<16x10x25x80xi32, #tpu.memory_space<hbm>> -> memref<1x1x25x80xi32, #tpu.memory_space<hbm>>
          %dma_wait3A_51 = tpu.memref_squeeze %dma_wait3A_50 : memref<1x1x25x80xi32, #tpu.memory_space<hbm>> -> memref<25x80xi32, #tpu.memory_space<hbm>>
          tpu.wait_dma2 semaphore(%run_scoped3A : memref<!tpu.dma_semaphore, #tpu.memory_space<semaphore_mem>>) src(%dma_wait3A_51 : memref<25x80xi32, #tpu.memory_space<hbm>>) dst(%arg9 : memref<25x80xi32, #tpu.memory_space<vmem>>)
          tpu.yield
        }) : () -> ()
        "tpu.region"() ({
          %run_scoped3A = tpu.sem_alloc : memref<!tpu.dma_semaphore, #tpu.memory_space<semaphore_mem>>
          %dma_start3A = arith.constant 0 : i32
          %dma_start3A_38 = arith.constant 0 : i32
          %dma_start3A_39 = tpu.memref_slice %arg5[%arg1, %scan3A_32, %dma_start3A, %dma_start3A_38] : memref<16x10x25x80xi32, #tpu.memory_space<hbm>> -> memref<1x1x25x80xi32, #tpu.memory_space<hbm>>
          %dma_start3A_40 = tpu.memref_squeeze %dma_start3A_39 : memref<1x1x25x80xi32, #tpu.memory_space<hbm>> -> memref<25x80xi32, #tpu.memory_space<hbm>>
          %dma_start3A_41 = arith.constant 0 : i32
          %dma_start3A_42 = arith.constant 0 : i32
          %dma_start3A_43 = tpu.memref_slice %arg5[%arg1, %scan3A_32, %dma_start3A_41, %dma_start3A_42] : memref<16x10x25x80xi32, #tpu.memory_space<hbm>> -> memref<1x1x25x80xi32, #tpu.memory_space<hbm>>
          %dma_start3A_44 = tpu.memref_squeeze %dma_start3A_43 : memref<1x1x25x80xi32, #tpu.memory_space<hbm>> -> memref<25x80xi32, #tpu.memory_space<hbm>>
          tpu.enqueue_dma source(%dma_start3A_44 : memref<25x80xi32, #tpu.memory_space<hbm>>) target(%arg10 : memref<25x80xi32, #tpu.memory_space<vmem>>) target_semaphore(%run_scoped3A : memref<!tpu.dma_semaphore, #tpu.memory_space<semaphore_mem>>)
          %dma_wait3A = arith.constant 0 : i32
          %dma_wait3A_45 = arith.constant 0 : i32
          %dma_wait3A_46 = tpu.memref_slice %arg5[%arg1, %scan3A_32, %dma_wait3A, %dma_wait3A_45] : memref<16x10x25x80xi32, #tpu.memory_space<hbm>> -> memref<1x1x25x80xi32, #tpu.memory_space<hbm>>
          %dma_wait3A_47 = tpu.memref_squeeze %dma_wait3A_46 : memref<1x1x25x80xi32, #tpu.memory_space<hbm>> -> memref<25x80xi32, #tpu.memory_space<hbm>>
          %dma_wait3A_48 = arith.constant 0 : i32
          %dma_wait3A_49 = arith.constant 0 : i32
          %dma_wait3A_50 = tpu.memref_slice %arg5[%arg1, %scan3A_32, %dma_wait3A_48, %dma_wait3A_49] : memref<16x10x25x80xi32, #tpu.memory_space<hbm>> -> memref<1x1x25x80xi32, #tpu.memory_space<hbm>>
          %dma_wait3A_51 = tpu.memref_squeeze %dma_wait3A_50 : memref<1x1x25x80xi32, #tpu.memory_space<hbm>> -> memref<25x80xi32, #tpu.memory_space<hbm>>
          tpu.wait_dma2 semaphore(%run_scoped3A : memref<!tpu.dma_semaphore, #tpu.memory_space<semaphore_mem>>) src(%dma_wait3A_51 : memref<25x80xi32, #tpu.memory_space<hbm>>) dst(%arg10 : memref<25x80xi32, #tpu.memory_space<vmem>>)
          tpu.yield
        }) : () -> ()
        %scan3A_33 = arith.constant 0 : i32
        %scan3A_34 = arith.constant 25 : i32
        %scan3A_35 = arith.addi %scan3A_33, %scan3A_34 : i32
        %scan3A_36 = arith.constant 1 : i32
        scf.for %scan3A_38 = %scan3A_33 to %scan3A_35 step %scan3A_36  : i32 {
          %dma_start3A = arith.constant 0 : i32
          %dma_start3A_39 = tpu.memref_slice %arg9[%scan3A_38, %dma_start3A] : memref<25x80xi32, #tpu.memory_space<vmem>> -> memref<1x80xi32, #tpu.memory_space<vmem>>
          %dma_start3A_40 = tpu.memref_squeeze %dma_start3A_39 : memref<1x80xi32, #tpu.memory_space<vmem>> -> memref<80xi32, #tpu.memory_space<vmem>>
          %dma_start3A_41 = arith.constant 0 : i32
          %dma_start3A_42 = arith.constant 0 : i32
          %dma_start3A_43 = tpu.memref_slice %arg2[%dma_start3A_41, %dma_start3A_42] : memref<10000x128xf32, #tpu.memory_space<hbm>> -> memref<10000x128xf32, #tpu.memory_space<hbm>>
          tpu.enqueue_indirect_dma source(%dma_start3A_43 : memref<10000x128xf32, #tpu.memory_space<hbm>>) target(%arg11 : memref<80x128xf32, #tpu.memory_space<vmem>>) offsets(%dma_start3A_40 : memref<80xi32, #tpu.memory_space<vmem>>) semaphore(%arg13 : memref<!tpu.dma_semaphore, #tpu.memory_space<semaphore_mem>>)
          %dma_wait3A = arith.constant 0 : i32
          %dma_wait3A_44 = tpu.memref_slice %arg9[%scan3A_38, %dma_wait3A] : memref<25x80xi32, #tpu.memory_space<vmem>> -> memref<1x80xi32, #tpu.memory_space<vmem>>
          %dma_wait3A_45 = tpu.memref_squeeze %dma_wait3A_44 : memref<1x80xi32, #tpu.memory_space<vmem>> -> memref<80xi32, #tpu.memory_space<vmem>>
          %dma_wait3A_46 = arith.constant 0 : i32
          %dma_wait3A_47 = arith.constant 0 : i32
          %dma_wait3A_48 = tpu.memref_slice %arg2[%dma_wait3A_46, %dma_wait3A_47] : memref<10000x128xf32, #tpu.memory_space<hbm>> -> memref<10000x128xf32, #tpu.memory_space<hbm>>
          tpu.wait_indirect_dma semaphore(%arg13 : memref<!tpu.dma_semaphore, #tpu.memory_space<semaphore_mem>>) src(%dma_wait3A_48 : memref<10000x128xf32, #tpu.memory_space<hbm>>) dst(%arg11 : memref<80x128xf32, #tpu.memory_space<vmem>>)
          "tpu.region"() ({
            %run_scoped3A = tpu.sem_alloc : memref<!tpu.dma_semaphore, #tpu.memory_space<semaphore_mem>>
            %dma_start3A_49 = arith.constant 0 : i32
            %dma_start3A_50 = tpu.memref_slice %arg10[%scan3A_38, %dma_start3A_49] : memref<25x80xi32, #tpu.memory_space<vmem>> -> memref<1x80xi32, #tpu.memory_space<vmem>>
            %dma_start3A_51 = tpu.memref_squeeze %dma_start3A_50 : memref<1x80xi32, #tpu.memory_space<vmem>> -> memref<80xi32, #tpu.memory_space<vmem>>
            %dma_start3A_52 = arith.constant 0 : i32
            %dma_start3A_53 = arith.constant 0 : i32
            %dma_start3A_54 = tpu.memref_slice %arg12[%dma_start3A_52, %dma_start3A_53] : memref<10000x128xf32, #tpu.memory_space<vmem_shared>> -> memref<10000x128xf32, #tpu.memory_space<vmem_shared>>
            tpu.enqueue_indirect_dma source(%arg11 : memref<80x128xf32, #tpu.memory_space<vmem>>) target(%dma_start3A_54 : memref<10000x128xf32, #tpu.memory_space<vmem_shared>>) offsets(%dma_start3A_51 : memref<80xi32, #tpu.memory_space<vmem>>) semaphore(%run_scoped3A : memref<!tpu.dma_semaphore, #tpu.memory_space<semaphore_mem>>) {add = true}
            %dma_wait3A_55 = arith.constant 0 : i32
            %dma_wait3A_56 = tpu.memref_slice %arg10[%scan3A_38, %dma_wait3A_55] : memref<25x80xi32, #tpu.memory_space<vmem>> -> memref<1x80xi32, #tpu.memory_space<vmem>>
            %dma_wait3A_57 = tpu.memref_squeeze %dma_wait3A_56 : memref<1x80xi32, #tpu.memory_space<vmem>> -> memref<80xi32, #tpu.memory_space<vmem>>
            %dma_wait3A_58 = arith.constant 0 : i32
            %dma_wait3A_59 = arith.constant 0 : i32
            %dma_wait3A_60 = tpu.memref_slice %arg12[%dma_wait3A_58, %dma_wait3A_59] : memref<10000x128xf32, #tpu.memory_space<vmem_shared>> -> memref<10000x128xf32, #tpu.memory_space<vmem_shared>>
            tpu.wait_indirect_dma semaphore(%run_scoped3A : memref<!tpu.dma_semaphore, #tpu.memory_space<semaphore_mem>>) src(%arg11 : memref<80x128xf32, #tpu.memory_space<vmem>>) dst(%dma_wait3A_60 : memref<10000x128xf32, #tpu.memory_space<vmem_shared>>)
            tpu.yield
          }) : () -> ()
        }
        %scan3A_37 = arith.constant 25 : i32
      }
      %scan3A_20 = arith.constant 10 : i32
      %barrier3A_21 = arith.constant 0 : index
      tpu.barrier barrier_id(%barrier3A_21)
      %lt3A_22 = arith.constant 15 : i32
      %lt3A_23 = arith.cmpi slt, %arg1, %lt3A_22 : i32
      %convert_element_type3A_24 = arith.extui %lt3A_23 : i1 to i32
      %cond3A_25 = arith.constant 0 : i32
      %cond3A_26 = arith.cmpi ne, %convert_element_type3A_24, %cond3A_25 : i32
      scf.if %cond3A_26 {
        %mul3A = arith.constant 624 : i32
        %mul3A_32 = arith.muli %arg1, %mul3A : i32
        %mul3A_33 = arith.constant 624 : i32
        %mul3A_34 = arith.muli %arg1, %mul3A_33 : i32
        "tpu.region"() ({
          %run_scoped3A = tpu.sem_alloc : memref<!tpu.dma_semaphore, #tpu.memory_space<semaphore_mem>>
          %dma_start3A = arith.constant 0 : i32
          %dma_start3A_35 = tpu.memref_slice %arg7[%mul3A_34, %dma_start3A] : memref<10000x128xf32, #tpu.memory_space<hbm>> -> memref<624x128xf32, #tpu.memory_space<hbm>>
          %dma_start3A_36 = arith.constant 0 : i32
          %dma_start3A_37 = tpu.memref_slice %arg12[%mul3A_32, %dma_start3A_36] : memref<10000x128xf32, #tpu.memory_space<vmem_shared>> -> memref<624x128xf32, #tpu.memory_space<vmem_shared>>
          tpu.enqueue_dma source(%dma_start3A_37 : memref<624x128xf32, #tpu.memory_space<vmem_shared>>) target(%dma_start3A_35 : memref<624x128xf32, #tpu.memory_space<hbm>>) target_semaphore(%run_scoped3A : memref<!tpu.dma_semaphore, #tpu.memory_space<semaphore_mem>>)
          %dma_wait3A = arith.constant 0 : i32
          %dma_wait3A_38 = tpu.memref_slice %arg7[%mul3A_34, %dma_wait3A] : memref<10000x128xf32, #tpu.memory_space<hbm>> -> memref<624x128xf32, #tpu.memory_space<hbm>>
          %dma_wait3A_39 = arith.constant 0 : i32
          %dma_wait3A_40 = tpu.memref_slice %arg12[%mul3A_32, %dma_wait3A_39] : memref<10000x128xf32, #tpu.memory_space<vmem_shared>> -> memref<624x128xf32, #tpu.memory_space<vmem_shared>>
          tpu.wait_dma2 semaphore(%run_scoped3A : memref<!tpu.dma_semaphore, #tpu.memory_space<semaphore_mem>>) src(%dma_wait3A_40 : memref<624x128xf32, #tpu.memory_space<vmem_shared>>) dst(%dma_wait3A_38 : memref<624x128xf32, #tpu.memory_space<hbm>>)
          tpu.yield
        }) : () -> ()
      } else {
      }
      %eq3A_27 = arith.constant 15 : i32
      %eq3A_28 = arith.cmpi eq, %arg1, %eq3A_27 : i32
      %convert_element_type3A_29 = arith.extui %eq3A_28 : i1 to i32
      %cond3A_30 = arith.constant 0 : i32
      %cond3A_31 = arith.cmpi ne, %convert_element_type3A_29, %cond3A_30 : i32
      scf.if %cond3A_31 {
        "tpu.region"() ({
          %run_scoped3A = tpu.sem_alloc : memref<!tpu.dma_semaphore, #tpu.memory_space<semaphore_mem>>
          %dma_start3A = arith.constant 9360 : i32
          %dma_start3A_32 = arith.constant 0 : i32
          %dma_start3A_33 = tpu.memref_slice %arg7[%dma_start3A, %dma_start3A_32] : memref<10000x128xf32, #tpu.memory_space<hbm>> -> memref<640x128xf32, #tpu.memory_space<hbm>>
          %dma_start3A_34 = arith.constant 9360 : i32
          %dma_start3A_35 = arith.constant 0 : i32
          %dma_start3A_36 = tpu.memref_slice %arg12[%dma_start3A_34, %dma_start3A_35] : memref<10000x128xf32, #tpu.memory_space<vmem_shared>> -> memref<640x128xf32, #tpu.memory_space<vmem_shared>>
          tpu.enqueue_dma source(%dma_start3A_36 : memref<640x128xf32, #tpu.memory_space<vmem_shared>>) target(%dma_start3A_33 : memref<640x128xf32, #tpu.memory_space<hbm>>) target_semaphore(%run_scoped3A : memref<!tpu.dma_semaphore, #tpu.memory_space<semaphore_mem>>)
          %dma_wait3A = arith.constant 9360 : i32
          %dma_wait3A_37 = arith.constant 0 : i32
          %dma_wait3A_38 = tpu.memref_slice %arg7[%dma_wait3A, %dma_wait3A_37] : memref<10000x128xf32, #tpu.memory_space<hbm>> -> memref<640x128xf32, #tpu.memory_space<hbm>>
          %dma_wait3A_39 = arith.constant 9360 : i32
          %dma_wait3A_40 = arith.constant 0 : i32
          %dma_wait3A_41 = tpu.memref_slice %arg12[%dma_wait3A_39, %dma_wait3A_40] : memref<10000x128xf32, #tpu.memory_space<vmem_shared>> -> memref<640x128xf32, #tpu.memory_space<vmem_shared>>
          tpu.wait_dma2 semaphore(%run_scoped3A : memref<!tpu.dma_semaphore, #tpu.memory_space<semaphore_mem>>) src(%dma_wait3A_41 : memref<640x128xf32, #tpu.memory_space<vmem_shared>>) dst(%dma_wait3A_38 : memref<640x128xf32, #tpu.memory_space<hbm>>)
          tpu.yield
        }) : () -> ()
      } else {
      }
    } else {
    }
    %eq3A_11 = arith.constant 1 : i32
    %eq3A_12 = arith.cmpi eq, %arg0, %eq3A_11 : i32
    %convert_element_type3A_13 = arith.extui %eq3A_12 : i1 to i32
    %cond3A_14 = arith.constant 0 : i32
    %cond3A_15 = arith.cmpi ne, %convert_element_type3A_13, %cond3A_14 : i32
    scf.if %cond3A_15 {
      %scan3A = arith.constant 0 : i32
      %scan3A_16 = arith.constant 0 : i32
      %scan3A_17 = arith.constant 10 : i32
      %scan3A_18 = arith.addi %scan3A_16, %scan3A_17 : i32
      %scan3A_19 = arith.constant 1 : i32
      scf.for %scan3A_32 = %scan3A_16 to %scan3A_18 step %scan3A_19  : i32 {
        "tpu.region"() ({
          %run_scoped3A = tpu.sem_alloc : memref<!tpu.dma_semaphore, #tpu.memory_space<semaphore_mem>>
          %dma_start3A = arith.constant 0 : i32
          %dma_start3A_38 = arith.constant 0 : i32
          %dma_start3A_39 = tpu.memref_slice %arg4[%arg1, %scan3A_32, %dma_start3A, %dma_start3A_38] : memref<16x10x25x80xi32, #tpu.memory_space<hbm>> -> memref<1x1x25x80xi32, #tpu.memory_space<hbm>>
          %dma_start3A_40 = tpu.memref_squeeze %dma_start3A_39 : memref<1x1x25x80xi32, #tpu.memory_space<hbm>> -> memref<25x80xi32, #tpu.memory_space<hbm>>
          %dma_start3A_41 = arith.constant 0 : i32
          %dma_start3A_42 = arith.constant 0 : i32
          %dma_start3A_43 = tpu.memref_slice %arg4[%arg1, %scan3A_32, %dma_start3A_41, %dma_start3A_42] : memref<16x10x25x80xi32, #tpu.memory_space<hbm>> -> memref<1x1x25x80xi32, #tpu.memory_space<hbm>>
          %dma_start3A_44 = tpu.memref_squeeze %dma_start3A_43 : memref<1x1x25x80xi32, #tpu.memory_space<hbm>> -> memref<25x80xi32, #tpu.memory_space<hbm>>
          tpu.enqueue_dma source(%dma_start3A_44 : memref<25x80xi32, #tpu.memory_space<hbm>>) target(%arg9 : memref<25x80xi32, #tpu.memory_space<vmem>>) target_semaphore(%run_scoped3A : memref<!tpu.dma_semaphore, #tpu.memory_space<semaphore_mem>>)
          %dma_wait3A = arith.constant 0 : i32
          %dma_wait3A_45 = arith.constant 0 : i32
          %dma_wait3A_46 = tpu.memref_slice %arg4[%arg1, %scan3A_32, %dma_wait3A, %dma_wait3A_45] : memref<16x10x25x80xi32, #tpu.memory_space<hbm>> -> memref<1x1x25x80xi32, #tpu.memory_space<hbm>>
          %dma_wait3A_47 = tpu.memref_squeeze %dma_wait3A_46 : memref<1x1x25x80xi32, #tpu.memory_space<hbm>> -> memref<25x80xi32, #tpu.memory_space<hbm>>
          %dma_wait3A_48 = arith.constant 0 : i32
          %dma_wait3A_49 = arith.constant 0 : i32
          %dma_wait3A_50 = tpu.memref_slice %arg4[%arg1, %scan3A_32, %dma_wait3A_48, %dma_wait3A_49] : memref<16x10x25x80xi32, #tpu.memory_space<hbm>> -> memref<1x1x25x80xi32, #tpu.memory_space<hbm>>
          %dma_wait3A_51 = tpu.memref_squeeze %dma_wait3A_50 : memref<1x1x25x80xi32, #tpu.memory_space<hbm>> -> memref<25x80xi32, #tpu.memory_space<hbm>>
          tpu.wait_dma2 semaphore(%run_scoped3A : memref<!tpu.dma_semaphore, #tpu.memory_space<semaphore_mem>>) src(%dma_wait3A_51 : memref<25x80xi32, #tpu.memory_space<hbm>>) dst(%arg9 : memref<25x80xi32, #tpu.memory_space<vmem>>)
          tpu.yield
        }) : () -> ()
        "tpu.region"() ({
          %run_scoped3A = tpu.sem_alloc : memref<!tpu.dma_semaphore, #tpu.memory_space<semaphore_mem>>
          %dma_start3A = arith.constant 0 : i32
          %dma_start3A_38 = arith.constant 0 : i32
          %dma_start3A_39 = tpu.memref_slice %arg5[%arg1, %scan3A_32, %dma_start3A, %dma_start3A_38] : memref<16x10x25x80xi32, #tpu.memory_space<hbm>> -> memref<1x1x25x80xi32, #tpu.memory_space<hbm>>
          %dma_start3A_40 = tpu.memref_squeeze %dma_start3A_39 : memref<1x1x25x80xi32, #tpu.memory_space<hbm>> -> memref<25x80xi32, #tpu.memory_space<hbm>>
          %dma_start3A_41 = arith.constant 0 : i32
          %dma_start3A_42 = arith.constant 0 : i32
          %dma_start3A_43 = tpu.memref_slice %arg5[%arg1, %scan3A_32, %dma_start3A_41, %dma_start3A_42] : memref<16x10x25x80xi32, #tpu.memory_space<hbm>> -> memref<1x1x25x80xi32, #tpu.memory_space<hbm>>
          %dma_start3A_44 = tpu.memref_squeeze %dma_start3A_43 : memref<1x1x25x80xi32, #tpu.memory_space<hbm>> -> memref<25x80xi32, #tpu.memory_space<hbm>>
          tpu.enqueue_dma source(%dma_start3A_44 : memref<25x80xi32, #tpu.memory_space<hbm>>) target(%arg10 : memref<25x80xi32, #tpu.memory_space<vmem>>) target_semaphore(%run_scoped3A : memref<!tpu.dma_semaphore, #tpu.memory_space<semaphore_mem>>)
          %dma_wait3A = arith.constant 0 : i32
          %dma_wait3A_45 = arith.constant 0 : i32
          %dma_wait3A_46 = tpu.memref_slice %arg5[%arg1, %scan3A_32, %dma_wait3A, %dma_wait3A_45] : memref<16x10x25x80xi32, #tpu.memory_space<hbm>> -> memref<1x1x25x80xi32, #tpu.memory_space<hbm>>
          %dma_wait3A_47 = tpu.memref_squeeze %dma_wait3A_46 : memref<1x1x25x80xi32, #tpu.memory_space<hbm>> -> memref<25x80xi32, #tpu.memory_space<hbm>>
          %dma_wait3A_48 = arith.constant 0 : i32
          %dma_wait3A_49 = arith.constant 0 : i32
          %dma_wait3A_50 = tpu.memref_slice %arg5[%arg1, %scan3A_32, %dma_wait3A_48, %dma_wait3A_49] : memref<16x10x25x80xi32, #tpu.memory_space<hbm>> -> memref<1x1x25x80xi32, #tpu.memory_space<hbm>>
          %dma_wait3A_51 = tpu.memref_squeeze %dma_wait3A_50 : memref<1x1x25x80xi32, #tpu.memory_space<hbm>> -> memref<25x80xi32, #tpu.memory_space<hbm>>
          tpu.wait_dma2 semaphore(%run_scoped3A : memref<!tpu.dma_semaphore, #tpu.memory_space<semaphore_mem>>) src(%dma_wait3A_51 : memref<25x80xi32, #tpu.memory_space<hbm>>) dst(%arg10 : memref<25x80xi32, #tpu.memory_space<vmem>>)
          tpu.yield
        }) : () -> ()
        %scan3A_33 = arith.constant 0 : i32
        %scan3A_34 = arith.constant 25 : i32
        %scan3A_35 = arith.addi %scan3A_33, %scan3A_34 : i32
        %scan3A_36 = arith.constant 1 : i32
        scf.for %scan3A_38 = %scan3A_33 to %scan3A_35 step %scan3A_36  : i32 {
          %dma_start3A = arith.constant 0 : i32
          %dma_start3A_39 = tpu.memref_slice %arg9[%scan3A_38, %dma_start3A] : memref<25x80xi32, #tpu.memory_space<vmem>> -> memref<1x80xi32, #tpu.memory_space<vmem>>
          %dma_start3A_40 = tpu.memref_squeeze %dma_start3A_39 : memref<1x80xi32, #tpu.memory_space<vmem>> -> memref<80xi32, #tpu.memory_space<vmem>>
          %dma_start3A_41 = arith.constant 0 : i32
          %dma_start3A_42 = arith.constant 0 : i32
          %dma_start3A_43 = tpu.memref_slice %arg3[%dma_start3A_41, %dma_start3A_42] : memref<10000x128xf32, #tpu.memory_space<hbm>> -> memref<10000x128xf32, #tpu.memory_space<hbm>>
          tpu.enqueue_indirect_dma source(%dma_start3A_43 : memref<10000x128xf32, #tpu.memory_space<hbm>>) target(%arg11 : memref<80x128xf32, #tpu.memory_space<vmem>>) offsets(%dma_start3A_40 : memref<80xi32, #tpu.memory_space<vmem>>) semaphore(%arg13 : memref<!tpu.dma_semaphore, #tpu.memory_space<semaphore_mem>>)
          %dma_wait3A = arith.constant 0 : i32
          %dma_wait3A_44 = tpu.memref_slice %arg9[%scan3A_38, %dma_wait3A] : memref<25x80xi32, #tpu.memory_space<vmem>> -> memref<1x80xi32, #tpu.memory_space<vmem>>
          %dma_wait3A_45 = tpu.memref_squeeze %dma_wait3A_44 : memref<1x80xi32, #tpu.memory_space<vmem>> -> memref<80xi32, #tpu.memory_space<vmem>>
          %dma_wait3A_46 = arith.constant 0 : i32
          %dma_wait3A_47 = arith.constant 0 : i32
          %dma_wait3A_48 = tpu.memref_slice %arg3[%dma_wait3A_46, %dma_wait3A_47] : memref<10000x128xf32, #tpu.memory_space<hbm>> -> memref<10000x128xf32, #tpu.memory_space<hbm>>
          tpu.wait_indirect_dma semaphore(%arg13 : memref<!tpu.dma_semaphore, #tpu.memory_space<semaphore_mem>>) src(%dma_wait3A_48 : memref<10000x128xf32, #tpu.memory_space<hbm>>) dst(%arg11 : memref<80x128xf32, #tpu.memory_space<vmem>>)
          "tpu.region"() ({
            %run_scoped3A = tpu.sem_alloc : memref<!tpu.dma_semaphore, #tpu.memory_space<semaphore_mem>>
            %dma_start3A_49 = arith.constant 0 : i32
            %dma_start3A_50 = tpu.memref_slice %arg10[%scan3A_38, %dma_start3A_49] : memref<25x80xi32, #tpu.memory_space<vmem>> -> memref<1x80xi32, #tpu.memory_space<vmem>>
            %dma_start3A_51 = tpu.memref_squeeze %dma_start3A_50 : memref<1x80xi32, #tpu.memory_space<vmem>> -> memref<80xi32, #tpu.memory_space<vmem>>
            %dma_start3A_52 = arith.constant 0 : i32
            %dma_start3A_53 = arith.constant 0 : i32
            %dma_start3A_54 = tpu.memref_slice %arg12[%dma_start3A_52, %dma_start3A_53] : memref<10000x128xf32, #tpu.memory_space<vmem_shared>> -> memref<10000x128xf32, #tpu.memory_space<vmem_shared>>
            tpu.enqueue_indirect_dma source(%arg11 : memref<80x128xf32, #tpu.memory_space<vmem>>) target(%dma_start3A_54 : memref<10000x128xf32, #tpu.memory_space<vmem_shared>>) offsets(%dma_start3A_51 : memref<80xi32, #tpu.memory_space<vmem>>) semaphore(%run_scoped3A : memref<!tpu.dma_semaphore, #tpu.memory_space<semaphore_mem>>) {add = true}
            %dma_wait3A_55 = arith.constant 0 : i32
            %dma_wait3A_56 = tpu.memref_slice %arg10[%scan3A_38, %dma_wait3A_55] : memref<25x80xi32, #tpu.memory_space<vmem>> -> memref<1x80xi32, #tpu.memory_space<vmem>>
            %dma_wait3A_57 = tpu.memref_squeeze %dma_wait3A_56 : memref<1x80xi32, #tpu.memory_space<vmem>> -> memref<80xi32, #tpu.memory_space<vmem>>
            %dma_wait3A_58 = arith.constant 0 : i32
            %dma_wait3A_59 = arith.constant 0 : i32
            %dma_wait3A_60 = tpu.memref_slice %arg12[%dma_wait3A_58, %dma_wait3A_59] : memref<10000x128xf32, #tpu.memory_space<vmem_shared>> -> memref<10000x128xf32, #tpu.memory_space<vmem_shared>>
            tpu.wait_indirect_dma semaphore(%run_scoped3A : memref<!tpu.dma_semaphore, #tpu.memory_space<semaphore_mem>>) src(%arg11 : memref<80x128xf32, #tpu.memory_space<vmem>>) dst(%dma_wait3A_60 : memref<10000x128xf32, #tpu.memory_space<vmem_shared>>)
            tpu.yield
          }) : () -> ()
        }
        %scan3A_37 = arith.constant 25 : i32
      }
      %scan3A_20 = arith.constant 10 : i32
      %barrier3A_21 = arith.constant 0 : index
      tpu.barrier barrier_id(%barrier3A_21)
      %lt3A_22 = arith.constant 15 : i32
      %lt3A_23 = arith.cmpi slt, %arg1, %lt3A_22 : i32
      %convert_element_type3A_24 = arith.extui %lt3A_23 : i1 to i32
      %cond3A_25 = arith.constant 0 : i32
      %cond3A_26 = arith.cmpi ne, %convert_element_type3A_24, %cond3A_25 : i32
      scf.if %cond3A_26 {
        %mul3A = arith.constant 624 : i32
        %mul3A_32 = arith.muli %arg1, %mul3A : i32
        %mul3A_33 = arith.constant 624 : i32
        %mul3A_34 = arith.muli %arg1, %mul3A_33 : i32
        "tpu.region"() ({
          %run_scoped3A = tpu.sem_alloc : memref<!tpu.dma_semaphore, #tpu.memory_space<semaphore_mem>>
          %dma_start3A = arith.constant 0 : i32
          %dma_start3A_35 = tpu.memref_slice %arg8[%mul3A_34, %dma_start3A] : memref<10000x128xf32, #tpu.memory_space<hbm>> -> memref<624x128xf32, #tpu.memory_space<hbm>>
          %dma_start3A_36 = arith.constant 0 : i32
          %dma_start3A_37 = tpu.memref_slice %arg12[%mul3A_32, %dma_start3A_36] : memref<10000x128xf32, #tpu.memory_space<vmem_shared>> -> memref<624x128xf32, #tpu.memory_space<vmem_shared>>
          tpu.enqueue_dma source(%dma_start3A_37 : memref<624x128xf32, #tpu.memory_space<vmem_shared>>) target(%dma_start3A_35 : memref<624x128xf32, #tpu.memory_space<hbm>>) target_semaphore(%run_scoped3A : memref<!tpu.dma_semaphore, #tpu.memory_space<semaphore_mem>>)
          %dma_wait3A = arith.constant 0 : i32
          %dma_wait3A_38 = tpu.memref_slice %arg8[%mul3A_34, %dma_wait3A] : memref<10000x128xf32, #tpu.memory_space<hbm>> -> memref<624x128xf32, #tpu.memory_space<hbm>>
          %dma_wait3A_39 = arith.constant 0 : i32
          %dma_wait3A_40 = tpu.memref_slice %arg12[%mul3A_32, %dma_wait3A_39] : memref<10000x128xf32, #tpu.memory_space<vmem_shared>> -> memref<624x128xf32, #tpu.memory_space<vmem_shared>>
          tpu.wait_dma2 semaphore(%run_scoped3A : memref<!tpu.dma_semaphore, #tpu.memory_space<semaphore_mem>>) src(%dma_wait3A_40 : memref<624x128xf32, #tpu.memory_space<vmem_shared>>) dst(%dma_wait3A_38 : memref<624x128xf32, #tpu.memory_space<hbm>>)
          tpu.yield
        }) : () -> ()
      } else {
      }
      %eq3A_27 = arith.constant 15 : i32
      %eq3A_28 = arith.cmpi eq, %arg1, %eq3A_27 : i32
      %convert_element_type3A_29 = arith.extui %eq3A_28 : i1 to i32
      %cond3A_30 = arith.constant 0 : i32
      %cond3A_31 = arith.cmpi ne, %convert_element_type3A_29, %cond3A_30 : i32
      scf.if %cond3A_31 {
        "tpu.region"() ({
          %run_scoped3A = tpu.sem_alloc : memref<!tpu.dma_semaphore, #tpu.memory_space<semaphore_mem>>
          %dma_start3A = arith.constant 9360 : i32
          %dma_start3A_32 = arith.constant 0 : i32
          %dma_start3A_33 = tpu.memref_slice %arg8[%dma_start3A, %dma_start3A_32] : memref<10000x128xf32, #tpu.memory_space<hbm>> -> memref<640x128xf32, #tpu.memory_space<hbm>>
          %dma_start3A_34 = arith.constant 9360 : i32
          %dma_start3A_35 = arith.constant 0 : i32
          %dma_start3A_36 = tpu.memref_slice %arg12[%dma_start3A_34, %dma_start3A_35] : memref<10000x128xf32, #tpu.memory_space<vmem_shared>> -> memref<640x128xf32, #tpu.memory_space<vmem_shared>>
          tpu.enqueue_dma source(%dma_start3A_36 : memref<640x128xf32, #tpu.memory_space<vmem_shared>>) target(%dma_start3A_33 : memref<640x128xf32, #tpu.memory_space<hbm>>) target_semaphore(%run_scoped3A : memref<!tpu.dma_semaphore, #tpu.memory_space<semaphore_mem>>)
          %dma_wait3A = arith.constant 9360 : i32
          %dma_wait3A_37 = arith.constant 0 : i32
          %dma_wait3A_38 = tpu.memref_slice %arg8[%dma_wait3A, %dma_wait3A_37] : memref<10000x128xf32, #tpu.memory_space<hbm>> -> memref<640x128xf32, #tpu.memory_space<hbm>>
          %dma_wait3A_39 = arith.constant 9360 : i32
          %dma_wait3A_40 = arith.constant 0 : i32
          %dma_wait3A_41 = tpu.memref_slice %arg12[%dma_wait3A_39, %dma_wait3A_40] : memref<10000x128xf32, #tpu.memory_space<vmem_shared>> -> memref<640x128xf32, #tpu.memory_space<vmem_shared>>
          tpu.wait_dma2 semaphore(%run_scoped3A : memref<!tpu.dma_semaphore, #tpu.memory_space<semaphore_mem>>) src(%dma_wait3A_41 : memref<640x128xf32, #tpu.memory_space<vmem_shared>>) dst(%dma_wait3A_38 : memref<640x128xf32, #tpu.memory_space<hbm>>)
          tpu.yield
        }) : () -> ()
      } else {
      }
    } else {
    }
    return
  }
}

#map = affine_map<(d0, d1) -> (0, 0)>
#map1 = affine_map<(d0, d1) -> (0, 0, 0, 0)>
module attributes {stable_mosaic.version = 14 : i64} {
  func.func @body(%arg0: i32, %arg1: i32, %arg2: memref<10000x128xf32, #tpu.memory_space<hbm>>, %arg3: memref<10000x128xf32, #tpu.memory_space<hbm>>, %arg4: memref<16x10x25x80xi32, #tpu.memory_space<hbm>>, %arg5: memref<16x10x25x80xi32, #tpu.memory_space<hbm>>, %arg6: memref<640x128xf32, #tpu.memory_space<hbm>>, %arg7: memref<10000x128xf32, #tpu.memory_space<hbm>>, %arg8: memref<10000x128xf32, #tpu.memory_space<hbm>>, %arg9: memref<25x80xi32, #tpu.memory_space<vmem>>, %arg10: memref<25x80xi32, #tpu.memory_space<vmem>>, %arg11: memref<80x128xf32, #tpu.memory_space<vmem>>, %arg12: memref<10000x128xf32, #tpu.memory_space<vmem_shared>>, %arg13: memref<!tpu.dma_semaphore, #tpu.memory_space<semaphore_mem>>) attributes {dimension_semantics = [#tpu.dimension_semantics<core_parallel>, #tpu.dimension_semantics<subcore_parallel>], iteration_bounds = array<i64: 2, 16>, scalar_prefetch = 0 : i64, scratch_operands = 5 : i64, tpu.core_type = #tpu.core_type<sc_vector_subcore>, window_params = [{transform_indices = #map}, {transform_indices = #map}, {transform_indices = #map1}, {transform_indices = #map1}, {transform_indices = #map}, {transform_indices = #map}, {transform_indices = #map}]} {
    %lt3A = arith.constant 15 : i32
    %lt3A_0 = arith.cmpi slt, %arg1, %lt3A : i32
    %convert_element_type3A = arith.extui %lt3A_0 : i1 to i32
    %cond3A = arith.constant 0 : i32
    %cond3A_1 = arith.cmpi ne, %convert_element_type3A, %cond3A : i32
    scf.if %cond3A_1 {
      %mul3A = arith.constant 624 : i32
      %mul3A_16 = arith.muli %arg1, %mul3A : i32
      "tpu.region"() ({
        %run_scoped3A = tpu.sem_alloc : memref<!tpu.dma_semaphore, #tpu.memory_space<semaphore_mem>>
        %dma_start3A = arith.constant 0 : i32
        %dma_start3A_17 = tpu.memref_slice %arg12[%mul3A_16, %dma_start3A] : memref<10000x128xf32, #tpu.memory_space<vmem_shared>> -> memref<624x128xf32, #tpu.memory_space<vmem_shared>>
        %dma_start3A_18 = arith.constant 0 : i32
        %dma_start3A_19 = arith.constant 0 : i32
        %dma_start3A_20 = tpu.memref_slice %arg6[%dma_start3A_18, %dma_start3A_19] : memref<640x128xf32, #tpu.memory_space<hbm>> -> memref<624x128xf32, #tpu.memory_space<hbm>>
        tpu.enqueue_dma source(%dma_start3A_20 : memref<624x128xf32, #tpu.memory_space<hbm>>) target(%dma_start3A_17 : memref<624x128xf32, #tpu.memory_space<vmem_shared>>) target_semaphore(%run_scoped3A : memref<!tpu.dma_semaphore, #tpu.memory_space<semaphore_mem>>)
        %dma_wait3A = arith.constant 0 : i32
        %dma_wait3A_21 = tpu.memref_slice %arg12[%mul3A_16, %dma_wait3A] : memref<10000x128xf32, #tpu.memory_space<vmem_shared>> -> memref<624x128xf32, #tpu.memory_space<vmem_shared>>
        %dma_wait3A_22 = arith.constant 0 : i32
        %dma_wait3A_23 = arith.constant 0 : i32
        %dma_wait3A_24 = tpu.memref_slice %arg6[%dma_wait3A_22, %dma_wait3A_23] : memref<640x128xf32, #tpu.memory_space<hbm>> -> memref<624x128xf32, #tpu.memory_space<hbm>>
        tpu.wait_dma2 semaphore(%run_scoped3A : memref<!tpu.dma_semaphore, #tpu.memory_space<semaphore_mem>>) src(%dma_wait3A_24 : memref<624x128xf32, #tpu.memory_space<hbm>>) dst(%dma_wait3A_21 : memref<624x128xf32, #tpu.memory_space<vmem_shared>>)
        tpu.yield
      }) : () -> ()
    } else {
    }
    %eq3A = arith.constant 15 : i32
    %eq3A_2 = arith.cmpi eq, %arg1, %eq3A : i32
    %convert_element_type3A_3 = arith.extui %eq3A_2 : i1 to i32
    %cond3A_4 = arith.constant 0 : i32
    %cond3A_5 = arith.cmpi ne, %convert_element_type3A_3, %cond3A_4 : i32
    scf.if %cond3A_5 {
      "tpu.region"() ({
        %run_scoped3A = tpu.sem_alloc : memref<!tpu.dma_semaphore, #tpu.memory_space<semaphore_mem>>
        %dma_start3A = arith.constant 9360 : i32
        %dma_start3A_16 = arith.constant 0 : i32
        %dma_start3A_17 = tpu.memref_slice %arg12[%dma_start3A, %dma_start3A_16] : memref<10000x128xf32, #tpu.memory_space<vmem_shared>> -> memref<640x128xf32, #tpu.memory_space<vmem_shared>>
        tpu.enqueue_dma source(%arg6 : memref<640x128xf32, #tpu.memory_space<hbm>>) target(%dma_start3A_17 : memref<640x128xf32, #tpu.memory_space<vmem_shared>>) target_semaphore(%run_scoped3A : memref<!tpu.dma_semaphore, #tpu.memory_space<semaphore_mem>>)
        %dma_wait3A = arith.constant 9360 : i32
        %dma_wait3A_18 = arith.constant 0 : i32
        %dma_wait3A_19 = tpu.memref_slice %arg12[%dma_wait3A, %dma_wait3A_18] : memref<10000x128xf32, #tpu.memory_space<vmem_shared>> -> memref<640x128xf32, #tpu.memory_space<vmem_shared>>
        tpu.wait_dma2 semaphore(%run_scoped3A : memref<!tpu.dma_semaphore, #tpu.memory_space<semaphore_mem>>) src(%arg6 : memref<640x128xf32, #tpu.memory_space<hbm>>) dst(%dma_wait3A_19 : memref<640x128xf32, #tpu.memory_space<vmem_shared>>)
        tpu.yield
      }) : () -> ()
    } else {
    }
    %barrier3A = arith.constant 0 : index
    tpu.barrier barrier_id(%barrier3A)
    %eq3A_6 = arith.constant 0 : i32
    %eq3A_7 = arith.cmpi eq, %arg0, %eq3A_6 : i32
    %convert_element_type3A_8 = arith.extui %eq3A_7 : i1 to i32
    %cond3A_9 = arith.constant 0 : i32
    %cond3A_10 = arith.cmpi ne, %convert_element_type3A_8, %cond3A_9 : i32
    scf.if %cond3A_10 {
      %scan3A = arith.constant 0 : i32
      %scan3A_16 = arith.constant 0 : i32
      %scan3A_17 = arith.constant 10 : i32
      %scan3A_18 = arith.addi %scan3A_16, %scan3A_17 : i32
      %scan3A_19 = arith.constant 1 : i32
      scf.for %scan3A_32 = %scan3A_16 to %scan3A_18 step %scan3A_19  : i32 {
        "tpu.region"() ({
          %run_scoped3A = tpu.sem_alloc : memref<!tpu.dma_semaphore, #tpu.memory_space<semaphore_mem>>
          %dma_start3A = arith.constant 0 : i32
          %dma_start3A_38 = arith.constant 0 : i32
          %dma_start3A_39 = tpu.memref_slice %arg4[%arg1, %scan3A_32, %dma_start3A, %dma_start3A_38] : memref<16x10x25x80xi32, #tpu.memory_space<hbm>> -> memref<1x1x25x80xi32, #tpu.memory_space<hbm>>
          %dma_start3A_40 = tpu.memref_squeeze %dma_start3A_39 : memref<1x1x25x80xi32, #tpu.memory_space<hbm>> -> memref<25x80xi32, #tpu.memory_space<hbm>>
          %dma_start3A_41 = arith.constant 0 : i32
          %dma_start3A_42 = arith.constant 0 : i32
          %dma_start3A_43 = tpu.memref_slice %arg4[%arg1, %scan3A_32, %dma_start3A_41, %dma_start3A_42] : memref<16x10x25x80xi32, #tpu.memory_space<hbm>> -> memref<1x1x25x80xi32, #tpu.memory_space<hbm>>
          %dma_start3A_44 = tpu.memref_squeeze %dma_start3A_43 : memref<1x1x25x80xi32, #tpu.memory_space<hbm>> -> memref<25x80xi32, #tpu.memory_space<hbm>>
          tpu.enqueue_dma source(%dma_start3A_44 : memref<25x80xi32, #tpu.memory_space<hbm>>) target(%arg9 : memref<25x80xi32, #tpu.memory_space<vmem>>) target_semaphore(%run_scoped3A : memref<!tpu.dma_semaphore, #tpu.memory_space<semaphore_mem>>)
          %dma_wait3A = arith.constant 0 : i32
          %dma_wait3A_45 = arith.constant 0 : i32
          %dma_wait3A_46 = tpu.memref_slice %arg4[%arg1, %scan3A_32, %dma_wait3A, %dma_wait3A_45] : memref<16x10x25x80xi32, #tpu.memory_space<hbm>> -> memref<1x1x25x80xi32, #tpu.memory_space<hbm>>
          %dma_wait3A_47 = tpu.memref_squeeze %dma_wait3A_46 : memref<1x1x25x80xi32, #tpu.memory_space<hbm>> -> memref<25x80xi32, #tpu.memory_space<hbm>>
          %dma_wait3A_48 = arith.constant 0 : i32
          %dma_wait3A_49 = arith.constant 0 : i32
          %dma_wait3A_50 = tpu.memref_slice %arg4[%arg1, %scan3A_32, %dma_wait3A_48, %dma_wait3A_49] : memref<16x10x25x80xi32, #tpu.memory_space<hbm>> -> memref<1x1x25x80xi32, #tpu.memory_space<hbm>>
          %dma_wait3A_51 = tpu.memref_squeeze %dma_wait3A_50 : memref<1x1x25x80xi32, #tpu.memory_space<hbm>> -> memref<25x80xi32, #tpu.memory_space<hbm>>
          tpu.wait_dma2 semaphore(%run_scoped3A : memref<!tpu.dma_semaphore, #tpu.memory_space<semaphore_mem>>) src(%dma_wait3A_51 : memref<25x80xi32, #tpu.memory_space<hbm>>) dst(%arg9 : memref<25x80xi32, #tpu.memory_space<vmem>>)
          tpu.yield
        }) : () -> ()
        "tpu.region"() ({
          %run_scoped3A = tpu.sem_alloc : memref<!tpu.dma_semaphore, #tpu.memory_space<semaphore_mem>>
          %dma_start3A = arith.constant 0 : i32
          %dma_start3A_38 = arith.constant 0 : i32
          %dma_start3A_39 = tpu.memref_slice %arg5[%arg1, %scan3A_32, %dma_start3A, %dma_start3A_38] : memref<16x10x25x80xi32, #tpu.memory_space<hbm>> -> memref<1x1x25x80xi32, #tpu.memory_space<hbm>>
          %dma_start3A_40 = tpu.memref_squeeze %dma_start3A_39 : memref<1x1x25x80xi32, #tpu.memory_space<hbm>> -> memref<25x80xi32, #tpu.memory_space<hbm>>
          %dma_start3A_41 = arith.constant 0 : i32
          %dma_start3A_42 = arith.constant 0 : i32
          %dma_start3A_43 = tpu.memref_slice %arg5[%arg1, %scan3A_32, %dma_start3A_41, %dma_start3A_42] : memref<16x10x25x80xi32, #tpu.memory_space<hbm>> -> memref<1x1x25x80xi32, #tpu.memory_space<hbm>>
          %dma_start3A_44 = tpu.memref_squeeze %dma_start3A_43 : memref<1x1x25x80xi32, #tpu.memory_space<hbm>> -> memref<25x80xi32, #tpu.memory_space<hbm>>
          tpu.enqueue_dma source(%dma_start3A_44 : memref<25x80xi32, #tpu.memory_space<hbm>>) target(%arg10 : memref<25x80xi32, #tpu.memory_space<vmem>>) target_semaphore(%run_scoped3A : memref<!tpu.dma_semaphore, #tpu.memory_space<semaphore_mem>>)
          %dma_wait3A = arith.constant 0 : i32
          %dma_wait3A_45 = arith.constant 0 : i32
          %dma_wait3A_46 = tpu.memref_slice %arg5[%arg1, %scan3A_32, %dma_wait3A, %dma_wait3A_45] : memref<16x10x25x80xi32, #tpu.memory_space<hbm>> -> memref<1x1x25x80xi32, #tpu.memory_space<hbm>>
          %dma_wait3A_47 = tpu.memref_squeeze %dma_wait3A_46 : memref<1x1x25x80xi32, #tpu.memory_space<hbm>> -> memref<25x80xi32, #tpu.memory_space<hbm>>
          %dma_wait3A_48 = arith.constant 0 : i32
          %dma_wait3A_49 = arith.constant 0 : i32
          %dma_wait3A_50 = tpu.memref_slice %arg5[%arg1, %scan3A_32, %dma_wait3A_48, %dma_wait3A_49] : memref<16x10x25x80xi32, #tpu.memory_space<hbm>> -> memref<1x1x25x80xi32, #tpu.memory_space<hbm>>
          %dma_wait3A_51 = tpu.memref_squeeze %dma_wait3A_50 : memref<1x1x25x80xi32, #tpu.memory_space<hbm>> -> memref<25x80xi32, #tpu.memory_space<hbm>>
          tpu.wait_dma2 semaphore(%run_scoped3A : memref<!tpu.dma_semaphore, #tpu.memory_space<semaphore_mem>>) src(%dma_wait3A_51 : memref<25x80xi32, #tpu.memory_space<hbm>>) dst(%arg10 : memref<25x80xi32, #tpu.memory_space<vmem>>)
          tpu.yield
        }) : () -> ()
        %scan3A_33 = arith.constant 0 : i32
        %scan3A_34 = arith.constant 25 : i32
        %scan3A_35 = arith.addi %scan3A_33, %scan3A_34 : i32
        %scan3A_36 = arith.constant 1 : i32
        scf.for %scan3A_38 = %scan3A_33 to %scan3A_35 step %scan3A_36  : i32 {
          %dma_start3A = arith.constant 0 : i32
          %dma_start3A_39 = tpu.memref_slice %arg9[%scan3A_38, %dma_start3A] : memref<25x80xi32, #tpu.memory_space<vmem>> -> memref<1x80xi32, #tpu.memory_space<vmem>>
          %dma_start3A_40 = tpu.memref_squeeze %dma_start3A_39 : memref<1x80xi32, #tpu.memory_space<vmem>> -> memref<80xi32, #tpu.memory_space<vmem>>
          %dma_start3A_41 = arith.constant 0 : i32
          %dma_start3A_42 = arith.constant 0 : i32
          %dma_start3A_43 = tpu.memref_slice %arg2[%dma_start3A_41, %dma_start3A_42] : memref<10000x128xf32, #tpu.memory_space<hbm>> -> memref<10000x128xf32, #tpu.memory_space<hbm>>
          tpu.enqueue_indirect_dma source(%dma_start3A_43 : memref<10000x128xf32, #tpu.memory_space<hbm>>) target(%arg11 : memref<80x128xf32, #tpu.memory_space<vmem>>) offsets(%dma_start3A_40 : memref<80xi32, #tpu.memory_space<vmem>>) semaphore(%arg13 : memref<!tpu.dma_semaphore, #tpu.memory_space<semaphore_mem>>)
          %dma_wait3A = arith.constant 0 : i32
          %dma_wait3A_44 = tpu.memref_slice %arg9[%scan3A_38, %dma_wait3A] : memref<25x80xi32, #tpu.memory_space<vmem>> -> memref<1x80xi32, #tpu.memory_space<vmem>>
          %dma_wait3A_45 = tpu.memref_squeeze %dma_wait3A_44 : memref<1x80xi32, #tpu.memory_space<vmem>> -> memref<80xi32, #tpu.memory_space<vmem>>
          %dma_wait3A_46 = arith.constant 0 : i32
          %dma_wait3A_47 = arith.constant 0 : i32
          %dma_wait3A_48 = tpu.memref_slice %arg2[%dma_wait3A_46, %dma_wait3A_47] : memref<10000x128xf32, #tpu.memory_space<hbm>> -> memref<10000x128xf32, #tpu.memory_space<hbm>>
          tpu.wait_indirect_dma semaphore(%arg13 : memref<!tpu.dma_semaphore, #tpu.memory_space<semaphore_mem>>) src(%dma_wait3A_48 : memref<10000x128xf32, #tpu.memory_space<hbm>>) dst(%arg11 : memref<80x128xf32, #tpu.memory_space<vmem>>)
          "tpu.region"() ({
            %run_scoped3A = tpu.sem_alloc : memref<!tpu.dma_semaphore, #tpu.memory_space<semaphore_mem>>
            %dma_start3A_49 = arith.constant 0 : i32
            %dma_start3A_50 = tpu.memref_slice %arg10[%scan3A_38, %dma_start3A_49] : memref<25x80xi32, #tpu.memory_space<vmem>> -> memref<1x80xi32, #tpu.memory_space<vmem>>
            %dma_start3A_51 = tpu.memref_squeeze %dma_start3A_50 : memref<1x80xi32, #tpu.memory_space<vmem>> -> memref<80xi32, #tpu.memory_space<vmem>>
            %dma_start3A_52 = arith.constant 0 : i32
            %dma_start3A_53 = arith.constant 0 : i32
            %dma_start3A_54 = tpu.memref_slice %arg12[%dma_start3A_52, %dma_start3A_53] : memref<10000x128xf32, #tpu.memory_space<vmem_shared>> -> memref<10000x128xf32, #tpu.memory_space<vmem_shared>>
            tpu.enqueue_indirect_dma source(%arg11 : memref<80x128xf32, #tpu.memory_space<vmem>>) target(%dma_start3A_54 : memref<10000x128xf32, #tpu.memory_space<vmem_shared>>) offsets(%dma_start3A_51 : memref<80xi32, #tpu.memory_space<vmem>>) semaphore(%run_scoped3A : memref<!tpu.dma_semaphore, #tpu.memory_space<semaphore_mem>>) {add = true}
            %dma_wait3A_55 = arith.constant 0 : i32
            %dma_wait3A_56 = tpu.memref_slice %arg10[%scan3A_38, %dma_wait3A_55] : memref<25x80xi32, #tpu.memory_space<vmem>> -> memref<1x80xi32, #tpu.memory_space<vmem>>
            %dma_wait3A_57 = tpu.memref_squeeze %dma_wait3A_56 : memref<1x80xi32, #tpu.memory_space<vmem>> -> memref<80xi32, #tpu.memory_space<vmem>>
            %dma_wait3A_58 = arith.constant 0 : i32
            %dma_wait3A_59 = arith.constant 0 : i32
            %dma_wait3A_60 = tpu.memref_slice %arg12[%dma_wait3A_58, %dma_wait3A_59] : memref<10000x128xf32, #tpu.memory_space<vmem_shared>> -> memref<10000x128xf32, #tpu.memory_space<vmem_shared>>
            tpu.wait_indirect_dma semaphore(%run_scoped3A : memref<!tpu.dma_semaphore, #tpu.memory_space<semaphore_mem>>) src(%arg11 : memref<80x128xf32, #tpu.memory_space<vmem>>) dst(%dma_wait3A_60 : memref<10000x128xf32, #tpu.memory_space<vmem_shared>>)
            tpu.yield
          }) : () -> ()
        }
        %scan3A_37 = arith.constant 25 : i32
      }
      %scan3A_20 = arith.constant 10 : i32
      %barrier3A_21 = arith.constant 0 : index
      tpu.barrier barrier_id(%barrier3A_21)
      %lt3A_22 = arith.constant 15 : i32
      %lt3A_23 = arith.cmpi slt, %arg1, %lt3A_22 : i32
      %convert_element_type3A_24 = arith.extui %lt3A_23 : i1 to i32
      %cond3A_25 = arith.constant 0 : i32
      %cond3A_26 = arith.cmpi ne, %convert_element_type3A_24, %cond3A_25 : i32
      scf.if %cond3A_26 {
        %mul3A = arith.constant 624 : i32
        %mul3A_32 = arith.muli %arg1, %mul3A : i32
        %mul3A_33 = arith.constant 624 : i32
        %mul3A_34 = arith.muli %arg1, %mul3A_33 : i32
        "tpu.region"() ({
          %run_scoped3A = tpu.sem_alloc : memref<!tpu.dma_semaphore, #tpu.memory_space<semaphore_mem>>
          %dma_start3A = arith.constant 0 : i32
          %dma_start3A_35 = tpu.memref_slice %arg7[%mul3A_34, %dma_start3A] : memref<10000x128xf32, #tpu.memory_space<hbm>> -> memref<624x128xf32, #tpu.memory_space<hbm>>
          %dma_start3A_36 = arith.constant 0 : i32
          %dma_start3A_37 = tpu.memref_slice %arg12[%mul3A_32, %dma_start3A_36] : memref<10000x128xf32, #tpu.memory_space<vmem_shared>> -> memref<624x128xf32, #tpu.memory_space<vmem_shared>>
          tpu.enqueue_dma source(%dma_start3A_37 : memref<624x128xf32, #tpu.memory_space<vmem_shared>>) target(%dma_start3A_35 : memref<624x128xf32, #tpu.memory_space<hbm>>) target_semaphore(%run_scoped3A : memref<!tpu.dma_semaphore, #tpu.memory_space<semaphore_mem>>)
          %dma_wait3A = arith.constant 0 : i32
          %dma_wait3A_38 = tpu.memref_slice %arg7[%mul3A_34, %dma_wait3A] : memref<10000x128xf32, #tpu.memory_space<hbm>> -> memref<624x128xf32, #tpu.memory_space<hbm>>
          %dma_wait3A_39 = arith.constant 0 : i32
          %dma_wait3A_40 = tpu.memref_slice %arg12[%mul3A_32, %dma_wait3A_39] : memref<10000x128xf32, #tpu.memory_space<vmem_shared>> -> memref<624x128xf32, #tpu.memory_space<vmem_shared>>
          tpu.wait_dma2 semaphore(%run_scoped3A : memref<!tpu.dma_semaphore, #tpu.memory_space<semaphore_mem>>) src(%dma_wait3A_40 : memref<624x128xf32, #tpu.memory_space<vmem_shared>>) dst(%dma_wait3A_38 : memref<624x128xf32, #tpu.memory_space<hbm>>)
          tpu.yield
        }) : () -> ()
      } else {
      }
      %eq3A_27 = arith.constant 15 : i32
      %eq3A_28 = arith.cmpi eq, %arg1, %eq3A_27 : i32
      %convert_element_type3A_29 = arith.extui %eq3A_28 : i1 to i32
      %cond3A_30 = arith.constant 0 : i32
      %cond3A_31 = arith.cmpi ne, %convert_element_type3A_29, %cond3A_30 : i32
      scf.if %cond3A_31 {
        "tpu.region"() ({
          %run_scoped3A = tpu.sem_alloc : memref<!tpu.dma_semaphore, #tpu.memory_space<semaphore_mem>>
          %dma_start3A = arith.constant 9360 : i32
          %dma_start3A_32 = arith.constant 0 : i32
          %dma_start3A_33 = tpu.memref_slice %arg7[%dma_start3A, %dma_start3A_32] : memref<10000x128xf32, #tpu.memory_space<hbm>> -> memref<640x128xf32, #tpu.memory_space<hbm>>
          %dma_start3A_34 = arith.constant 9360 : i32
          %dma_start3A_35 = arith.constant 0 : i32
          %dma_start3A_36 = tpu.memref_slice %arg12[%dma_start3A_34, %dma_start3A_35] : memref<10000x128xf32, #tpu.memory_space<vmem_shared>> -> memref<640x128xf32, #tpu.memory_space<vmem_shared>>
          tpu.enqueue_dma source(%dma_start3A_36 : memref<640x128xf32, #tpu.memory_space<vmem_shared>>) target(%dma_start3A_33 : memref<640x128xf32, #tpu.memory_space<hbm>>) target_semaphore(%run_scoped3A : memref<!tpu.dma_semaphore, #tpu.memory_space<semaphore_mem>>)
          %dma_wait3A = arith.constant 9360 : i32
          %dma_wait3A_37 = arith.constant 0 : i32
          %dma_wait3A_38 = tpu.memref_slice %arg7[%dma_wait3A, %dma_wait3A_37] : memref<10000x128xf32, #tpu.memory_space<hbm>> -> memref<640x128xf32, #tpu.memory_space<hbm>>
          %dma_wait3A_39 = arith.constant 9360 : i32
          %dma_wait3A_40 = arith.constant 0 : i32
          %dma_wait3A_41 = tpu.memref_slice %arg12[%dma_wait3A_39, %dma_wait3A_40] : memref<10000x128xf32, #tpu.memory_space<vmem_shared>> -> memref<640x128xf32, #tpu.memory_space<vmem_shared>>
          tpu.wait_dma2 semaphore(%run_scoped3A : memref<!tpu.dma_semaphore, #tpu.memory_space<semaphore_mem>>) src(%dma_wait3A_41 : memref<640x128xf32, #tpu.memory_space<vmem_shared>>) dst(%dma_wait3A_38 : memref<640x128xf32, #tpu.memory_space<hbm>>)
          tpu.yield
        }) : () -> ()
      } else {
      }
    } else {
    }
    %eq3A_11 = arith.constant 1 : i32
    %eq3A_12 = arith.cmpi eq, %arg0, %eq3A_11 : i32
    %convert_element_type3A_13 = arith.extui %eq3A_12 : i1 to i32
    %cond3A_14 = arith.constant 0 : i32
    %cond3A_15 = arith.cmpi ne, %convert_element_type3A_13, %cond3A_14 : i32
    scf.if %cond3A_15 {
      %scan3A = arith.constant 0 : i32
      %scan3A_16 = arith.constant 0 : i32
      %scan3A_17 = arith.constant 10 : i32
      %scan3A_18 = arith.addi %scan3A_16, %scan3A_17 : i32
      %scan3A_19 = arith.constant 1 : i32
      scf.for %scan3A_32 = %scan3A_16 to %scan3A_18 step %scan3A_19  : i32 {
        "tpu.region"() ({
          %run_scoped3A = tpu.sem_alloc : memref<!tpu.dma_semaphore, #tpu.memory_space<semaphore_mem>>
          %dma_start3A = arith.constant 0 : i32
          %dma_start3A_38 = arith.constant 0 : i32
          %dma_start3A_39 = tpu.memref_slice %arg4[%arg1, %scan3A_32, %dma_start3A, %dma_start3A_38] : memref<16x10x25x80xi32, #tpu.memory_space<hbm>> -> memref<1x1x25x80xi32, #tpu.memory_space<hbm>>
          %dma_start3A_40 = tpu.memref_squeeze %dma_start3A_39 : memref<1x1x25x80xi32, #tpu.memory_space<hbm>> -> memref<25x80xi32, #tpu.memory_space<hbm>>
          %dma_start3A_41 = arith.constant 0 : i32
          %dma_start3A_42 = arith.constant 0 : i32
          %dma_start3A_43 = tpu.memref_slice %arg4[%arg1, %scan3A_32, %dma_start3A_41, %dma_start3A_42] : memref<16x10x25x80xi32, #tpu.memory_space<hbm>> -> memref<1x1x25x80xi32, #tpu.memory_space<hbm>>
          %dma_start3A_44 = tpu.memref_squeeze %dma_start3A_43 : memref<1x1x25x80xi32, #tpu.memory_space<hbm>> -> memref<25x80xi32, #tpu.memory_space<hbm>>
          tpu.enqueue_dma source(%dma_start3A_44 : memref<25x80xi32, #tpu.memory_space<hbm>>) target(%arg9 : memref<25x80xi32, #tpu.memory_space<vmem>>) target_semaphore(%run_scoped3A : memref<!tpu.dma_semaphore, #tpu.memory_space<semaphore_mem>>)
          %dma_wait3A = arith.constant 0 : i32
          %dma_wait3A_45 = arith.constant 0 : i32
          %dma_wait3A_46 = tpu.memref_slice %arg4[%arg1, %scan3A_32, %dma_wait3A, %dma_wait3A_45] : memref<16x10x25x80xi32, #tpu.memory_space<hbm>> -> memref<1x1x25x80xi32, #tpu.memory_space<hbm>>
          %dma_wait3A_47 = tpu.memref_squeeze %dma_wait3A_46 : memref<1x1x25x80xi32, #tpu.memory_space<hbm>> -> memref<25x80xi32, #tpu.memory_space<hbm>>
          %dma_wait3A_48 = arith.constant 0 : i32
          %dma_wait3A_49 = arith.constant 0 : i32
          %dma_wait3A_50 = tpu.memref_slice %arg4[%arg1, %scan3A_32, %dma_wait3A_48, %dma_wait3A_49] : memref<16x10x25x80xi32, #tpu.memory_space<hbm>> -> memref<1x1x25x80xi32, #tpu.memory_space<hbm>>
          %dma_wait3A_51 = tpu.memref_squeeze %dma_wait3A_50 : memref<1x1x25x80xi32, #tpu.memory_space<hbm>> -> memref<25x80xi32, #tpu.memory_space<hbm>>
          tpu.wait_dma2 semaphore(%run_scoped3A : memref<!tpu.dma_semaphore, #tpu.memory_space<semaphore_mem>>) src(%dma_wait3A_51 : memref<25x80xi32, #tpu.memory_space<hbm>>) dst(%arg9 : memref<25x80xi32, #tpu.memory_space<vmem>>)
          tpu.yield
        }) : () -> ()
        "tpu.region"() ({
          %run_scoped3A = tpu.sem_alloc : memref<!tpu.dma_semaphore, #tpu.memory_space<semaphore_mem>>
          %dma_start3A = arith.constant 0 : i32
          %dma_start3A_38 = arith.constant 0 : i32
          %dma_start3A_39 = tpu.memref_slice %arg5[%arg1, %scan3A_32, %dma_start3A, %dma_start3A_38] : memref<16x10x25x80xi32, #tpu.memory_space<hbm>> -> memref<1x1x25x80xi32, #tpu.memory_space<hbm>>
          %dma_start3A_40 = tpu.memref_squeeze %dma_start3A_39 : memref<1x1x25x80xi32, #tpu.memory_space<hbm>> -> memref<25x80xi32, #tpu.memory_space<hbm>>
          %dma_start3A_41 = arith.constant 0 : i32
          %dma_start3A_42 = arith.constant 0 : i32
          %dma_start3A_43 = tpu.memref_slice %arg5[%arg1, %scan3A_32, %dma_start3A_41, %dma_start3A_42] : memref<16x10x25x80xi32, #tpu.memory_space<hbm>> -> memref<1x1x25x80xi32, #tpu.memory_space<hbm>>
          %dma_start3A_44 = tpu.memref_squeeze %dma_start3A_43 : memref<1x1x25x80xi32, #tpu.memory_space<hbm>> -> memref<25x80xi32, #tpu.memory_space<hbm>>
          tpu.enqueue_dma source(%dma_start3A_44 : memref<25x80xi32, #tpu.memory_space<hbm>>) target(%arg10 : memref<25x80xi32, #tpu.memory_space<vmem>>) target_semaphore(%run_scoped3A : memref<!tpu.dma_semaphore, #tpu.memory_space<semaphore_mem>>)
          %dma_wait3A = arith.constant 0 : i32
          %dma_wait3A_45 = arith.constant 0 : i32
          %dma_wait3A_46 = tpu.memref_slice %arg5[%arg1, %scan3A_32, %dma_wait3A, %dma_wait3A_45] : memref<16x10x25x80xi32, #tpu.memory_space<hbm>> -> memref<1x1x25x80xi32, #tpu.memory_space<hbm>>
          %dma_wait3A_47 = tpu.memref_squeeze %dma_wait3A_46 : memref<1x1x25x80xi32, #tpu.memory_space<hbm>> -> memref<25x80xi32, #tpu.memory_space<hbm>>
          %dma_wait3A_48 = arith.constant 0 : i32
          %dma_wait3A_49 = arith.constant 0 : i32
          %dma_wait3A_50 = tpu.memref_slice %arg5[%arg1, %scan3A_32, %dma_wait3A_48, %dma_wait3A_49] : memref<16x10x25x80xi32, #tpu.memory_space<hbm>> -> memref<1x1x25x80xi32, #tpu.memory_space<hbm>>
          %dma_wait3A_51 = tpu.memref_squeeze %dma_wait3A_50 : memref<1x1x25x80xi32, #tpu.memory_space<hbm>> -> memref<25x80xi32, #tpu.memory_space<hbm>>
          tpu.wait_dma2 semaphore(%run_scoped3A : memref<!tpu.dma_semaphore, #tpu.memory_space<semaphore_mem>>) src(%dma_wait3A_51 : memref<25x80xi32, #tpu.memory_space<hbm>>) dst(%arg10 : memref<25x80xi32, #tpu.memory_space<vmem>>)
          tpu.yield
        }) : () -> ()
        %scan3A_33 = arith.constant 0 : i32
        %scan3A_34 = arith.constant 25 : i32
        %scan3A_35 = arith.addi %scan3A_33, %scan3A_34 : i32
        %scan3A_36 = arith.constant 1 : i32
        scf.for %scan3A_38 = %scan3A_33 to %scan3A_35 step %scan3A_36  : i32 {
          %dma_start3A = arith.constant 0 : i32
          %dma_start3A_39 = tpu.memref_slice %arg9[%scan3A_38, %dma_start3A] : memref<25x80xi32, #tpu.memory_space<vmem>> -> memref<1x80xi32, #tpu.memory_space<vmem>>
          %dma_start3A_40 = tpu.memref_squeeze %dma_start3A_39 : memref<1x80xi32, #tpu.memory_space<vmem>> -> memref<80xi32, #tpu.memory_space<vmem>>
          %dma_start3A_41 = arith.constant 0 : i32
          %dma_start3A_42 = arith.constant 0 : i32
          %dma_start3A_43 = tpu.memref_slice %arg3[%dma_start3A_41, %dma_start3A_42] : memref<10000x128xf32, #tpu.memory_space<hbm>> -> memref<10000x128xf32, #tpu.memory_space<hbm>>
          tpu.enqueue_indirect_dma source(%dma_start3A_43 : memref<10000x128xf32, #tpu.memory_space<hbm>>) target(%arg11 : memref<80x128xf32, #tpu.memory_space<vmem>>) offsets(%dma_start3A_40 : memref<80xi32, #tpu.memory_space<vmem>>) semaphore(%arg13 : memref<!tpu.dma_semaphore, #tpu.memory_space<semaphore_mem>>)
          %dma_wait3A = arith.constant 0 : i32
          %dma_wait3A_44 = tpu.memref_slice %arg9[%scan3A_38, %dma_wait3A] : memref<25x80xi32, #tpu.memory_space<vmem>> -> memref<1x80xi32, #tpu.memory_space<vmem>>
          %dma_wait3A_45 = tpu.memref_squeeze %dma_wait3A_44 : memref<1x80xi32, #tpu.memory_space<vmem>> -> memref<80xi32, #tpu.memory_space<vmem>>
          %dma_wait3A_46 = arith.constant 0 : i32
          %dma_wait3A_47 = arith.constant 0 : i32
          %dma_wait3A_48 = tpu.memref_slice %arg3[%dma_wait3A_46, %dma_wait3A_47] : memref<10000x128xf32, #tpu.memory_space<hbm>> -> memref<10000x128xf32, #tpu.memory_space<hbm>>
          tpu.wait_indirect_dma semaphore(%arg13 : memref<!tpu.dma_semaphore, #tpu.memory_space<semaphore_mem>>) src(%dma_wait3A_48 : memref<10000x128xf32, #tpu.memory_space<hbm>>) dst(%arg11 : memref<80x128xf32, #tpu.memory_space<vmem>>)
          "tpu.region"() ({
            %run_scoped3A = tpu.sem_alloc : memref<!tpu.dma_semaphore, #tpu.memory_space<semaphore_mem>>
            %dma_start3A_49 = arith.constant 0 : i32
            %dma_start3A_50 = tpu.memref_slice %arg10[%scan3A_38, %dma_start3A_49] : memref<25x80xi32, #tpu.memory_space<vmem>> -> memref<1x80xi32, #tpu.memory_space<vmem>>
            %dma_start3A_51 = tpu.memref_squeeze %dma_start3A_50 : memref<1x80xi32, #tpu.memory_space<vmem>> -> memref<80xi32, #tpu.memory_space<vmem>>
            %dma_start3A_52 = arith.constant 0 : i32
            %dma_start3A_53 = arith.constant 0 : i32
            %dma_start3A_54 = tpu.memref_slice %arg12[%dma_start3A_52, %dma_start3A_53] : memref<10000x128xf32, #tpu.memory_space<vmem_shared>> -> memref<10000x128xf32, #tpu.memory_space<vmem_shared>>
            tpu.enqueue_indirect_dma source(%arg11 : memref<80x128xf32, #tpu.memory_space<vmem>>) target(%dma_start3A_54 : memref<10000x128xf32, #tpu.memory_space<vmem_shared>>) offsets(%dma_start3A_51 : memref<80xi32, #tpu.memory_space<vmem>>) semaphore(%run_scoped3A : memref<!tpu.dma_semaphore, #tpu.memory_space<semaphore_mem>>) {add = true}
            %dma_wait3A_55 = arith.constant 0 : i32
            %dma_wait3A_56 = tpu.memref_slice %arg10[%scan3A_38, %dma_wait3A_55] : memref<25x80xi32, #tpu.memory_space<vmem>> -> memref<1x80xi32, #tpu.memory_space<vmem>>
            %dma_wait3A_57 = tpu.memref_squeeze %dma_wait3A_56 : memref<1x80xi32, #tpu.memory_space<vmem>> -> memref<80xi32, #tpu.memory_space<vmem>>
            %dma_wait3A_58 = arith.constant 0 : i32
            %dma_wait3A_59 = arith.constant 0 : i32
            %dma_wait3A_60 = tpu.memref_slice %arg12[%dma_wait3A_58, %dma_wait3A_59] : memref<10000x128xf32, #tpu.memory_space<vmem_shared>> -> memref<10000x128xf32, #tpu.memory_space<vmem_shared>>
            tpu.wait_indirect_dma semaphore(%run_scoped3A : memref<!tpu.dma_semaphore, #tpu.memory_space<semaphore_mem>>) src(%arg11 : memref<80x128xf32, #tpu.memory_space<vmem>>) dst(%dma_wait3A_60 : memref<10000x128xf32, #tpu.memory_space<vmem_shared>>)
            tpu.yield
          }) : () -> ()
        }
        %scan3A_37 = arith.constant 25 : i32
      }
      %scan3A_20 = arith.constant 10 : i32
      %barrier3A_21 = arith.constant 0 : index
      tpu.barrier barrier_id(%barrier3A_21)
      %lt3A_22 = arith.constant 15 : i32
      %lt3A_23 = arith.cmpi slt, %arg1, %lt3A_22 : i32
      %convert_element_type3A_24 = arith.extui %lt3A_23 : i1 to i32
      %cond3A_25 = arith.constant 0 : i32
      %cond3A_26 = arith.cmpi ne, %convert_element_type3A_24, %cond3A_25 : i32
      scf.if %cond3A_26 {
        %mul3A = arith.constant 624 : i32
        %mul3A_32 = arith.muli %arg1, %mul3A : i32
        %mul3A_33 = arith.constant 624 : i32
        %mul3A_34 = arith.muli %arg1, %mul3A_33 : i32
        "tpu.region"() ({
          %run_scoped3A = tpu.sem_alloc : memref<!tpu.dma_semaphore, #tpu.memory_space<semaphore_mem>>
          %dma_start3A = arith.constant 0 : i32
          %dma_start3A_35 = tpu.memref_slice %arg8[%mul3A_34, %dma_start3A] : memref<10000x128xf32, #tpu.memory_space<hbm>> -> memref<624x128xf32, #tpu.memory_space<hbm>>
          %dma_start3A_36 = arith.constant 0 : i32
          %dma_start3A_37 = tpu.memref_slice %arg12[%mul3A_32, %dma_start3A_36] : memref<10000x128xf32, #tpu.memory_space<vmem_shared>> -> memref<624x128xf32, #tpu.memory_space<vmem_shared>>
          tpu.enqueue_dma source(%dma_start3A_37 : memref<624x128xf32, #tpu.memory_space<vmem_shared>>) target(%dma_start3A_35 : memref<624x128xf32, #tpu.memory_space<hbm>>) target_semaphore(%run_scoped3A : memref<!tpu.dma_semaphore, #tpu.memory_space<semaphore_mem>>)
          %dma_wait3A = arith.constant 0 : i32
          %dma_wait3A_38 = tpu.memref_slice %arg8[%mul3A_34, %dma_wait3A] : memref<10000x128xf32, #tpu.memory_space<hbm>> -> memref<624x128xf32, #tpu.memory_space<hbm>>
          %dma_wait3A_39 = arith.constant 0 : i32
          %dma_wait3A_40 = tpu.memref_slice %arg12[%mul3A_32, %dma_wait3A_39] : memref<10000x128xf32, #tpu.memory_space<vmem_shared>> -> memref<624x128xf32, #tpu.memory_space<vmem_shared>>
          tpu.wait_dma2 semaphore(%run_scoped3A : memref<!tpu.dma_semaphore, #tpu.memory_space<semaphore_mem>>) src(%dma_wait3A_40 : memref<624x128xf32, #tpu.memory_space<vmem_shared>>) dst(%dma_wait3A_38 : memref<624x128xf32, #tpu.memory_space<hbm>>)
          tpu.yield
        }) : () -> ()
      } else {
      }
      %eq3A_27 = arith.constant 15 : i32
      %eq3A_28 = arith.cmpi eq, %arg1, %eq3A_27 : i32
      %convert_element_type3A_29 = arith.extui %eq3A_28 : i1 to i32
      %cond3A_30 = arith.constant 0 : i32
      %cond3A_31 = arith.cmpi ne, %convert_element_type3A_29, %cond3A_30 : i32
      scf.if %cond3A_31 {
        "tpu.region"() ({
          %run_scoped3A = tpu.sem_alloc : memref<!tpu.dma_semaphore, #tpu.memory_space<semaphore_mem>>
          %dma_start3A = arith.constant 9360 : i32
          %dma_start3A_32 = arith.constant 0 : i32
          %dma_start3A_33 = tpu.memref_slice %arg8[%dma_start3A, %dma_start3A_32] : memref<10000x128xf32, #tpu.memory_space<hbm>> -> memref<640x128xf32, #tpu.memory_space<hbm>>
          %dma_start3A_34 = arith.constant 9360 : i32
          %dma_start3A_35 = arith.constant 0 : i32
          %dma_start3A_36 = tpu.memref_slice %arg12[%dma_start3A_34, %dma_start3A_35] : memref<10000x128xf32, #tpu.memory_space<vmem_shared>> -> memref<640x128xf32, #tpu.memory_space<vmem_shared>>
          tpu.enqueue_dma source(%dma_start3A_36 : memref<640x128xf32, #tpu.memory_space<vmem_shared>>) target(%dma_start3A_33 : memref<640x128xf32, #tpu.memory_space<hbm>>) target_semaphore(%run_scoped3A : memref<!tpu.dma_semaphore, #tpu.memory_space<semaphore_mem>>)
          %dma_wait3A = arith.constant 9360 : i32
          %dma_wait3A_37 = arith.constant 0 : i32
          %dma_wait3A_38 = tpu.memref_slice %arg8[%dma_wait3A, %dma_wait3A_37] : memref<10000x128xf32, #tpu.memory_space<hbm>> -> memref<640x128xf32, #tpu.memory_space<hbm>>
          %dma_wait3A_39 = arith.constant 9360 : i32
          %dma_wait3A_40 = arith.constant 0 : i32
          %dma_wait3A_41 = tpu.memref_slice %arg12[%dma_wait3A_39, %dma_wait3A_40] : memref<10000x128xf32, #tpu.memory_space<vmem_shared>> -> memref<640x128xf32, #tpu.memory_space<vmem_shared>>
          tpu.wait_dma2 semaphore(%run_scoped3A : memref<!tpu.dma_semaphore, #tpu.memory_space<semaphore_mem>>) src(%dma_wait3A_41 : memref<640x128xf32, #tpu.memory_space<vmem_shared>>) dst(%dma_wait3A_38 : memref<640x128xf32, #tpu.memory_space<hbm>>)
          tpu.yield
        }) : () -> ()
      } else {
      }
    } else {
    }
    return
  }
}

module attributes {stable_mosaic.version = 14 : i64} {
  func.func @_lambda_(%arg0: i32, %arg1: memref<512x128xf32, #tpu.memory_space<vmem>>, %arg2: memref<512x128xf32, #tpu.memory_space<vmem>>, %arg3: memref<512x1xf32, #tpu.memory_space<vmem>>, %arg4: memref<512x64xf32, #tpu.memory_space<vmem>>, %arg5: memref<512x64xf32, #tpu.memory_space<vmem>>, %arg6: memref<128x256xf32, #tpu.memory_space<vmem>>, %arg7: memref<128x256xf32, #tpu.memory_space<vmem>>, %arg8: memref<64x256xf32, #tpu.memory_space<vmem>>, %arg9: memref<64x256xf32, #tpu.memory_space<vmem>>, %arg10: memref<1x256xf32, #tpu.memory_space<vmem>>, %arg11: memref<512x128xf32, #tpu.memory_space<vmem>>, %arg12: memref<512x128xf32, #tpu.memory_space<vmem>>) attributes {dimension_semantics = [#tpu.dimension_semantics<arbitrary>], iteration_bounds = array<i64: 20>, scalar_prefetch = 0 : i64, scratch_operands = 0 : i64, tpu.core_type = #tpu.core_type<tc>, window_params = [{transform_indices = @transform_0, window_bounds = array<i64: 512, 128>}, {transform_indices = @transform_1, window_bounds = array<i64: 512, 128>}, {transform_indices = @transform_2, window_bounds = array<i64: 512, 1>}, {transform_indices = @transform_3, window_bounds = array<i64: 512, 64>}, {transform_indices = @transform_4, window_bounds = array<i64: 512, 64>}, {pipeline_mode = #tpu.pipeline_mode<synchronous>, transform_indices = @transform_5, window_bounds = array<i64: 128, 256>}, {pipeline_mode = #tpu.pipeline_mode<synchronous>, transform_indices = @transform_6, window_bounds = array<i64: 128, 256>}, {pipeline_mode = #tpu.pipeline_mode<synchronous>, transform_indices = @transform_7, window_bounds = array<i64: 64, 256>}, {pipeline_mode = #tpu.pipeline_mode<synchronous>, transform_indices = @transform_8, window_bounds = array<i64: 64, 256>}, {pipeline_mode = #tpu.pipeline_mode<synchronous>, transform_indices = @transform_9, window_bounds = array<i64: 1, 256>}, {transform_indices = @transform_10, window_bounds = array<i64: 512, 128>}, {transform_indices = @transform_11, window_bounds = array<i64: 512, 128>}]} {
    %get3A = arith.constant 0 : index
    %get3A_0 = arith.constant 0 : index
    %get3A_1 = vector.load %arg3[%get3A, %get3A_0] : memref<512x1xf32, #tpu.memory_space<vmem>>, vector<512x1xf32>
    %max3A = arith.constant 1.000000e+00 : f32
    %max3A_2 = vector.broadcast %max3A : f32 to vector<512x1xf32>
    %max3A_3 = arith.maximumf %get3A_1, %max3A_2 : vector<512x1xf32>
    %get3A_4 = arith.constant 0 : index
    %get3A_5 = arith.constant 0 : index
    %get3A_6 = vector.load %arg10[%get3A_4, %get3A_5] : memref<1x256xf32, #tpu.memory_space<vmem>>, vector<1x256xf32>
    %get3A_7 = arith.constant 0 : index
    %get3A_8 = arith.constant 0 : index
    %get3A_9 = vector.load %arg1[%get3A_7, %get3A_8] : memref<512x128xf32, #tpu.memory_space<vmem>>, vector<512x128xf32>
    %div3A = vector.broadcast %max3A_3 : vector<512x1xf32> to vector<512x128xf32>
    %div3A_10 = arith.divf %get3A_9, %div3A : vector<512x128xf32>
    %get3A_11 = arith.constant 0 : index
    %get3A_12 = arith.constant 0 : index
    %get3A_13 = vector.load %arg6[%get3A_11, %get3A_12] : memref<128x256xf32, #tpu.memory_space<vmem>>, vector<128x256xf32>
    %dot_general3A = arith.constant dense<0.000000e+00> : vector<512x256xf32>
    %dot_general3A_14 = tpu.matmul %div3A_10, %get3A_13, %dot_general3A {dimension_numbers = #tpu.dot_dimension_numbers<[1], [0], [0], [1], [0, 0, 1, 1], [], []>, transpose_lhs_hint = false} : vector<512x128xf32>, vector<128x256xf32>, vector<512x256xf32> -> vector<512x256xf32>
    %add3A = vector.broadcast %get3A_6 : vector<1x256xf32> to vector<512x256xf32>
    %add3A_15 = arith.addf %add3A, %dot_general3A_14 : vector<512x256xf32>
    %get3A_16 = arith.constant 0 : index
    %get3A_17 = arith.constant 0 : index
    %get3A_18 = vector.load %arg4[%get3A_16, %get3A_17] : memref<512x64xf32, #tpu.memory_space<vmem>>, vector<512x64xf32>
    %get3A_19 = arith.constant 0 : index
    %get3A_20 = arith.constant 0 : index
    %get3A_21 = vector.load %arg8[%get3A_19, %get3A_20] : memref<64x256xf32, #tpu.memory_space<vmem>>, vector<64x256xf32>
    %dot_general3A_22 = arith.constant dense<0.000000e+00> : vector<512x256xf32>
    %dot_general3A_23 = tpu.matmul %get3A_18, %get3A_21, %dot_general3A_22 {dimension_numbers = #tpu.dot_dimension_numbers<[1], [0], [0], [1], [0, 0, 1, 1], [], []>, transpose_lhs_hint = false} : vector<512x64xf32>, vector<64x256xf32>, vector<512x256xf32> -> vector<512x256xf32>
    %add3A_24 = arith.addf %add3A_15, %dot_general3A_23 : vector<512x256xf32>
    %get3A_25 = arith.constant 0 : index
    %get3A_26 = arith.constant 0 : index
    %get3A_27 = vector.load %arg2[%get3A_25, %get3A_26] : memref<512x128xf32, #tpu.memory_space<vmem>>, vector<512x128xf32>
    %div3A_28 = vector.broadcast %max3A_3 : vector<512x1xf32> to vector<512x128xf32>
    %div3A_29 = arith.divf %get3A_27, %div3A_28 : vector<512x128xf32>
    %get3A_30 = arith.constant 0 : index
    %get3A_31 = arith.constant 0 : index
    %get3A_32 = vector.load %arg7[%get3A_30, %get3A_31] : memref<128x256xf32, #tpu.memory_space<vmem>>, vector<128x256xf32>
    %dot_general3A_33 = arith.constant dense<0.000000e+00> : vector<512x256xf32>
    %dot_general3A_34 = tpu.matmul %div3A_29, %get3A_32, %dot_general3A_33 {dimension_numbers = #tpu.dot_dimension_numbers<[1], [0], [0], [1], [0, 0, 1, 1], [], []>, transpose_lhs_hint = false} : vector<512x128xf32>, vector<128x256xf32>, vector<512x256xf32> -> vector<512x256xf32>
    %add3A_35 = arith.addf %add3A_24, %dot_general3A_34 : vector<512x256xf32>
    %get3A_36 = arith.constant 0 : index
    %get3A_37 = arith.constant 0 : index
    %get3A_38 = vector.load %arg5[%get3A_36, %get3A_37] : memref<512x64xf32, #tpu.memory_space<vmem>>, vector<512x64xf32>
    %get3A_39 = arith.constant 0 : index
    %get3A_40 = arith.constant 0 : index
    %get3A_41 = vector.load %arg9[%get3A_39, %get3A_40] : memref<64x256xf32, #tpu.memory_space<vmem>>, vector<64x256xf32>
    %dot_general3A_42 = arith.constant dense<0.000000e+00> : vector<512x256xf32>
    %dot_general3A_43 = tpu.matmul %get3A_38, %get3A_41, %dot_general3A_42 {dimension_numbers = #tpu.dot_dimension_numbers<[1], [0], [0], [1], [0, 0, 1, 1], [], []>, transpose_lhs_hint = false} : vector<512x64xf32>, vector<64x256xf32>, vector<512x256xf32> -> vector<512x256xf32>
    %add3A_44 = arith.addf %add3A_35, %dot_general3A_43 : vector<512x256xf32>
    %max3A_45 = arith.constant 0.000000e+00 : f32
    %max3A_46 = vector.broadcast %max3A_45 : f32 to vector<512x256xf32>
    %max3A_47 = arith.maximumf %add3A_44, %max3A_46 : vector<512x256xf32>
    %slice3A = vector.extract_strided_slice %max3A_47 {offsets = [0, 0], sizes = [512, 128], strides = [1, 1]} : vector<512x256xf32> to vector<512x128xf32>
    %swap3A = arith.constant 0 : index
    %swap3A_48 = arith.constant 0 : index
    %swap3A_49 = vector.load %arg11[%swap3A, %swap3A_48] : memref<512x128xf32, #tpu.memory_space<vmem>>, vector<512x128xf32>
    tpu.vector_store %arg11[%swap3A, %swap3A_48], %slice3A {strides = array<i32>} : memref<512x128xf32, #tpu.memory_space<vmem>>, vector<512x128xf32>,
    %slice3A_50 = vector.extract_strided_slice %max3A_47 {offsets = [0, 128], sizes = [512, 128], strides = [1, 1]} : vector<512x256xf32> to vector<512x128xf32>
    %swap3A_51 = arith.constant 0 : index
    %swap3A_52 = arith.constant 0 : index
    %swap3A_53 = vector.load %arg12[%swap3A_51, %swap3A_52] : memref<512x128xf32, #tpu.memory_space<vmem>>, vector<512x128xf32>
    tpu.vector_store %arg12[%swap3A_51, %swap3A_52], %slice3A_50 {strides = array<i32>} : memref<512x128xf32, #tpu.memory_space<vmem>>, vector<512x128xf32>,
    return
  }
  func.func @transform_0(%arg0: i32) -> (i32, i32) {
    %c0_i32 = arith.constant 0 : i32
    %c0_i32_0 = arith.constant 0 : i32
    return %arg0, %c0_i32 : i32, i32
  }
  func.func @transform_1(%arg0: i32) -> (i32, i32) {
    %c0_i32 = arith.constant 0 : i32
    %c0_i32_0 = arith.constant 0 : i32
    return %arg0, %c0_i32 : i32, i32
  }
  func.func @transform_2(%arg0: i32) -> (i32, i32) {
    %c0_i32 = arith.constant 0 : i32
    %c0_i32_0 = arith.constant 0 : i32
    return %arg0, %c0_i32 : i32, i32
  }
  func.func @transform_3(%arg0: i32) -> (i32, i32) {
    %c0_i32 = arith.constant 0 : i32
    %c0_i32_0 = arith.constant 0 : i32
    return %arg0, %c0_i32 : i32, i32
  }
  func.func @transform_4(%arg0: i32) -> (i32, i32) {
    %c0_i32 = arith.constant 0 : i32
    %c0_i32_0 = arith.constant 0 : i32
    return %arg0, %c0_i32 : i32, i32
  }
  func.func @transform_5(%arg0: i32) -> (i32, i32) {
    %c0_i32 = arith.constant 0 : i32
    %c0_i32_0 = arith.constant 0 : i32
    %c0_i32_1 = arith.constant 0 : i32
    return %c0_i32, %c0_i32_0 : i32, i32
  }
  func.func @transform_6(%arg0: i32) -> (i32, i32) {
    %c0_i32 = arith.constant 0 : i32
    %c0_i32_0 = arith.constant 0 : i32
    %c0_i32_1 = arith.constant 0 : i32
    return %c0_i32, %c0_i32_0 : i32, i32
  }
  func.func @transform_7(%arg0: i32) -> (i32, i32) {
    %c0_i32 = arith.constant 0 : i32
    %c0_i32_0 = arith.constant 0 : i32
    %c0_i32_1 = arith.constant 0 : i32
    return %c0_i32, %c0_i32_0 : i32, i32
  }
  func.func @transform_8(%arg0: i32) -> (i32, i32) {
    %c0_i32 = arith.constant 0 : i32
    %c0_i32_0 = arith.constant 0 : i32
    %c0_i32_1 = arith.constant 0 : i32
    return %c0_i32, %c0_i32_0 : i32, i32
  }
  func.func @transform_9(%arg0: i32) -> (i32, i32) {
    %c0_i32 = arith.constant 0 : i32
    %c0_i32_0 = arith.constant 0 : i32
    %c0_i32_1 = arith.constant 0 : i32
    return %c0_i32, %c0_i32_0 : i32, i32
  }
  func.func @transform_10(%arg0: i32) -> (i32, i32) {
    %c0_i32 = arith.constant 0 : i32
    %c0_i32_0 = arith.constant 0 : i32
    return %arg0, %c0_i32 : i32, i32
  }
  func.func @transform_11(%arg0: i32) -> (i32, i32) {
    %c0_i32 = arith.constant 0 : i32
    %c0_i32_0 = arith.constant 0 : i32
    return %arg0, %c0_i32 : i32, i32
  }
}

module attributes {stable_mosaic.version = 14 : i64} {
  func.func @_lambda_(%arg0: i32, %arg1: memref<512x128xf32, #tpu.memory_space<vmem>>, %arg2: memref<512x128xf32, #tpu.memory_space<vmem>>, %arg3: memref<512x1xf32, #tpu.memory_space<vmem>>, %arg4: memref<512x128xf32, #tpu.memory_space<vmem>>, %arg5: memref<512x128xf32, #tpu.memory_space<vmem>>, %arg6: memref<128x256xf32, #tpu.memory_space<vmem>>, %arg7: memref<128x256xf32, #tpu.memory_space<vmem>>, %arg8: memref<128x256xf32, #tpu.memory_space<vmem>>, %arg9: memref<128x256xf32, #tpu.memory_space<vmem>>, %arg10: memref<1x256xf32, #tpu.memory_space<vmem>>, %arg11: memref<512x128xf32, #tpu.memory_space<vmem>>, %arg12: memref<512x128xf32, #tpu.memory_space<vmem>>) attributes {dimension_semantics = [#tpu.dimension_semantics<arbitrary>], iteration_bounds = array<i64: 20>, scalar_prefetch = 0 : i64, scratch_operands = 0 : i64, tpu.core_type = #tpu.core_type<tc>, window_params = [{transform_indices = @transform_0, window_bounds = array<i64: 512, 128>}, {transform_indices = @transform_1, window_bounds = array<i64: 512, 128>}, {transform_indices = @transform_2, window_bounds = array<i64: 512, 1>}, {transform_indices = @transform_3, window_bounds = array<i64: 512, 128>}, {transform_indices = @transform_4, window_bounds = array<i64: 512, 128>}, {pipeline_mode = #tpu.pipeline_mode<synchronous>, transform_indices = @transform_5, window_bounds = array<i64: 128, 256>}, {pipeline_mode = #tpu.pipeline_mode<synchronous>, transform_indices = @transform_6, window_bounds = array<i64: 128, 256>}, {pipeline_mode = #tpu.pipeline_mode<synchronous>, transform_indices = @transform_7, window_bounds = array<i64: 128, 256>}, {pipeline_mode = #tpu.pipeline_mode<synchronous>, transform_indices = @transform_8, window_bounds = array<i64: 128, 256>}, {pipeline_mode = #tpu.pipeline_mode<synchronous>, transform_indices = @transform_9, window_bounds = array<i64: 1, 256>}, {transform_indices = @transform_10, window_bounds = array<i64: 512, 128>}, {transform_indices = @transform_11, window_bounds = array<i64: 512, 128>}]} {
    %get3A = arith.constant 0 : index
    %get3A_0 = arith.constant 0 : index
    %get3A_1 = vector.load %arg3[%get3A, %get3A_0] : memref<512x1xf32, #tpu.memory_space<vmem>>, vector<512x1xf32>
    %max3A = arith.constant 1.000000e+00 : f32
    %max3A_2 = vector.broadcast %max3A : f32 to vector<512x1xf32>
    %max3A_3 = arith.maximumf %get3A_1, %max3A_2 : vector<512x1xf32>
    %get3A_4 = arith.constant 0 : index
    %get3A_5 = arith.constant 0 : index
    %get3A_6 = vector.load %arg10[%get3A_4, %get3A_5] : memref<1x256xf32, #tpu.memory_space<vmem>>, vector<1x256xf32>
    %get3A_7 = arith.constant 0 : index
    %get3A_8 = arith.constant 0 : index
    %get3A_9 = vector.load %arg1[%get3A_7, %get3A_8] : memref<512x128xf32, #tpu.memory_space<vmem>>, vector<512x128xf32>
    %div3A = vector.broadcast %max3A_3 : vector<512x1xf32> to vector<512x128xf32>
    %div3A_10 = arith.divf %get3A_9, %div3A : vector<512x128xf32>
    %get3A_11 = arith.constant 0 : index
    %get3A_12 = arith.constant 0 : index
    %get3A_13 = vector.load %arg6[%get3A_11, %get3A_12] : memref<128x256xf32, #tpu.memory_space<vmem>>, vector<128x256xf32>
    %dot_general3A = arith.constant dense<0.000000e+00> : vector<512x256xf32>
    %dot_general3A_14 = tpu.matmul %div3A_10, %get3A_13, %dot_general3A {dimension_numbers = #tpu.dot_dimension_numbers<[1], [0], [0], [1], [0, 0, 1, 1], [], []>, transpose_lhs_hint = false} : vector<512x128xf32>, vector<128x256xf32>, vector<512x256xf32> -> vector<512x256xf32>
    %add3A = vector.broadcast %get3A_6 : vector<1x256xf32> to vector<512x256xf32>
    %add3A_15 = arith.addf %add3A, %dot_general3A_14 : vector<512x256xf32>
    %get3A_16 = arith.constant 0 : index
    %get3A_17 = arith.constant 0 : index
    %get3A_18 = vector.load %arg4[%get3A_16, %get3A_17] : memref<512x128xf32, #tpu.memory_space<vmem>>, vector<512x128xf32>
    %get3A_19 = arith.constant 0 : index
    %get3A_20 = arith.constant 0 : index
    %get3A_21 = vector.load %arg8[%get3A_19, %get3A_20] : memref<128x256xf32, #tpu.memory_space<vmem>>, vector<128x256xf32>
    %dot_general3A_22 = arith.constant dense<0.000000e+00> : vector<512x256xf32>
    %dot_general3A_23 = tpu.matmul %get3A_18, %get3A_21, %dot_general3A_22 {dimension_numbers = #tpu.dot_dimension_numbers<[1], [0], [0], [1], [0, 0, 1, 1], [], []>, transpose_lhs_hint = false} : vector<512x128xf32>, vector<128x256xf32>, vector<512x256xf32> -> vector<512x256xf32>
    %add3A_24 = arith.addf %add3A_15, %dot_general3A_23 : vector<512x256xf32>
    %get3A_25 = arith.constant 0 : index
    %get3A_26 = arith.constant 0 : index
    %get3A_27 = vector.load %arg2[%get3A_25, %get3A_26] : memref<512x128xf32, #tpu.memory_space<vmem>>, vector<512x128xf32>
    %div3A_28 = vector.broadcast %max3A_3 : vector<512x1xf32> to vector<512x128xf32>
    %div3A_29 = arith.divf %get3A_27, %div3A_28 : vector<512x128xf32>
    %get3A_30 = arith.constant 0 : index
    %get3A_31 = arith.constant 0 : index
    %get3A_32 = vector.load %arg7[%get3A_30, %get3A_31] : memref<128x256xf32, #tpu.memory_space<vmem>>, vector<128x256xf32>
    %dot_general3A_33 = arith.constant dense<0.000000e+00> : vector<512x256xf32>
    %dot_general3A_34 = tpu.matmul %div3A_29, %get3A_32, %dot_general3A_33 {dimension_numbers = #tpu.dot_dimension_numbers<[1], [0], [0], [1], [0, 0, 1, 1], [], []>, transpose_lhs_hint = false} : vector<512x128xf32>, vector<128x256xf32>, vector<512x256xf32> -> vector<512x256xf32>
    %add3A_35 = arith.addf %add3A_24, %dot_general3A_34 : vector<512x256xf32>
    %get3A_36 = arith.constant 0 : index
    %get3A_37 = arith.constant 0 : index
    %get3A_38 = vector.load %arg5[%get3A_36, %get3A_37] : memref<512x128xf32, #tpu.memory_space<vmem>>, vector<512x128xf32>
    %get3A_39 = arith.constant 0 : index
    %get3A_40 = arith.constant 0 : index
    %get3A_41 = vector.load %arg9[%get3A_39, %get3A_40] : memref<128x256xf32, #tpu.memory_space<vmem>>, vector<128x256xf32>
    %dot_general3A_42 = arith.constant dense<0.000000e+00> : vector<512x256xf32>
    %dot_general3A_43 = tpu.matmul %get3A_38, %get3A_41, %dot_general3A_42 {dimension_numbers = #tpu.dot_dimension_numbers<[1], [0], [0], [1], [0, 0, 1, 1], [], []>, transpose_lhs_hint = false} : vector<512x128xf32>, vector<128x256xf32>, vector<512x256xf32> -> vector<512x256xf32>
    %add3A_44 = arith.addf %add3A_35, %dot_general3A_43 : vector<512x256xf32>
    %max3A_45 = arith.constant 0.000000e+00 : f32
    %max3A_46 = vector.broadcast %max3A_45 : f32 to vector<512x256xf32>
    %max3A_47 = arith.maximumf %add3A_44, %max3A_46 : vector<512x256xf32>
    %slice3A = vector.extract_strided_slice %max3A_47 {offsets = [0, 0], sizes = [512, 128], strides = [1, 1]} : vector<512x256xf32> to vector<512x128xf32>
    %swap3A = arith.constant 0 : index
    %swap3A_48 = arith.constant 0 : index
    %swap3A_49 = vector.load %arg11[%swap3A, %swap3A_48] : memref<512x128xf32, #tpu.memory_space<vmem>>, vector<512x128xf32>
    tpu.vector_store %arg11[%swap3A, %swap3A_48], %slice3A {strides = array<i32>} : memref<512x128xf32, #tpu.memory_space<vmem>>, vector<512x128xf32>,
    %slice3A_50 = vector.extract_strided_slice %max3A_47 {offsets = [0, 128], sizes = [512, 128], strides = [1, 1]} : vector<512x256xf32> to vector<512x128xf32>
    %swap3A_51 = arith.constant 0 : index
    %swap3A_52 = arith.constant 0 : index
    %swap3A_53 = vector.load %arg12[%swap3A_51, %swap3A_52] : memref<512x128xf32, #tpu.memory_space<vmem>>, vector<512x128xf32>
    tpu.vector_store %arg12[%swap3A_51, %swap3A_52], %slice3A_50 {strides = array<i32>} : memref<512x128xf32, #tpu.memory_space<vmem>>, vector<512x128xf32>,
    return
  }
  func.func @transform_0(%arg0: i32) -> (i32, i32) {
    %c0_i32 = arith.constant 0 : i32
    %c0_i32_0 = arith.constant 0 : i32
    return %arg0, %c0_i32 : i32, i32
  }
  func.func @transform_1(%arg0: i32) -> (i32, i32) {
    %c0_i32 = arith.constant 0 : i32
    %c0_i32_0 = arith.constant 0 : i32
    return %arg0, %c0_i32 : i32, i32
  }
  func.func @transform_2(%arg0: i32) -> (i32, i32) {
    %c0_i32 = arith.constant 0 : i32
    %c0_i32_0 = arith.constant 0 : i32
    return %arg0, %c0_i32 : i32, i32
  }
  func.func @transform_3(%arg0: i32) -> (i32, i32) {
    %c0_i32 = arith.constant 0 : i32
    %c0_i32_0 = arith.constant 0 : i32
    return %arg0, %c0_i32 : i32, i32
  }
  func.func @transform_4(%arg0: i32) -> (i32, i32) {
    %c0_i32 = arith.constant 0 : i32
    %c0_i32_0 = arith.constant 0 : i32
    return %arg0, %c0_i32 : i32, i32
  }
  func.func @transform_5(%arg0: i32) -> (i32, i32) {
    %c0_i32 = arith.constant 0 : i32
    %c0_i32_0 = arith.constant 0 : i32
    %c0_i32_1 = arith.constant 0 : i32
    return %c0_i32, %c0_i32_0 : i32, i32
  }
  func.func @transform_6(%arg0: i32) -> (i32, i32) {
    %c0_i32 = arith.constant 0 : i32
    %c0_i32_0 = arith.constant 0 : i32
    %c0_i32_1 = arith.constant 0 : i32
    return %c0_i32, %c0_i32_0 : i32, i32
  }
  func.func @transform_7(%arg0: i32) -> (i32, i32) {
    %c0_i32 = arith.constant 0 : i32
    %c0_i32_0 = arith.constant 0 : i32
    %c0_i32_1 = arith.constant 0 : i32
    return %c0_i32, %c0_i32_0 : i32, i32
  }
  func.func @transform_8(%arg0: i32) -> (i32, i32) {
    %c0_i32 = arith.constant 0 : i32
    %c0_i32_0 = arith.constant 0 : i32
    %c0_i32_1 = arith.constant 0 : i32
    return %c0_i32, %c0_i32_0 : i32, i32
  }
  func.func @transform_9(%arg0: i32) -> (i32, i32) {
    %c0_i32 = arith.constant 0 : i32
    %c0_i32_0 = arith.constant 0 : i32
    %c0_i32_1 = arith.constant 0 : i32
    return %c0_i32, %c0_i32_0 : i32, i32
  }
  func.func @transform_10(%arg0: i32) -> (i32, i32) {
    %c0_i32 = arith.constant 0 : i32
    %c0_i32_0 = arith.constant 0 : i32
    return %arg0, %c0_i32 : i32, i32
  }
  func.func @transform_11(%arg0: i32) -> (i32, i32) {
    %c0_i32 = arith.constant 0 : i32
    %c0_i32_0 = arith.constant 0 : i32
    return %arg0, %c0_i32 : i32, i32
  }
}

module attributes {stable_mosaic.version = 14 : i64} {
  func.func @_lambda_(%arg0: i32, %arg1: memref<512x128xf32, #tpu.memory_space<vmem>>, %arg2: memref<512x128xf32, #tpu.memory_space<vmem>>, %arg3: memref<512x1xf32, #tpu.memory_space<vmem>>, %arg4: memref<512x128xf32, #tpu.memory_space<vmem>>, %arg5: memref<512x128xf32, #tpu.memory_space<vmem>>, %arg6: memref<128x256xf32, #tpu.memory_space<vmem>>, %arg7: memref<128x256xf32, #tpu.memory_space<vmem>>, %arg8: memref<128x256xf32, #tpu.memory_space<vmem>>, %arg9: memref<128x256xf32, #tpu.memory_space<vmem>>, %arg10: memref<1x256xf32, #tpu.memory_space<vmem>>, %arg11: memref<256x256xf32, #tpu.memory_space<vmem>>, %arg12: memref<256x256xf32, #tpu.memory_space<vmem>>, %arg13: memref<512x256xf32, #tpu.memory_space<vmem>>, %arg14: memref<512x256xf32, #tpu.memory_space<vmem>>) attributes {dimension_semantics = [#tpu.dimension_semantics<arbitrary>], iteration_bounds = array<i64: 20>, scalar_prefetch = 0 : i64, scratch_operands = 0 : i64, tpu.core_type = #tpu.core_type<tc>, window_params = [{transform_indices = @transform_0, window_bounds = array<i64: 512, 128>}, {transform_indices = @transform_1, window_bounds = array<i64: 512, 128>}, {transform_indices = @transform_2, window_bounds = array<i64: 512, 1>}, {transform_indices = @transform_3, window_bounds = array<i64: 512, 128>}, {transform_indices = @transform_4, window_bounds = array<i64: 512, 128>}, {pipeline_mode = #tpu.pipeline_mode<synchronous>, transform_indices = @transform_5, window_bounds = array<i64: 128, 256>}, {pipeline_mode = #tpu.pipeline_mode<synchronous>, transform_indices = @transform_6, window_bounds = array<i64: 128, 256>}, {pipeline_mode = #tpu.pipeline_mode<synchronous>, transform_indices = @transform_7, window_bounds = array<i64: 128, 256>}, {pipeline_mode = #tpu.pipeline_mode<synchronous>, transform_indices = @transform_8, window_bounds = array<i64: 128, 256>}, {pipeline_mode = #tpu.pipeline_mode<synchronous>, transform_indices = @transform_9, window_bounds = array<i64: 1, 256>}, {pipeline_mode = #tpu.pipeline_mode<synchronous>, transform_indices = @transform_10, window_bounds = array<i64: 256, 256>}, {pipeline_mode = #tpu.pipeline_mode<synchronous>, transform_indices = @transform_11, window_bounds = array<i64: 256, 256>}, {transform_indices = @transform_12, window_bounds = array<i64: 512, 256>}, {transform_indices = @transform_13, window_bounds = array<i64: 512, 256>}]} {
    %get3A = arith.constant 0 : index
    %get3A_0 = arith.constant 0 : index
    %get3A_1 = vector.load %arg3[%get3A, %get3A_0] : memref<512x1xf32, #tpu.memory_space<vmem>>, vector<512x1xf32>
    %max3A = arith.constant 1.000000e+00 : f32
    %max3A_2 = vector.broadcast %max3A : f32 to vector<512x1xf32>
    %max3A_3 = arith.maximumf %get3A_1, %max3A_2 : vector<512x1xf32>
    %get3A_4 = arith.constant 0 : index
    %get3A_5 = arith.constant 0 : index
    %get3A_6 = vector.load %arg10[%get3A_4, %get3A_5] : memref<1x256xf32, #tpu.memory_space<vmem>>, vector<1x256xf32>
    %get3A_7 = arith.constant 0 : index
    %get3A_8 = arith.constant 0 : index
    %get3A_9 = vector.load %arg1[%get3A_7, %get3A_8] : memref<512x128xf32, #tpu.memory_space<vmem>>, vector<512x128xf32>
    %div3A = vector.broadcast %max3A_3 : vector<512x1xf32> to vector<512x128xf32>
    %div3A_10 = arith.divf %get3A_9, %div3A : vector<512x128xf32>
    %get3A_11 = arith.constant 0 : index
    %get3A_12 = arith.constant 0 : index
    %get3A_13 = vector.load %arg6[%get3A_11, %get3A_12] : memref<128x256xf32, #tpu.memory_space<vmem>>, vector<128x256xf32>
    %dot_general3A = arith.constant dense<0.000000e+00> : vector<512x256xf32>
    %dot_general3A_14 = tpu.matmul %div3A_10, %get3A_13, %dot_general3A {dimension_numbers = #tpu.dot_dimension_numbers<[1], [0], [0], [1], [0, 0, 1, 1], [], []>, transpose_lhs_hint = false} : vector<512x128xf32>, vector<128x256xf32>, vector<512x256xf32> -> vector<512x256xf32>
    %add3A = vector.broadcast %get3A_6 : vector<1x256xf32> to vector<512x256xf32>
    %add3A_15 = arith.addf %add3A, %dot_general3A_14 : vector<512x256xf32>
    %get3A_16 = arith.constant 0 : index
    %get3A_17 = arith.constant 0 : index
    %get3A_18 = vector.load %arg4[%get3A_16, %get3A_17] : memref<512x128xf32, #tpu.memory_space<vmem>>, vector<512x128xf32>
    %get3A_19 = arith.constant 0 : index
    %get3A_20 = arith.constant 0 : index
    %get3A_21 = vector.load %arg8[%get3A_19, %get3A_20] : memref<128x256xf32, #tpu.memory_space<vmem>>, vector<128x256xf32>
    %dot_general3A_22 = arith.constant dense<0.000000e+00> : vector<512x256xf32>
    %dot_general3A_23 = tpu.matmul %get3A_18, %get3A_21, %dot_general3A_22 {dimension_numbers = #tpu.dot_dimension_numbers<[1], [0], [0], [1], [0, 0, 1, 1], [], []>, transpose_lhs_hint = false} : vector<512x128xf32>, vector<128x256xf32>, vector<512x256xf32> -> vector<512x256xf32>
    %add3A_24 = arith.addf %add3A_15, %dot_general3A_23 : vector<512x256xf32>
    %get3A_25 = arith.constant 0 : index
    %get3A_26 = arith.constant 0 : index
    %get3A_27 = vector.load %arg2[%get3A_25, %get3A_26] : memref<512x128xf32, #tpu.memory_space<vmem>>, vector<512x128xf32>
    %div3A_28 = vector.broadcast %max3A_3 : vector<512x1xf32> to vector<512x128xf32>
    %div3A_29 = arith.divf %get3A_27, %div3A_28 : vector<512x128xf32>
    %get3A_30 = arith.constant 0 : index
    %get3A_31 = arith.constant 0 : index
    %get3A_32 = vector.load %arg7[%get3A_30, %get3A_31] : memref<128x256xf32, #tpu.memory_space<vmem>>, vector<128x256xf32>
    %dot_general3A_33 = arith.constant dense<0.000000e+00> : vector<512x256xf32>
    %dot_general3A_34 = tpu.matmul %div3A_29, %get3A_32, %dot_general3A_33 {dimension_numbers = #tpu.dot_dimension_numbers<[1], [0], [0], [1], [0, 0, 1, 1], [], []>, transpose_lhs_hint = false} : vector<512x128xf32>, vector<128x256xf32>, vector<512x256xf32> -> vector<512x256xf32>
    %add3A_35 = arith.addf %add3A_24, %dot_general3A_34 : vector<512x256xf32>
    %get3A_36 = arith.constant 0 : index
    %get3A_37 = arith.constant 0 : index
    %get3A_38 = vector.load %arg5[%get3A_36, %get3A_37] : memref<512x128xf32, #tpu.memory_space<vmem>>, vector<512x128xf32>
    %get3A_39 = arith.constant 0 : index
    %get3A_40 = arith.constant 0 : index
    %get3A_41 = vector.load %arg9[%get3A_39, %get3A_40] : memref<128x256xf32, #tpu.memory_space<vmem>>, vector<128x256xf32>
    %dot_general3A_42 = arith.constant dense<0.000000e+00> : vector<512x256xf32>
    %dot_general3A_43 = tpu.matmul %get3A_38, %get3A_41, %dot_general3A_42 {dimension_numbers = #tpu.dot_dimension_numbers<[1], [0], [0], [1], [0, 0, 1, 1], [], []>, transpose_lhs_hint = false} : vector<512x128xf32>, vector<128x256xf32>, vector<512x256xf32> -> vector<512x256xf32>
    %add3A_44 = arith.addf %add3A_35, %dot_general3A_43 : vector<512x256xf32>
    %get3A_45 = arith.constant 0 : index
    %get3A_46 = arith.constant 0 : index
    %get3A_47 = vector.load %arg11[%get3A_45, %get3A_46] : memref<256x256xf32, #tpu.memory_space<vmem>>, vector<256x256xf32>
    %dot_general3A_48 = arith.constant dense<0.000000e+00> : vector<512x256xf32>
    %dot_general3A_49 = tpu.matmul %add3A_44, %get3A_47, %dot_general3A_48 {dimension_numbers = #tpu.dot_dimension_numbers<[1], [0], [0], [1], [0, 0, 1, 1], [], []>, transpose_lhs_hint = false} : vector<512x256xf32>, vector<256x256xf32>, vector<512x256xf32> -> vector<512x256xf32>
    %swap3A = arith.constant 0 : index
    %swap3A_50 = arith.constant 0 : index
    %swap3A_51 = vector.load %arg13[%swap3A, %swap3A_50] : memref<512x256xf32, #tpu.memory_space<vmem>>, vector<512x256xf32>
    tpu.vector_store %arg13[%swap3A, %swap3A_50], %dot_general3A_49 {strides = array<i32>} : memref<512x256xf32, #tpu.memory_space<vmem>>, vector<512x256xf32>,
    %get3A_52 = arith.constant 0 : index
    %get3A_53 = arith.constant 0 : index
    %get3A_54 = vector.load %arg12[%get3A_52, %get3A_53] : memref<256x256xf32, #tpu.memory_space<vmem>>, vector<256x256xf32>
    %dot_general3A_55 = arith.constant dense<0.000000e+00> : vector<512x256xf32>
    %dot_general3A_56 = tpu.matmul %add3A_44, %get3A_54, %dot_general3A_55 {dimension_numbers = #tpu.dot_dimension_numbers<[1], [0], [0], [1], [0, 0, 1, 1], [], []>, transpose_lhs_hint = false} : vector<512x256xf32>, vector<256x256xf32>, vector<512x256xf32> -> vector<512x256xf32>
    %swap3A_57 = arith.constant 0 : index
    %swap3A_58 = arith.constant 0 : index
    %swap3A_59 = vector.load %arg14[%swap3A_57, %swap3A_58] : memref<512x256xf32, #tpu.memory_space<vmem>>, vector<512x256xf32>
    tpu.vector_store %arg14[%swap3A_57, %swap3A_58], %dot_general3A_56 {strides = array<i32>} : memref<512x256xf32, #tpu.memory_space<vmem>>, vector<512x256xf32>,
    return
  }
  func.func @transform_0(%arg0: i32) -> (i32, i32) {
    %c0_i32 = arith.constant 0 : i32
    %c0_i32_0 = arith.constant 0 : i32
    return %arg0, %c0_i32 : i32, i32
  }
  func.func @transform_1(%arg0: i32) -> (i32, i32) {
    %c0_i32 = arith.constant 0 : i32
    %c0_i32_0 = arith.constant 0 : i32
    return %arg0, %c0_i32 : i32, i32
  }
  func.func @transform_2(%arg0: i32) -> (i32, i32) {
    %c0_i32 = arith.constant 0 : i32
    %c0_i32_0 = arith.constant 0 : i32
    return %arg0, %c0_i32 : i32, i32
  }
  func.func @transform_3(%arg0: i32) -> (i32, i32) {
    %c0_i32 = arith.constant 0 : i32
    %c0_i32_0 = arith.constant 0 : i32
    return %arg0, %c0_i32 : i32, i32
  }
  func.func @transform_4(%arg0: i32) -> (i32, i32) {
    %c0_i32 = arith.constant 0 : i32
    %c0_i32_0 = arith.constant 0 : i32
    return %arg0, %c0_i32 : i32, i32
  }
  func.func @transform_5(%arg0: i32) -> (i32, i32) {
    %c0_i32 = arith.constant 0 : i32
    %c0_i32_0 = arith.constant 0 : i32
    %c0_i32_1 = arith.constant 0 : i32
    return %c0_i32, %c0_i32_0 : i32, i32
  }
  func.func @transform_6(%arg0: i32) -> (i32, i32) {
    %c0_i32 = arith.constant 0 : i32
    %c0_i32_0 = arith.constant 0 : i32
    %c0_i32_1 = arith.constant 0 : i32
    return %c0_i32, %c0_i32_0 : i32, i32
  }
  func.func @transform_7(%arg0: i32) -> (i32, i32) {
    %c0_i32 = arith.constant 0 : i32
    %c0_i32_0 = arith.constant 0 : i32
    %c0_i32_1 = arith.constant 0 : i32
    return %c0_i32, %c0_i32_0 : i32, i32
  }
  func.func @transform_8(%arg0: i32) -> (i32, i32) {
    %c0_i32 = arith.constant 0 : i32
    %c0_i32_0 = arith.constant 0 : i32
    %c0_i32_1 = arith.constant 0 : i32
    return %c0_i32, %c0_i32_0 : i32, i32
  }
  func.func @transform_9(%arg0: i32) -> (i32, i32) {
    %c0_i32 = arith.constant 0 : i32
    %c0_i32_0 = arith.constant 0 : i32
    %c0_i32_1 = arith.constant 0 : i32
    return %c0_i32, %c0_i32_0 : i32, i32
  }
  func.func @transform_10(%arg0: i32) -> (i32, i32) {
    %c0_i32 = arith.constant 0 : i32
    %c0_i32_0 = arith.constant 0 : i32
    %c0_i32_1 = arith.constant 0 : i32
    return %c0_i32, %c0_i32_0 : i32, i32
  }
  func.func @transform_11(%arg0: i32) -> (i32, i32) {
    %c0_i32 = arith.constant 0 : i32
    %c0_i32_0 = arith.constant 0 : i32
    %c0_i32_1 = arith.constant 0 : i32
    return %c0_i32, %c0_i32_0 : i32, i32
  }
  func.func @transform_12(%arg0: i32) -> (i32, i32) {
    %c0_i32 = arith.constant 0 : i32
    %c0_i32_0 = arith.constant 0 : i32
    return %arg0, %c0_i32 : i32, i32
  }
  func.func @transform_13(%arg0: i32) -> (i32, i32) {
    %c0_i32 = arith.constant 0 : i32
    %c0_i32_0 = arith.constant 0 : i32
    return %arg0, %c0_i32 : i32, i32
  }
}

module attributes {stable_mosaic.version = 14 : i64} {
  func.func @_head_body(%arg0: i32, %arg1: memref<1024x256xf32, #tpu.memory_space<vmem>>, %arg2: memref<1024x256xf32, #tpu.memory_space<vmem>>, %arg3: memref<1024x16xf32, #tpu.memory_space<vmem>>, %arg4: memref<16x256xf32, #tpu.memory_space<vmem>>, %arg5: memref<1x256xf32, #tpu.memory_space<vmem>>, %arg6: memref<256x128xf32, #tpu.memory_space<vmem>>, %arg7: memref<1x128xf32, #tpu.memory_space<vmem>>, %arg8: memref<128x128xf32, #tpu.memory_space<vmem>>, %arg9: memref<1x128xf32, #tpu.memory_space<vmem>>, %arg10: memref<1024x128xf32, #tpu.memory_space<vmem>>) attributes {dimension_semantics = [#tpu.dimension_semantics<arbitrary>], iteration_bounds = array<i64: 313>, scalar_prefetch = 0 : i64, scratch_operands = 0 : i64, tpu.core_type = #tpu.core_type<tc>, window_params = [{transform_indices = @transform_0, window_bounds = array<i64: 1024, 256>}, {transform_indices = @transform_1, window_bounds = array<i64: 1024, 256>}, {transform_indices = @transform_2, window_bounds = array<i64: 1024, 16>}, {pipeline_mode = #tpu.pipeline_mode<synchronous>, transform_indices = @transform_3, window_bounds = array<i64: 16, 256>}, {pipeline_mode = #tpu.pipeline_mode<synchronous>, transform_indices = @transform_4, window_bounds = array<i64: 1, 256>}, {pipeline_mode = #tpu.pipeline_mode<synchronous>, transform_indices = @transform_5, window_bounds = array<i64: 256, 128>}, {pipeline_mode = #tpu.pipeline_mode<synchronous>, transform_indices = @transform_6, window_bounds = array<i64: 1, 128>}, {pipeline_mode = #tpu.pipeline_mode<synchronous>, transform_indices = @transform_7, window_bounds = array<i64: 128, 128>}, {pipeline_mode = #tpu.pipeline_mode<synchronous>, transform_indices = @transform_8, window_bounds = array<i64: 1, 128>}, {transform_indices = @transform_9, window_bounds = array<i64: 1024, 128>}]} {
    %get3A = arith.constant 0 : index
    %get3A_0 = arith.constant 0 : index
    %get3A_1 = vector.load %arg1[%get3A, %get3A_0] : memref<1024x256xf32, #tpu.memory_space<vmem>>, vector<1024x256xf32>
    %get3A_2 = arith.constant 0 : index
    %get3A_3 = arith.constant 0 : index
    %get3A_4 = vector.load %arg2[%get3A_2, %get3A_3] : memref<1024x256xf32, #tpu.memory_space<vmem>>, vector<1024x256xf32>
    %add3A = arith.addf %get3A_1, %get3A_4 : vector<1024x256xf32>
    %get3A_5 = arith.constant 0 : index
    %get3A_6 = arith.constant 0 : index
    %get3A_7 = vector.load %arg3[%get3A_5, %get3A_6] : memref<1024x16xf32, #tpu.memory_space<vmem>>, vector<1024x16xf32>
    %get3A_8 = arith.constant 0 : index
    %get3A_9 = arith.constant 0 : index
    %get3A_10 = vector.load %arg4[%get3A_8, %get3A_9] : memref<16x256xf32, #tpu.memory_space<vmem>>, vector<16x256xf32>
    %dot_general3A = arith.constant dense<0.000000e+00> : vector<1024x256xf32>
    %dot_general3A_11 = tpu.matmul %get3A_7, %get3A_10, %dot_general3A {dimension_numbers = #tpu.dot_dimension_numbers<[1], [0], [0], [1], [0, 0, 1, 1], [], []>, transpose_lhs_hint = false} : vector<1024x16xf32>, vector<16x256xf32>, vector<1024x256xf32> -> vector<1024x256xf32>
    %add3A_12 = arith.addf %add3A, %dot_general3A_11 : vector<1024x256xf32>
    %get3A_13 = arith.constant 0 : index
    %get3A_14 = arith.constant 0 : index
    %get3A_15 = vector.load %arg5[%get3A_13, %get3A_14] : memref<1x256xf32, #tpu.memory_space<vmem>>, vector<1x256xf32>
    %add3A_16 = vector.broadcast %get3A_15 : vector<1x256xf32> to vector<1024x256xf32>
    %add3A_17 = arith.addf %add3A_12, %add3A_16 : vector<1024x256xf32>
    %max3A = arith.constant 0.000000e+00 : f32
    %max3A_18 = vector.broadcast %max3A : f32 to vector<1024x256xf32>
    %max3A_19 = arith.maximumf %add3A_17, %max3A_18 : vector<1024x256xf32>
    %get3A_20 = arith.constant 0 : index
    %get3A_21 = arith.constant 0 : index
    %get3A_22 = vector.load %arg6[%get3A_20, %get3A_21] : memref<256x128xf32, #tpu.memory_space<vmem>>, vector<256x128xf32>
    %dot_general3A_23 = arith.constant dense<0.000000e+00> : vector<1024x128xf32>
    %dot_general3A_24 = tpu.matmul %max3A_19, %get3A_22, %dot_general3A_23 {dimension_numbers = #tpu.dot_dimension_numbers<[1], [0], [0], [1], [0, 0, 1, 1], [], []>, transpose_lhs_hint = false} : vector<1024x256xf32>, vector<256x128xf32>, vector<1024x128xf32> -> vector<1024x128xf32>
    %get3A_25 = arith.constant 0 : index
    %get3A_26 = arith.constant 0 : index
    %get3A_27 = vector.load %arg7[%get3A_25, %get3A_26] : memref<1x128xf32, #tpu.memory_space<vmem>>, vector<1x128xf32>
    %add3A_28 = vector.broadcast %get3A_27 : vector<1x128xf32> to vector<1024x128xf32>
    %add3A_29 = arith.addf %dot_general3A_24, %add3A_28 : vector<1024x128xf32>
    %max3A_30 = arith.constant 0.000000e+00 : f32
    %max3A_31 = vector.broadcast %max3A_30 : f32 to vector<1024x128xf32>
    %max3A_32 = arith.maximumf %add3A_29, %max3A_31 : vector<1024x128xf32>
    %get3A_33 = arith.constant 0 : index
    %get3A_34 = arith.constant 0 : index
    %get3A_35 = vector.load %arg8[%get3A_33, %get3A_34] : memref<128x128xf32, #tpu.memory_space<vmem>>, vector<128x128xf32>
    %dot_general3A_36 = arith.constant dense<0.000000e+00> : vector<1024x128xf32>
    %dot_general3A_37 = tpu.matmul %max3A_32, %get3A_35, %dot_general3A_36 {dimension_numbers = #tpu.dot_dimension_numbers<[1], [0], [0], [1], [0, 0, 1, 1], [], []>, transpose_lhs_hint = false} : vector<1024x128xf32>, vector<128x128xf32>, vector<1024x128xf32> -> vector<1024x128xf32>
    %get3A_38 = arith.constant 0 : index
    %get3A_39 = arith.constant 0 : index
    %get3A_40 = vector.load %arg9[%get3A_38, %get3A_39] : memref<1x128xf32, #tpu.memory_space<vmem>>, vector<1x128xf32>
    %add3A_41 = vector.broadcast %get3A_40 : vector<1x128xf32> to vector<1024x128xf32>
    %add3A_42 = arith.addf %dot_general3A_37, %add3A_41 : vector<1024x128xf32>
    %swap3A = arith.constant 0 : index
    %swap3A_43 = arith.constant 0 : index
    %swap3A_44 = vector.load %arg10[%swap3A, %swap3A_43] : memref<1024x128xf32, #tpu.memory_space<vmem>>, vector<1024x128xf32>
    tpu.vector_store %arg10[%swap3A, %swap3A_43], %add3A_42 {strides = array<i32>} : memref<1024x128xf32, #tpu.memory_space<vmem>>, vector<1024x128xf32>,
    return
  }
  func.func @transform_0(%arg0: i32) -> (i32, i32) {
    %c0_i32 = arith.constant 0 : i32
    %c0_i32_0 = arith.constant 0 : i32
    return %arg0, %c0_i32 : i32, i32
  }
  func.func @transform_1(%arg0: i32) -> (i32, i32) {
    %c0_i32 = arith.constant 0 : i32
    %c0_i32_0 = arith.constant 0 : i32
    return %arg0, %c0_i32 : i32, i32
  }
  func.func @transform_2(%arg0: i32) -> (i32, i32) {
    %c0_i32 = arith.constant 0 : i32
    %c0_i32_0 = arith.constant 0 : i32
    return %arg0, %c0_i32 : i32, i32
  }
  func.func @transform_3(%arg0: i32) -> (i32, i32) {
    %c0_i32 = arith.constant 0 : i32
    %c0_i32_0 = arith.constant 0 : i32
    %c0_i32_1 = arith.constant 0 : i32
    return %c0_i32, %c0_i32_0 : i32, i32
  }
  func.func @transform_4(%arg0: i32) -> (i32, i32) {
    %c0_i32 = arith.constant 0 : i32
    %c0_i32_0 = arith.constant 0 : i32
    %c0_i32_1 = arith.constant 0 : i32
    return %c0_i32, %c0_i32_0 : i32, i32
  }
  func.func @transform_5(%arg0: i32) -> (i32, i32) {
    %c0_i32 = arith.constant 0 : i32
    %c0_i32_0 = arith.constant 0 : i32
    %c0_i32_1 = arith.constant 0 : i32
    return %c0_i32, %c0_i32_0 : i32, i32
  }
  func.func @transform_6(%arg0: i32) -> (i32, i32) {
    %c0_i32 = arith.constant 0 : i32
    %c0_i32_0 = arith.constant 0 : i32
    %c0_i32_1 = arith.constant 0 : i32
    return %c0_i32, %c0_i32_0 : i32, i32
  }
  func.func @transform_7(%arg0: i32) -> (i32, i32) {
    %c0_i32 = arith.constant 0 : i32
    %c0_i32_0 = arith.constant 0 : i32
    %c0_i32_1 = arith.constant 0 : i32
    return %c0_i32, %c0_i32_0 : i32, i32
  }
  func.func @transform_8(%arg0: i32) -> (i32, i32) {
    %c0_i32 = arith.constant 0 : i32
    %c0_i32_0 = arith.constant 0 : i32
    %c0_i32_1 = arith.constant 0 : i32
    return %c0_i32, %c0_i32_0 : i32, i32
  }
  func.func @transform_9(%arg0: i32) -> (i32, i32) {
    %c0_i32 = arith.constant 0 : i32
    %c0_i32_0 = arith.constant 0 : i32
    return %arg0, %c0_i32 : i32, i32
  }
}

</mosaic_0001>

<sc_bundles>
// kernel: kernel.10.cloned.1.call-start
scs
__scs_entry_jumppad:
0x0: {  	(pc) =	sbr.rel $0x88, $3  }
0x1: {  	(tag) =	ssettag $0x0;
	lr =	simm.s32 $0x1  }
0x2: {  	[smem:$0x3F8B] =	sst lr;
	_ =	strace $0xD0000000  }
0x3: {  	_ = 	snop  }
0x4: {  	_ = 	snop  }
0x5: {  	_ = 	snop  }
0x6: {  	_ = 	snop  }
0x7: {  	_ = 	snop  }
__scs_overlays_trampoline_lowered:
0x8: {  	[smem:$0x3F9A] =	sst s0  }
0x9: {  	[smem:$0x3F9B] =	sst s1  }
0xa: {  	[smem:$0x3F9C] =	sst s2  }
0xb: {  	[smem:$0x3F9D] =	sst s3  }
0xc: {  	[smem:$0x3F9E] =	sst s4  }
0xd: {  	[smem:$0x3F9F] =	sst s5  }
0xe: {  	[smem:$0x3FA0] =	sst s6  }
0xf: {  	[smem:$0x3FA1] =	sst s7  }
0x10: {  	[smem:$0x3FA2] =	sst s8  }
0x11: {  	[smem:$0x3FA3] =	sst s9;
	s0 =	simm.s32 @!p0 $0x0  }
0x12: {  	s1 =	sld [smem:$0x3F89];
	s0 =	simm.s32 @p0 $0x1  }
0x13: {  	[smem:$0x3FA4] =	sst s0;
	s0 =	simm.s32 @!p1 $0x0  }
0x14: {  	s2 =	sld [smem:$0x3F88];
	s0 =	simm.s32 @p1 $0x1  }
0x15: {  	[smem:$0x3FA5] =	sst s0;
	s0 =	simm.s32 @!p2 $0x0  }
0x16: {  	s3 =	sld [smem:$0x3FDB];
	s0 =	simm.s32 @p2 $0x1  }
0x17: {  	s4 =	simm.s32 $0x1BF5;
	[smem:$0x3FA7] =	sst s0  }
0x18: {  	s0 =	sld [smem:$0x3F8A];
	_ =	swait.ge [sflag:s4], $0x0  }
0x19: {  	s7 =	sld [smem:$0x3F8B]  }
0x1a: {  	s8 =	sadd.s32 $0xFFFFE003, lr  }
0x1b: {  	s9 =	sadd.s32 $0xFFFFFEF7, lr;
	s5 =	simm.s32 $0xFFFFFFFF;
	p2 =	slt.u32 s8, $0xFFFFF086  }
0x1c: {  	p1 =	slt.u32 s9, $0xF7A;
	s5 =	simm.s32 @!p2 $0x0  }
0x1d: {  	s5 =	simm.s32 @p1 $0x1;
	p0 =	seq.s32 s7, s2  }
0x1e: {  	s7 =	smul.u32 @!p0 $0xF7A, s2;
	p2 =	seq.s32 @!p0 s5, $0x0  }
0x1f: {  	s9 =	smul.u32 $0xF7A, s1;
	s8 =	simm.s32 @!p0 $0x1BF5;
	p2 =	por !p2, p0  }
0x20: {  	[sflag:s8] =	ssyncset.s32 @!p0 $0xFFFFF086;
	s6 =	sadd.s32 @!p0 s3, s7;
	s7 =	simm.s32 @!p0 $0x108  }
0x21: {  	s3 =	sadd.s32 s3, s9;
	s6 =	sadd.s32 @!p0 $0x88, s6;
	s7 =	simm.s32 @p2 $0x1082  }
0x22: {  	[simem:s7], [sflag:s8] =	dma.local @!p0 [hbm:s6], $0xF7A  }
0x23: {  	s9 =	sor.u32 $0xD0000000, s2;
	s6 =	simm.s32 $0x108;
	_ =	swait.ge @!p0 [sflag:s8], $0x0  }
0x24: {  	s3 =	sadd.s32 $0x88, s3;
	s6 =	simm.s32 @!p1 $0x1082;
	[sflag:s4] =	ssyncset.s32 $0xFFFFF086  }
0x25: {  	[simem:s6], [sflag:s4] =	dma.local [hbm:s3], $0xF7A  }
0x26: {  	[smem:$0x3F8B] =	sst s1;
	(tag) =	ssettag s2;
	_ =	strace s9  }
0x27: {  	s1 =	sld [smem:$0x3F9B]  }
0x28: {  	s2 =	sld [smem:$0x3F9C]  }
0x29: {  	s4 =	sld [smem:$0x3F9E]  }
0x2a: {  	p0 =	seq.s32 s5, $0x0;
	s5 =	sld [smem:$0x3F9F]  }
0x2b: {  	s6 =	sld [smem:$0x3FA0]  }
0x2c: {  	s7 =	sld [smem:$0x3FA1]  }
0x2d: {  	s3 =	simm.s32 $0x108;
	s8 =	sld [smem:$0x3FA2]  }
0x2e: {  	s3 =	simm.s32 @!p0 $0x1082;
	s9 =	sld [smem:$0x3FA3]  }
0x2f: {  	lr =	sadd.s32 s0, s3;
	s0 =	sld [smem:$0x3F9A]  }
0x30: {  	s3 =	sld [smem:$0x3F9D]  }
0x31: {  	[smem:$0x3FA6] =	sst s10  }
0x32: {  	s10 =	sld [smem:$0x3FA4];
	_ =	sdelay $0x3  }
0x33: {  	p0 =	seq.s32 s10, $0x1;
	s10 =	sld [smem:$0x3FA6];
	_ =	sdelay $0x3  }
0x34: {  	[smem:$0x3FA6] =	sst s10  }
0x35: {  	s10 =	sld [smem:$0x3FA5];
	_ =	sdelay $0x3  }
0x36: {  	p1 =	seq.s32 s10, $0x1;
	s10 =	sld [smem:$0x3FA6];
	_ =	sdelay $0x3  }
0x37: {  	[smem:$0x3FA6] =	sst s10  }
0x38: {  	s10 =	sld [smem:$0x3FA7]  }
0x39: {  	_ = 	snop;
	(pc) =	sbr.ind lr, $3  }
0x3a: {  	_ = 	snop  }
0x3b: {  	_ = 	snop  }
0x3c: {  	p2 =	seq.s32 s10, $0x1;
	s10 =	sld [smem:$0x3FA6]  }
0x3d: {  	_ =	shalt  }
0x3e: {  	_ =	shalt  }
0x3f: {  	_ =	shalt  }
0x40: {  	_ =	shalt  }
0x41: {  	_ =	shalt  }
0x42: {  	_ =	shalt  }
0x43: {  	_ =	shalt  }
0x44: {  	_ =	shalt  }
0x45: {  	_ =	shalt  }
0x46: {  	_ =	shalt  }
0x47: {  	_ =	shalt  }
0x48: {  	_ =	shalt  }
0x49: {  	_ =	shalt  }
0x4a: {  	_ =	shalt  }
0x4b: {  	_ =	shalt  }
0x4c: {  	_ =	shalt  }
0x4d: {  	_ =	shalt  }
0x4e: {  	_ =	shalt  }
0x4f: {  	_ =	shalt  }
0x50: {  	_ =	shalt  }
0x51: {  	_ =	shalt  }
0x52: {  	_ =	shalt  }
0x53: {  	_ =	shalt  }
0x54: {  	_ =	shalt  }
0x55: {  	_ =	shalt  }
0x56: {  	_ =	shalt  }
0x57: {  	_ =	shalt  }
0x58: {  	_ =	shalt  }
0x59: {  	_ =	shalt  }
0x5a: {  	_ =	shalt  }
0x5b: {  	_ =	shalt  }
0x5c: {  	_ =	shalt  }
0x5d: {  	_ =	shalt  }
0x5e: {  	_ =	shalt  }
0x5f: {  	_ =	shalt  }
0x60: {  	_ =	shalt  }
0x61: {  	_ =	shalt  }
0x62: {  	_ =	shalt  }
0x63: {  	_ =	shalt  }
0x64: {  	_ =	shalt  }
0x65: {  	_ =	shalt  }
0x66: {  	_ =	shalt  }
0x67: {  	_ =	shalt  }
0x68: {  	_ =	shalt  }
0x69: {  	_ =	shalt  }
0x6a: {  	_ =	shalt  }
0x6b: {  	_ =	shalt  }
0x6c: {  	_ =	shalt  }
0x6d: {  	_ =	shalt  }
0x6e: {  	_ =	shalt  }
0x6f: {  	_ =	shalt  }
0x70: {  	_ =	shalt  }
0x71: {  	_ =	shalt  }
0x72: {  	_ =	shalt  }
0x73: {  	_ =	shalt  }
0x74: {  	_ =	shalt  }
0x75: {  	_ =	shalt  }
0x76: {  	_ =	shalt  }
0x77: {  	_ =	shalt  }
0x78: {  	_ =	shalt  }
0x79: {  	_ =	shalt  }
0x7a: {  	_ =	shalt  }
0x7b: {  	_ =	shalt  }
0x7c: {  	_ =	shalt  }
0x7d: {  	_ =	shalt  }
0x7e: {  	_ =	shalt  }
0x7f: {  	_ =	shalt  }
0x80: {  	_ =	shalt  }
0x81: {  	_ =	shalt  }
0x82: {  	_ =	shalt  }
0x83: {  	_ =	shalt  }
0x84: {  	_ =	shalt  }
0x85: {  	_ =	shalt  }
0x86: {  	_ =	shalt  }
0x87: {  	_ =	shalt  }
.Lfunc_end0:
.L_simem_size_0:
called_computation_lowered:
.L_overlay_start_0:
0x88: {  	s2 =	sld [smem:$0x3FD9]  }
0x89: {  	s3 =	sld [smem:$0x3FFE];
	_ =	sdelay $0x1  }
0x8a: {  	s1 =	srdreg.scid  }
0x8b: {  	s0 =	sand.u32 $0x1, s1  }
0x8c: {  	s16 =	sshll.u32 s0, $0xA;
	s2 =	sadd.s32 s3, s2  }
0x8d: {  	s2 =	sadd.s32 s2, s16  }
0x8e: {  	[smem:$0x3FB2] =	sst s2  }
0x8f: {  	_ = 	snop  }
0x90: {  	(tm) =	ssettm $0x1  }
0x91: {  	s17 =	sld [smem:$0x3FFB];
	_ =	sdelay $0x3  }
0x92: {  	_ =	strace s17  }
0x93: {  	s2 =	sld [smem:$0x3FFC];
	_ =	sdelay $0x3  }
0x94: {  	_ =	strace s2  }
0x95: {  	s2 =	sld [smem:$0x3FFD];
	_ =	sdelay $0x3  }
0x96: {  	_ =	strace s2  }
0x97: {  	_ =	strace $0x8FFFFFFF  }
0x98: {  	s18 =	sld [smem:$0x3FDB];
	_ =	sdelay $0x1  }
0x99: {  	s19 =	simm.s32 $_scs_section_size  }
0x9a: {  	s4 =	simm.s32 $_size__tile_overlayer_lowered;
	s5 =	simm.s32 $_tile_overlayer_lowered  }
0x9b: {  	s22 =	simm.s32 $0x1BFF;
	s21 =	sshll.u32 s5, $0x1;
	s2 =	sadd.s32 s19, s18  }
0x9c: {  	s6 =	simm.s32 $0x0;
	s20 =	sshll.u32 s4, $0x1;
	s4 =	sadd.s32 s21, s2  }
0x9d: {  	[timem:s6], [sflag:s22] =	dma.local [hbm:s4], s20  }
0x9e: {  	_ =	swait.ge [sflag:s22], s20  }
0x9f: {  	s3 =	ssub.s32 $0x0, s20;
	[sflag:s22] =	ssyncset.done $0x0  }
0xa0: {  	[sflag:s22] =	ssyncadd.s32 s3;
	_ =	sdelay $0x1  }
0xa1: {  	s23 =	simm.s32 $0x1B8B  }
0xa2: {  	_ =	swait.ge [sflag:s23], $0x1  }
0xa3: {  	[sflag:s23] =	ssyncset.done $0x0  }
0xa4: {  	s25 =	simm.s32 $0x1B8E;
	s24 =	sld [smem:$0x3FFE];
	[sflag:s23] =	ssyncadd.s32 $0xFFFFFFFF  }
0xa5: {  	s26 =	simm.s32 $execute0_lowered;
	[smem:$0x3FD2] =	sst s25  }
0xa6: {  	s4 =	sshll.u32 s26, $0x1;
	_ =	strace $0x80000046;
	[dreg:$0x1] =	wrdreg $0xFFFFFFFF  }
0xa7: {  	s28 =	simm.s32 $_size_execute0_lowered;
	s2 =	sadd.s32 s2, s4;
	[dreg:$0x0] =	wrdreg $0x0  }
0xa8: {  	s4 =	sshll.u32 s28, $0x1;
	[dreg:$0x2] =	wrdreg s2  }
0xa9: {  	[dreg:$0x3] =	wrdreg s4  }
0xaa: {  	[dreg:$0x4] =	wrdreg $0xC0  }
0xab: {  	_ =	task [dreg:s6], $0x5FFFF  }
0xac: {  	[dreg:$0x1] =	wrdreg $0xFFFFFFFF  }
0xad: {  	[dreg:$0x0] =	wrdreg $0x60  }
0xae: {  	[dreg:$0x2] =	wrdreg s24  }
0xaf: {  	[dreg:$0x3] =	wrdreg $0x48000  }
0xb0: {  	[dreg:$0x4] =	wrdreg $0x9  }
0xb1: {  	_ =	task.clear_ibuf [dreg:s6], $0x5FFFF;
	_ =	strace $0x90000046  }
0xb2: {  	s29 =	simm.s32 $0x9;
	_ =	strace $0x80000048  }
0xb3: {  	_ =	swait.ge [sflag:s29], $0x1  }
0xb4: {  	[sflag:s29] =	ssyncadd.s32 $0xFFFFFFFF  }
0xb5: {  	_ =	strace $0x90000048  }
0xb6: {  	_ =	sfence  }
0xb7: {  	s30 =	sld [smem:$0x0];
	_ =	sdelay $0x2  }
0xb8: {  	s31 =	sshll.u32 s1, $0xD;
	s1 =	sshrl.u32 s1, $0x2  }
0xb9: {  	s3 =	sand.u32 $0x4000, s31;
	s1 =	sadd.s32 s1, s30  }
0xba: {  	s0 =	sor.u32 s3, s0;
	s1 =	sshll.u32 s1, $0x11  }
0xbb: {  	s0 =	sor.u32 s1, s0  }
0xbc: {  	s0 =	sadd.s32 $0x8F2B, s0  }
0xbd: {  	[sflag:s0] =	ssyncadd.remote.s32 $0x1  }
0xbe: {  	_ =	sfence.sel $0xFFFF  }
0xbf: {  	[dreg:$0x0] =	wrdreg $0xFFFFFFFF;
	(pc) =	sbr.abs _section_cstart, $3  }
0xc0: {  	[dreg:$0x1] =	wrdreg $0xFFFFFFFF  }
0xc1: {  	_ =	task.clear_ibuf [dreg:s6], $0x2FFFF;
	_ =	strace $0x9FFFFFFF  }
0xc2: {  	(tm) =	ssettm $0x7FFFFFFF  }
0xc3: {  	_ =	shalt  }
tec
execute0_lowered:
.L_overlay_start_1:
0x0: {  	(tag) =	ssettag $0x1  }
0x1: {  	s13 =	rddreg [dreg:$0x0]  }
0x2: {  	s1 =	rddreg [dreg:$0x1]  }
0x3: {  	s0 =	rddreg [dreg:$0x2];
	s2 =	simm.s32 $0x0;
	s3 =	stileid.u32  }
0x4: {  	s7 =	srdreg.scid;
	s19 =	simm.s32 $0x1000;
	s20 =	simm.s32 $0x50  }
0x5: {  	s21 =	simm.s32 $0x2000;
	s22 =	simm.s32 $0x1;
	[smem:$0x7FF] =	sst s2  }
0x6: {  	s4 =	sadd.s32 $0xA7000, s13;
	s5 =	sadd.s32 $0x7FE00, s13;
	s6 =	sadd.s32 $0x1DA00, s13  }
0x7: {  	s9 =	sand.u32 $0x1, s7;
	s10 =	smul.u32 $0x4E000, s3;
	s7 =	sadd.s32 $0x9A00, s13  }
0x8: {  	s11 =	smul.u32 $0x2700, s3;
	s8 =	sadd.s32 $0xCE200, s13;
	s16 =	sadd.s32 $0x124800, s1  }
0x9: {  	p1 =	seq.s32 s3, $0xF;
	_ =	strace $0x80000047;
	s12 =	ssub.s32 $0x2, s9  }
0xa: {  	p0 =	seq.s32 s9, $0x1;
	s9 =	smul.u32 $0xA000, s3;
	s18 =	sshll.u32 @!p1 s3, $0x6  }
.Ltmp0:
0xb: {  	s14 =	sshrl.u32 s12, $0x1;
	s10 =	sshrl.u32 s10, $0x2;
	(pc) =	sbr.rel .LBB2_1-.Ltmp0, $4  }
0xc: {  	s15 =	sadd.s32 s11, s13;
	s11 =	sadd.s32 $0xF5300, s13;
	s13 =	sadd.s32 $0x11C500, s13  }
0xd: {  	s14 =	ssub.s32 s12, s14;
	s17 =	sadd.s32 s10, s1;
	s10 =	sadd.s32 $0xD0A00, s15  }
0xe: {  	s12 =	sadd.s32 $0xF7C00, s15;
	s15 =	sshrl.u32 @p1 s16, $0x3;
	s16 =	sor.u32 @!p1 $0x1C02, s18  }
0xf: {  	s18 =	simm.s32 $0x2;
	s14 =	smax.u32 s14, $0x1;
	s17 =	sshrl.u32 @!p1 s17, $0x3  }
.LBB2_10:
0x10: {  	s2 =	sadd.s32 $0x1, s2  }
0x11: {  	p2 =	sne.s32 s2, s14  }
.Ltmp1:
0x12: {  	_ = 	snop;
	(pc) =	sbr.rel @!p2 .LBB2_11-.Ltmp1, $1  }
0x13: {  	_ =	sdelay $0x3  }
.LBB2_1:
0x14: {  	s23 =	simm.s32 @p1 $0x1FC2  }
0x15: {  	[spmem:s15], [sflag:s23] =	dma.local @p1 [hbm:s8], $0x2800  }
0x16: {  	s23 =	simm.s32 @p1 $0x2  }
0x17: {  	_ =	swait.ge @p1 [sflag:s23], $0x2800  }
0x18: {  	[sflag:s23] =	ssyncset.done @p1 $0x0  }
0x19: {  	[sflag:s23] =	ssyncadd.s32 @p1 $0xFFFFD800;
	s23 =	simm.s32 @!p1 $0x2  }
0x1a: {  	[spmem:s17], [sflag:s16] =	dma.local @!p1 [hbm:s8], $0x2700  }
.Ltmp2:
0x1b: {  	_ =	swait.ge @!p1 [sflag:s23], $0x2700;
	(pc) =	sbr.rel @!p0 .LBB2_2-.Ltmp2, $4  }
0x1c: {  	[sflag:s23] =	ssyncset.done @!p1 $0x0  }
0x1d: {  	[sflag:s23] =	ssyncadd.s32 @!p1 $0xFFFFD900  }
0x1e: {  	[bflag:$0x0] =	sbarrier.arrive $0xFFFF  }
0x1f: {  	s24 =	simm.s32 $0x0;
	s23 =	simm.s32 $0x0  }
.LBB2_6:
0x20: {  	s23 =	sshll.u32 s24, $0xC  }
0x21: {  	s23 =	sadd.s32 s9, s23  }
0x22: {  	s23 =	sshrl.u32 s23, $0x3  }
0x23: {  	s26 =	simm.s32 $0x0;
	s25 =	sadd.s32 s6, s23  }
0x24: {  	[tilespmem:s26], [sflag:$0x2] =	stream.linear.gather [hbm4b:s25+s26], $0xC80, $0x38;
	[tilespmem:$0x18080] =	vst v63  }
0x25: {  	_ =	swait.ge [sflag:s18], $0xC80  }
0x26: {  	[sflag:s18] =	ssyncset.done $0x0  }
0x27: {  	s23 =	sadd.s32 s7, s23;
	[sflag:s18] =	ssyncadd.s32 $0xFFFFF380  }
0x28: {  	[tilespmem:s19], [sflag:$0x2] =	stream.linear.gather [hbm4b:s23+s26], $0xC80, $0x38;
	[tilespmem:$0x18080] =	vst v63  }
0x29: {  	_ =	swait.ge [sflag:s18], $0xC80  }
0x2a: {  	[sflag:s18] =	ssyncset.done $0x0  }
0x2b: {  	s30 =	simm.s32 $0x0;
	[sflag:s18] =	ssyncadd.s32 $0xFFFFF380  }
0x2c: {  	[tilespmem:s21], [sflag:$0x1] =	stream.indirect.gather [hbm4b:s5+s20], $0x80, s30, s20, $0xb8;
	[tilespmem:$0x18080] =	vst v63  }
0x2d: {  	_ =	swait.ge [sflag:s22], $0x2800  }
0x2e: {  	[sflag:s22] =	ssyncset.done $0x0  }
0x2f: {  	s31 =	simm.s32 $0x1000;
	[sflag:s22] =	ssyncadd.s32 $0xFFFFD800  }
0x30: {  	[spmem:s1] =	stream.indirect.scatter.add.f32 [tilespmem:s21], [sflag:$0x2], $0x80, s31, s20, $0xb8;
	[tilespmem:$0x18080] =	vst v63  }
0x31: {  	_ =	swait.ge [sflag:s18], $0x2800  }
0x32: {  	s25 =	simm.s32 $0x400;
	s23 =	simm.s32 $0x200;
	[sflag:s18] =	ssyncset.done $0x0  }
.LBB2_7:
0x33: {  	s26 =	sshra.s32 s23, $0x2  }
0x34: {  	[sflag:s18] =	ssyncadd.s32 $0xFFFFD800;
	s23 =	smov.u32 s25;
	s28 =	sadd.s32 $0x200, s25  }
0x35: {  	[tilespmem:s21], [sflag:$0x1] =	stream.indirect.gather [hbm4b:s5+s20], $0x80, s26, s20, $0xb8;
	[tilespmem:$0x18080] =	vst v63  }
0x36: {  	p2 =	sne.s32 s25, $0x3000;
	_ =	swait.ge [sflag:s22], $0x2800  }
.Ltmp3:
0x37: {  	[sflag:s22] =	ssyncset.done $0x0;
	(pc) =	sbr.rel @p2 .LBB2_7-.Ltmp3, $4  }
0x38: {  	s25 =	sadd.s32 $0x1000, s26;
	[sflag:s22] =	ssyncadd.s32 $0xFFFFD800  }
0x39: {  	[spmem:s1] =	stream.indirect.scatter.add.f32 [tilespmem:s21], [sflag:$0x2], $0x80, s25, s20, $0xb8;
	[tilespmem:$0x18080] =	vst v63  }
0x3a: {  	_ =	swait.ge [sflag:s18], $0x2800  }
0x3b: {  	s25 =	smov.u32 s28;
	[sflag:s18] =	ssyncset.done $0x0  }
0x3c: {  	s23 =	sshra.s32 s23, $0x2;
	[sflag:s18] =	ssyncadd.s32 $0xFFFFD800  }
0x3d: {  	[tilespmem:s21], [sflag:$0x1] =	stream.indirect.gather [hbm4b:s5+s20], $0x80, s23, s20, $0xb8;
	[tilespmem:$0x18080] =	vst v63  }
0x3e: {  	s24 =	sadd.s32 $0x1, s24;
	_ =	swait.ge [sflag:s22], $0x2800  }
0x3f: {  	p2 =	sne.s32 s24, $0xA;
	[sflag:s22] =	ssyncset.done $0x0  }
.Ltmp4:
0x40: {  	s23 =	sadd.s32 $0x1000, s23;
	[sflag:s22] =	ssyncadd.s32 $0xFFFFD800;
	(pc) =	sbr.rel @p2 .LBB2_6-.Ltmp4, $4  }
0x41: {  	[spmem:s1] =	stream.indirect.scatter.add.f32 [tilespmem:s21], [sflag:$0x2], $0x80, s23, s20, $0xb8;
	[tilespmem:$0x18080] =	vst v63  }
0x42: {  	_ =	swait.ge [sflag:s18], $0x2800  }
0x43: {  	[sflag:s18] =	ssyncset.done $0x0  }
0x44: {  	[sflag:s18] =	ssyncadd.s32 $0xFFFFD800  }
0x45: {  	[bflag:$0x0] =	sbarrier.arrive $0xFFFF;
	s23 =	simm.s32 @p1 $0x1FC2  }
0x46: {  	[hbm:s13], [sflag:s23] =	dma.local @p1 [spmem:s15], $0x2800  }
0x47: {  	s23 =	simm.s32 @p1 $0x2  }
0x48: {  	_ =	swait.ge @p1 [sflag:s23], $0x2800  }
0x49: {  	[sflag:s23] =	ssyncset.done @p1 $0x0  }
.Ltmp5:
0x4a: {  	[sflag:s23] =	ssyncadd.s32 @p1 $0xFFFFD800;
	s23 =	simm.s32 @!p1 $0x2;
	(pc) =	sbr.rel .LBB2_10-.Ltmp5, $4  }
0x4b: {  	[hbm:s12], [sflag:s16] =	dma.local @!p1 [spmem:s17], $0x2700  }
0x4c: {  	_ =	swait.ge @!p1 [sflag:s23], $0x2700  }
0x4d: {  	[sflag:s23] =	ssyncset.done @!p1 $0x0  }
0x4e: {  	[sflag:s23] =	ssyncadd.s32 @!p1 $0xFFFFD900  }
.LBB2_2:
0x4f: {  	s24 =	sshll.u32 s23, $0xC  }
0x50: {  	s24 =	sadd.s32 s9, s24  }
0x51: {  	s24 =	sshrl.u32 s24, $0x3  }
0x52: {  	s26 =	simm.s32 $0x0;
	s25 =	sadd.s32 s6, s24  }
0x53: {  	[tilespmem:s26], [sflag:$0x2] =	stream.linear.gather [hbm4b:s25+s26], $0xC80, $0x38;
	[tilespmem:$0x18080] =	vst v63  }
0x54: {  	_ =	swait.ge [sflag:s18], $0xC80  }
0x55: {  	[sflag:s18] =	ssyncset.done $0x0  }
0x56: {  	s24 =	sadd.s32 s7, s24;
	[sflag:s18] =	ssyncadd.s32 $0xFFFFF380  }
0x57: {  	[tilespmem:s19], [sflag:$0x2] =	stream.linear.gather [hbm4b:s24+s26], $0xC80, $0x38;
	[tilespmem:$0x18080] =	vst v63  }
0x58: {  	_ =	swait.ge [sflag:s18], $0xC80  }
0x59: {  	[sflag:s18] =	ssyncset.done $0x0  }
0x5a: {  	s30 =	simm.s32 $0x0;
	[sflag:s18] =	ssyncadd.s32 $0xFFFFF380  }
0x5b: {  	[tilespmem:s21], [sflag:$0x1] =	stream.indirect.gather [hbm4b:s4+s20], $0x80, s30, s20, $0xb8;
	[tilespmem:$0x18080] =	vst v63  }
0x5c: {  	_ =	swait.ge [sflag:s22], $0x2800  }
0x5d: {  	[sflag:s22] =	ssyncset.done $0x0  }
0x5e: {  	s31 =	simm.s32 $0x1000;
	[sflag:s22] =	ssyncadd.s32 $0xFFFFD800  }
0x5f: {  	[spmem:s1] =	stream.indirect.scatter.add.f32 [tilespmem:s21], [sflag:$0x2], $0x80, s31, s20, $0xb8;
	[tilespmem:$0x18080] =	vst v63  }
0x60: {  	_ =	swait.ge [sflag:s18], $0x2800  }
0x61: {  	s25 =	simm.s32 $0x400;
	s24 =	simm.s32 $0x200;
	[sflag:s18] =	ssyncset.done $0x0  }
.LBB2_3:
0x62: {  	s26 =	sshra.s32 s24, $0x2  }
0x63: {  	[sflag:s18] =	ssyncadd.s32 $0xFFFFD800;
	s24 =	smov.u32 s25;
	s28 =	sadd.s32 $0x200, s25  }
0x64: {  	[tilespmem:s21], [sflag:$0x1] =	stream.indirect.gather [hbm4b:s4+s20], $0x80, s26, s20, $0xb8;
	[tilespmem:$0x18080] =	vst v63  }
0x65: {  	p2 =	sne.s32 s25, $0x3000;
	_ =	swait.ge [sflag:s22], $0x2800  }
.Ltmp6:
0x66: {  	[sflag:s22] =	ssyncset.done $0x0;
	(pc) =	sbr.rel @p2 .LBB2_3-.Ltmp6, $4  }
0x67: {  	s25 =	sadd.s32 $0x1000, s26;
	[sflag:s22] =	ssyncadd.s32 $0xFFFFD800  }
0x68: {  	[spmem:s1] =	stream.indirect.scatter.add.f32 [tilespmem:s21], [sflag:$0x2], $0x80, s25, s20, $0xb8;
	[tilespmem:$0x18080] =	vst v63  }
0x69: {  	_ =	swait.ge [sflag:s18], $0x2800  }
0x6a: {  	s25 =	smov.u32 s28;
	[sflag:s18] =	ssyncset.done $0x0  }
0x6b: {  	s24 =	sshra.s32 s24, $0x2;
	[sflag:s18] =	ssyncadd.s32 $0xFFFFD800  }
0x6c: {  	[tilespmem:s21], [sflag:$0x1] =	stream.indirect.gather [hbm4b:s4+s20], $0x80, s24, s20, $0xb8;
	[tilespmem:$0x18080] =	vst v63  }
0x6d: {  	s23 =	sadd.s32 $0x1, s23;
	_ =	swait.ge [sflag:s22], $0x2800  }
0x6e: {  	p2 =	sne.s32 s23, $0xA;
	[sflag:s22] =	ssyncset.done $0x0  }
.Ltmp7:
0x6f: {  	s24 =	sadd.s32 $0x1000, s24;
	[sflag:s22] =	ssyncadd.s32 $0xFFFFD800;
	(pc) =	sbr.rel @p2 .LBB2_2-.Ltmp7, $4  }
0x70: {  	[spmem:s1] =	stream.indirect.scatter.add.f32 [tilespmem:s21], [sflag:$0x2], $0x80, s24, s20, $0xb8;
	[tilespmem:$0x18080] =	vst v63  }
0x71: {  	_ =	swait.ge [sflag:s18], $0x2800  }
0x72: {  	[sflag:s18] =	ssyncset.done $0x0  }
0x73: {  	[sflag:s18] =	ssyncadd.s32 $0xFFFFD800  }
0x74: {  	[bflag:$0x0] =	sbarrier.arrive $0xFFFF;
	s23 =	simm.s32 @p1 $0x1FC2  }
0x75: {  	[hbm:s11], [sflag:s23] =	dma.local @p1 [spmem:s15], $0x2800  }
0x76: {  	s23 =	simm.s32 @p1 $0x2  }
0x77: {  	_ =	swait.ge @p1 [sflag:s23], $0x2800  }
0x78: {  	[sflag:s23] =	ssyncset.done @p1 $0x0  }
.Ltmp8:
0x79: {  	[sflag:s23] =	ssyncadd.s32 @p1 $0xFFFFD800;
	s23 =	simm.s32 @!p1 $0x2;
	(pc) =	sbr.rel .LBB2_10-.Ltmp8, $4  }
0x7a: {  	[hbm:s10], [sflag:s16] =	dma.local @!p1 [spmem:s17], $0x2700  }
0x7b: {  	_ =	swait.ge @!p1 [sflag:s23], $0x2700  }
0x7c: {  	[sflag:s23] =	ssyncset.done @!p1 $0x0  }
0x7d: {  	[sflag:s23] =	ssyncadd.s32 @!p1 $0xFFFFD900  }
.LBB2_11:
0x7e: {  	_ =	sfence.sel $0x180000  }
0x7f: {  	[bflag:$0x0] =	sbarrier.arrive $0xFFFF  }
0x80: {  	p0 =	sne.s32 s3, $0x0;
	_ =	strace $0x90000047  }
0x81: {  	s0 =	sadd.s32 @!p0 $0x100000, s0;
	[bflag:$0x2] =	sbarrier.arrive $0xFFFF  }
0x82: {  	[sflag:s0] =	ssyncadd.tile.s32 @!p0 $0x1;
	_ =	shalt  }
.Lfunc_end2:
_tile_overlayer_lowered:
.L_overlay_start_2:
0x83: {  	(tag) =	ssettag $0x2  }
0x84: {  	s0 =	rddreg [dreg:$0x0];
	s2 =	stileid.u32  }
0x85: {  	s1 =	rddreg [dreg:$0x1];
	p0 =	sne.s32 s2, $0x0  }
0x86: {  	s3 =	rddreg [dreg:$0x2];
	[bflag:$0x3] =	sbarrier.arrive $0xFFFF;
	s2 =	simm.s32 @!p0 $0x1C02  }
0x87: {  	[timem:s3], [sflag:s2] =	dma.local @!p0 [hbm:s0], s1  }
0x88: {  	s0 =	simm.s32 @!p0 $0x2  }
0x89: {  	_ =	swait.ge @!p0 [sflag:s0], s1  }
0x8a: {  	s1 =	ssub.s32 @!p0 $0x0, s1;
	[sflag:s0] =	ssyncset.done @!p0 $0x0  }
0x8b: {  	[sflag:s0] =	ssyncadd.s32 @!p0 s1  }
0x8c: {  	[bflag:$0x3] =	sbarrier.arrive $0xFFFF  }
0x8d: {  	_ =	shalt  }

// kernel: kernel.13.cloned.1.call-start
scs
__scs_entry_jumppad:
0x0: {  	(pc) =	sbr.rel $0x88, $3  }
0x1: {  	(tag) =	ssettag $0x0;
	lr =	simm.s32 $0x1  }
0x2: {  	[smem:$0x3F8B] =	sst lr;
	_ =	strace $0xD0000000  }
0x3: {  	_ = 	snop  }
0x4: {  	_ = 	snop  }
0x5: {  	_ = 	snop  }
0x6: {  	_ = 	snop  }
0x7: {  	_ = 	snop  }
__scs_overlays_trampoline_lowered:
0x8: {  	[smem:$0x3F9A] =	sst s0  }
0x9: {  	[smem:$0x3F9B] =	sst s1  }
0xa: {  	[smem:$0x3F9C] =	sst s2  }
0xb: {  	[smem:$0x3F9D] =	sst s3  }
0xc: {  	[smem:$0x3F9E] =	sst s4  }
0xd: {  	[smem:$0x3F9F] =	sst s5  }
0xe: {  	[smem:$0x3FA0] =	sst s6  }
0xf: {  	[smem:$0x3FA1] =	sst s7  }
0x10: {  	[smem:$0x3FA2] =	sst s8  }
0x11: {  	[smem:$0x3FA3] =	sst s9;
	s0 =	simm.s32 @!p0 $0x0  }
0x12: {  	s1 =	sld [smem:$0x3F89];
	s0 =	simm.s32 @p0 $0x1  }
0x13: {  	[smem:$0x3FA4] =	sst s0;
	s0 =	simm.s32 @!p1 $0x0  }
0x14: {  	s2 =	sld [smem:$0x3F88];
	s0 =	simm.s32 @p1 $0x1  }
0x15: {  	[smem:$0x3FA5] =	sst s0;
	s0 =	simm.s32 @!p2 $0x0  }
0x16: {  	s3 =	sld [smem:$0x3FDB];
	s0 =	simm.s32 @p2 $0x1  }
0x17: {  	s4 =	simm.s32 $0x1BF5;
	[smem:$0x3FA7] =	sst s0  }
0x18: {  	s0 =	sld [smem:$0x3F8A];
	_ =	swait.ge [sflag:s4], $0x0  }
0x19: {  	s7 =	sld [smem:$0x3F8B]  }
0x1a: {  	s8 =	sadd.s32 $0xFFFFE003, lr  }
0x1b: {  	s9 =	sadd.s32 $0xFFFFFEF7, lr;
	s5 =	simm.s32 $0xFFFFFFFF;
	p2 =	slt.u32 s8, $0xFFFFF086  }
0x1c: {  	p1 =	slt.u32 s9, $0xF7A;
	s5 =	simm.s32 @!p2 $0x0  }
0x1d: {  	s5 =	simm.s32 @p1 $0x1;
	p0 =	seq.s32 s7, s2  }
0x1e: {  	s7 =	smul.u32 @!p0 $0xF7A, s2;
	p2 =	seq.s32 @!p0 s5, $0x0  }
0x1f: {  	s9 =	smul.u32 $0xF7A, s1;
	s8 =	simm.s32 @!p0 $0x1BF5;
	p2 =	por !p2, p0  }
0x20: {  	[sflag:s8] =	ssyncset.s32 @!p0 $0xFFFFF086;
	s6 =	sadd.s32 @!p0 s3, s7;
	s7 =	simm.s32 @!p0 $0x108  }
0x21: {  	s3 =	sadd.s32 s3, s9;
	s6 =	sadd.s32 @!p0 $0x88, s6;
	s7 =	simm.s32 @p2 $0x1082  }
0x22: {  	[simem:s7], [sflag:s8] =	dma.local @!p0 [hbm:s6], $0xF7A  }
0x23: {  	s9 =	sor.u32 $0xD0000000, s2;
	s6 =	simm.s32 $0x108;
	_ =	swait.ge @!p0 [sflag:s8], $0x0  }
0x24: {  	s3 =	sadd.s32 $0x88, s3;
	s6 =	simm.s32 @!p1 $0x1082;
	[sflag:s4] =	ssyncset.s32 $0xFFFFF086  }
0x25: {  	[simem:s6], [sflag:s4] =	dma.local [hbm:s3], $0xF7A  }
0x26: {  	[smem:$0x3F8B] =	sst s1;
	(tag) =	ssettag s2;
	_ =	strace s9  }
0x27: {  	s1 =	sld [smem:$0x3F9B]  }
0x28: {  	s2 =	sld [smem:$0x3F9C]  }
0x29: {  	s4 =	sld [smem:$0x3F9E]  }
0x2a: {  	p0 =	seq.s32 s5, $0x0;
	s5 =	sld [smem:$0x3F9F]  }
0x2b: {  	s6 =	sld [smem:$0x3FA0]  }
0x2c: {  	s7 =	sld [smem:$0x3FA1]  }
0x2d: {  	s3 =	simm.s32 $0x108;
	s8 =	sld [smem:$0x3FA2]  }
0x2e: {  	s3 =	simm.s32 @!p0 $0x1082;
	s9 =	sld [smem:$0x3FA3]  }
0x2f: {  	lr =	sadd.s32 s0, s3;
	s0 =	sld [smem:$0x3F9A]  }
0x30: {  	s3 =	sld [smem:$0x3F9D]  }
0x31: {  	[smem:$0x3FA6] =	sst s10  }
0x32: {  	s10 =	sld [smem:$0x3FA4];
	_ =	sdelay $0x3  }
0x33: {  	p0 =	seq.s32 s10, $0x1;
	s10 =	sld [smem:$0x3FA6];
	_ =	sdelay $0x3  }
0x34: {  	[smem:$0x3FA6] =	sst s10  }
0x35: {  	s10 =	sld [smem:$0x3FA5];
	_ =	sdelay $0x3  }
0x36: {  	p1 =	seq.s32 s10, $0x1;
	s10 =	sld [smem:$0x3FA6];
	_ =	sdelay $0x3  }
0x37: {  	[smem:$0x3FA6] =	sst s10  }
0x38: {  	s10 =	sld [smem:$0x3FA7]  }
0x39: {  	_ = 	snop;
	(pc) =	sbr.ind lr, $3  }
0x3a: {  	_ = 	snop  }
0x3b: {  	_ = 	snop  }
0x3c: {  	p2 =	seq.s32 s10, $0x1;
	s10 =	sld [smem:$0x3FA6]  }
0x3d: {  	_ =	shalt  }
0x3e: {  	_ =	shalt  }
0x3f: {  	_ =	shalt  }
0x40: {  	_ =	shalt  }
0x41: {  	_ =	shalt  }
0x42: {  	_ =	shalt  }
0x43: {  	_ =	shalt  }
0x44: {  	_ =	shalt  }
0x45: {  	_ =	shalt  }
0x46: {  	_ =	shalt  }
0x47: {  	_ =	shalt  }
0x48: {  	_ =	shalt  }
0x49: {  	_ =	shalt  }
0x4a: {  	_ =	shalt  }
0x4b: {  	_ =	shalt  }
0x4c: {  	_ =	shalt  }
0x4d: {  	_ =	shalt  }
0x4e: {  	_ =	shalt  }
0x4f: {  	_ =	shalt  }
0x50: {  	_ =	shalt  }
0x51: {  	_ =	shalt  }
0x52: {  	_ =	shalt  }
0x53: {  	_ =	shalt  }
0x54: {  	_ =	shalt  }
0x55: {  	_ =	shalt  }
0x56: {  	_ =	shalt  }
0x57: {  	_ =	shalt  }
0x58: {  	_ =	shalt  }
0x59: {  	_ =	shalt  }
0x5a: {  	_ =	shalt  }
0x5b: {  	_ =	shalt  }
0x5c: {  	_ =	shalt  }
0x5d: {  	_ =	shalt  }
0x5e: {  	_ =	shalt  }
0x5f: {  	_ =	shalt  }
0x60: {  	_ =	shalt  }
0x61: {  	_ =	shalt  }
0x62: {  	_ =	shalt  }
0x63: {  	_ =	shalt  }
0x64: {  	_ =	shalt  }
0x65: {  	_ =	shalt  }
0x66: {  	_ =	shalt  }
0x67: {  	_ =	shalt  }
0x68: {  	_ =	shalt  }
0x69: {  	_ =	shalt  }
0x6a: {  	_ =	shalt  }
0x6b: {  	_ =	shalt  }
0x6c: {  	_ =	shalt  }
0x6d: {  	_ =	shalt  }
0x6e: {  	_ =	shalt  }
0x6f: {  	_ =	shalt  }
0x70: {  	_ =	shalt  }
0x71: {  	_ =	shalt  }
0x72: {  	_ =	shalt  }
0x73: {  	_ =	shalt  }
0x74: {  	_ =	shalt  }
0x75: {  	_ =	shalt  }
0x76: {  	_ =	shalt  }
0x77: {  	_ =	shalt  }
0x78: {  	_ =	shalt  }
0x79: {  	_ =	shalt  }
0x7a: {  	_ =	shalt  }
0x7b: {  	_ =	shalt  }
0x7c: {  	_ =	shalt  }
0x7d: {  	_ =	shalt  }
0x7e: {  	_ =	shalt  }
0x7f: {  	_ =	shalt  }
0x80: {  	_ =	shalt  }
0x81: {  	_ =	shalt  }
0x82: {  	_ =	shalt  }
0x83: {  	_ =	shalt  }
0x84: {  	_ =	shalt  }
0x85: {  	_ =	shalt  }
0x86: {  	_ =	shalt  }
0x87: {  	_ =	shalt  }
.Lfunc_end0:
.L_simem_size_0:
called_computation.1_lowered:
.L_overlay_start_0:
0x88: {  	s2 =	sld [smem:$0x3FD9]  }
0x89: {  	s3 =	sld [smem:$0x3FFE];
	_ =	sdelay $0x1  }
0x8a: {  	s1 =	srdreg.scid  }
0x8b: {  	s0 =	sand.u32 $0x1, s1  }
0x8c: {  	s16 =	sshll.u32 s0, $0xA;
	s2 =	sadd.s32 s3, s2  }
0x8d: {  	s2 =	sadd.s32 s2, s16  }
0x8e: {  	[smem:$0x3FB2] =	sst s2  }
0x8f: {  	_ = 	snop  }
0x90: {  	(tm) =	ssettm $0x1  }
0x91: {  	s17 =	sld [smem:$0x3FFB];
	_ =	sdelay $0x3  }
0x92: {  	_ =	strace s17  }
0x93: {  	s2 =	sld [smem:$0x3FFC];
	_ =	sdelay $0x3  }
0x94: {  	_ =	strace s2  }
0x95: {  	s2 =	sld [smem:$0x3FFD];
	_ =	sdelay $0x3  }
0x96: {  	_ =	strace s2  }
0x97: {  	_ =	strace $0x8FFFFFFF  }
0x98: {  	s18 =	sld [smem:$0x3FDB];
	_ =	sdelay $0x1  }
0x99: {  	s19 =	simm.s32 $_scs_section_size  }
0x9a: {  	s4 =	simm.s32 $_size__tile_overlayer_lowered;
	s5 =	simm.s32 $_tile_overlayer_lowered  }
0x9b: {  	s22 =	simm.s32 $0x1BFF;
	s21 =	sshll.u32 s5, $0x1;
	s2 =	sadd.s32 s19, s18  }
0x9c: {  	s6 =	simm.s32 $0x0;
	s20 =	sshll.u32 s4, $0x1;
	s4 =	sadd.s32 s21, s2  }
0x9d: {  	[timem:s6], [sflag:s22] =	dma.local [hbm:s4], s20  }
0x9e: {  	_ =	swait.ge [sflag:s22], s20  }
0x9f: {  	s3 =	ssub.s32 $0x0, s20;
	[sflag:s22] =	ssyncset.done $0x0  }
0xa0: {  	[sflag:s22] =	ssyncadd.s32 s3;
	_ =	sdelay $0x1  }
0xa1: {  	s23 =	simm.s32 $0x1B8B  }
0xa2: {  	_ =	swait.ge [sflag:s23], $0x1  }
0xa3: {  	[sflag:s23] =	ssyncset.done $0x0  }
0xa4: {  	s25 =	simm.s32 $0x1B8E;
	s24 =	sld [smem:$0x3FFE];
	[sflag:s23] =	ssyncadd.s32 $0xFFFFFFFF  }
0xa5: {  	s26 =	simm.s32 $execute0_lowered;
	[smem:$0x3FD2] =	sst s25  }
0xa6: {  	s4 =	sshll.u32 s26, $0x1;
	_ =	strace $0x80000049;
	[dreg:$0x1] =	wrdreg $0xFFFFFFFF  }
0xa7: {  	s28 =	simm.s32 $_size_execute0_lowered;
	s2 =	sadd.s32 s2, s4;
	[dreg:$0x0] =	wrdreg $0x0  }
0xa8: {  	s4 =	sshll.u32 s28, $0x1;
	[dreg:$0x2] =	wrdreg s2  }
0xa9: {  	[dreg:$0x3] =	wrdreg s4  }
0xaa: {  	[dreg:$0x4] =	wrdreg $0xC0  }
0xab: {  	_ =	task [dreg:s6], $0x5FFFF  }
0xac: {  	[dreg:$0x1] =	wrdreg $0xFFFFFFFF  }
0xad: {  	[dreg:$0x0] =	wrdreg $0x60  }
0xae: {  	[dreg:$0x2] =	wrdreg s24  }
0xaf: {  	[dreg:$0x3] =	wrdreg $0x48000  }
0xb0: {  	[dreg:$0x4] =	wrdreg $0x9  }
0xb1: {  	_ =	task.clear_ibuf [dreg:s6], $0x5FFFF;
	_ =	strace $0x90000049  }
0xb2: {  	s29 =	simm.s32 $0x9;
	_ =	strace $0x8000004B  }
0xb3: {  	_ =	swait.ge [sflag:s29], $0x1  }
0xb4: {  	[sflag:s29] =	ssyncadd.s32 $0xFFFFFFFF  }
0xb5: {  	_ =	strace $0x9000004B  }
0xb6: {  	_ =	sfence  }
0xb7: {  	s30 =	sld [smem:$0x0];
	_ =	sdelay $0x2  }
0xb8: {  	s31 =	sshll.u32 s1, $0xD;
	s1 =	sshrl.u32 s1, $0x2  }
0xb9: {  	s3 =	sand.u32 $0x4000, s31;
	s1 =	sadd.s32 s1, s30  }
0xba: {  	s0 =	sor.u32 s3, s0;
	s1 =	sshll.u32 s1, $0x11  }
0xbb: {  	s0 =	sor.u32 s1, s0  }
0xbc: {  	s0 =	sadd.s32 $0x8F2B, s0  }
0xbd: {  	[sflag:s0] =	ssyncadd.remote.s32 $0x1  }
0xbe: {  	_ =	sfence.sel $0xFFFF  }
0xbf: {  	[dreg:$0x0] =	wrdreg $0xFFFFFFFF;
	(pc) =	sbr.abs _section_cstart, $3  }
0xc0: {  	[dreg:$0x1] =	wrdreg $0xFFFFFFFF  }
0xc1: {  	_ =	task.clear_ibuf [dreg:s6], $0x2FFFF;
	_ =	strace $0x9FFFFFFF  }
0xc2: {  	(tm) =	ssettm $0x7FFFFFFF  }
0xc3: {  	_ =	shalt  }
tec
execute0_lowered:
.L_overlay_start_1:
0x0: {  	(tag) =	ssettag $0x1  }
0x1: {  	s13 =	rddreg [dreg:$0x0]  }
0x2: {  	s1 =	rddreg [dreg:$0x1]  }
0x3: {  	s0 =	rddreg [dreg:$0x2];
	s2 =	simm.s32 $0x0;
	s3 =	stileid.u32  }
0x4: {  	s7 =	srdreg.scid;
	s19 =	simm.s32 $0x1000;
	s20 =	simm.s32 $0x50  }
0x5: {  	s21 =	simm.s32 $0x2000;
	s22 =	simm.s32 $0x1;
	[smem:$0x7FF] =	sst s2  }
0x6: {  	s4 =	sadd.s32 $0xA7000, s13;
	s5 =	sadd.s32 $0x31A00, s13;
	s6 =	sadd.s32 $0x1DA00, s13  }
0x7: {  	s9 =	sand.u32 $0x1, s7;
	s10 =	smul.u32 $0x4E000, s3;
	s7 =	sadd.s32 $0x9A00, s13  }
0x8: {  	s11 =	smul.u32 $0x2700, s3;
	s8 =	sadd.s32 $0xCE200, s13;
	s16 =	sadd.s32 $0x124800, s1  }
0x9: {  	p1 =	seq.s32 s3, $0xF;
	_ =	strace $0x8000004A;
	s12 =	ssub.s32 $0x2, s9  }
0xa: {  	p0 =	seq.s32 s9, $0x1;
	s9 =	smul.u32 $0xA000, s3;
	s18 =	sshll.u32 @!p1 s3, $0x6  }
.Ltmp0:
0xb: {  	s14 =	sshrl.u32 s12, $0x1;
	s10 =	sshrl.u32 s10, $0x2;
	(pc) =	sbr.rel .LBB2_1-.Ltmp0, $4  }
0xc: {  	s15 =	sadd.s32 s11, s13;
	s11 =	sadd.s32 $0x7D500, s13;
	s13 =	sadd.s32 $0xF5300, s13  }
0xd: {  	s14 =	ssub.s32 s12, s14;
	s17 =	sadd.s32 s10, s1;
	s10 =	sadd.s32 $0x58C00, s15  }
0xe: {  	s12 =	sadd.s32 $0xD0A00, s15;
	s15 =	sshrl.u32 @p1 s16, $0x3;
	s16 =	sor.u32 @!p1 $0x1C02, s18  }
0xf: {  	s18 =	simm.s32 $0x2;
	s14 =	smax.u32 s14, $0x1;
	s17 =	sshrl.u32 @!p1 s17, $0x3  }
.LBB2_10:
0x10: {  	s2 =	sadd.s32 $0x1, s2  }
0x11: {  	p2 =	sne.s32 s2, s14  }
.Ltmp1:
0x12: {  	_ = 	snop;
	(pc) =	sbr.rel @!p2 .LBB2_11-.Ltmp1, $1  }
0x13: {  	_ =	sdelay $0x3  }
.LBB2_1:
0x14: {  	s23 =	simm.s32 @p1 $0x1FC2  }
0x15: {  	[spmem:s15], [sflag:s23] =	dma.local @p1 [hbm:s8], $0x2800  }
0x16: {  	s23 =	simm.s32 @p1 $0x2  }
0x17: {  	_ =	swait.ge @p1 [sflag:s23], $0x2800  }
0x18: {  	[sflag:s23] =	ssyncset.done @p1 $0x0  }
0x19: {  	[sflag:s23] =	ssyncadd.s32 @p1 $0xFFFFD800;
	s23 =	simm.s32 @!p1 $0x2  }
0x1a: {  	[spmem:s17], [sflag:s16] =	dma.local @!p1 [hbm:s8], $0x2700  }
.Ltmp2:
0x1b: {  	_ =	swait.ge @!p1 [sflag:s23], $0x2700;
	(pc) =	sbr.rel @!p0 .LBB2_2-.Ltmp2, $4  }
0x1c: {  	[sflag:s23] =	ssyncset.done @!p1 $0x0  }
0x1d: {  	[sflag:s23] =	ssyncadd.s32 @!p1 $0xFFFFD900  }
0x1e: {  	[bflag:$0x0] =	sbarrier.arrive $0xFFFF  }
0x1f: {  	s24 =	simm.s32 $0x0;
	s23 =	simm.s32 $0x0  }
.LBB2_6:
0x20: {  	s23 =	sshll.u32 s24, $0xC  }
0x21: {  	s23 =	sadd.s32 s9, s23  }
0x22: {  	s23 =	sshrl.u32 s23, $0x3  }
0x23: {  	s26 =	simm.s32 $0x0;
	s25 =	sadd.s32 s6, s23  }
0x24: {  	[tilespmem:s26], [sflag:$0x2] =	stream.linear.gather [hbm4b:s25+s26], $0xC80, $0x38;
	[tilespmem:$0x18080] =	vst v63  }
0x25: {  	_ =	swait.ge [sflag:s18], $0xC80  }
0x26: {  	[sflag:s18] =	ssyncset.done $0x0  }
0x27: {  	s23 =	sadd.s32 s7, s23;
	[sflag:s18] =	ssyncadd.s32 $0xFFFFF380  }
0x28: {  	[tilespmem:s19], [sflag:$0x2] =	stream.linear.gather [hbm4b:s23+s26], $0xC80, $0x38;
	[tilespmem:$0x18080] =	vst v63  }
0x29: {  	_ =	swait.ge [sflag:s18], $0xC80  }
0x2a: {  	[sflag:s18] =	ssyncset.done $0x0  }
0x2b: {  	s30 =	simm.s32 $0x0;
	[sflag:s18] =	ssyncadd.s32 $0xFFFFF380  }
0x2c: {  	[tilespmem:s21], [sflag:$0x1] =	stream.indirect.gather [hbm4b:s5+s20], $0x80, s30, s20, $0xb8;
	[tilespmem:$0x18080] =	vst v63  }
0x2d: {  	_ =	swait.ge [sflag:s22], $0x2800  }
0x2e: {  	[sflag:s22] =	ssyncset.done $0x0  }
0x2f: {  	s31 =	simm.s32 $0x1000;
	[sflag:s22] =	ssyncadd.s32 $0xFFFFD800  }
0x30: {  	[spmem:s1] =	stream.indirect.scatter.add.f32 [tilespmem:s21], [sflag:$0x2], $0x80, s31, s20, $0xb8;
	[tilespmem:$0x18080] =	vst v63  }
0x31: {  	_ =	swait.ge [sflag:s18], $0x2800  }
0x32: {  	s25 =	simm.s32 $0x400;
	s23 =	simm.s32 $0x200;
	[sflag:s18] =	ssyncset.done $0x0  }
.LBB2_7:
0x33: {  	s26 =	sshra.s32 s23, $0x2  }
0x34: {  	[sflag:s18] =	ssyncadd.s32 $0xFFFFD800;
	s23 =	smov.u32 s25;
	s28 =	sadd.s32 $0x200, s25  }
0x35: {  	[tilespmem:s21], [sflag:$0x1] =	stream.indirect.gather [hbm4b:s5+s20], $0x80, s26, s20, $0xb8;
	[tilespmem:$0x18080] =	vst v63  }
0x36: {  	p2 =	sne.s32 s25, $0x3000;
	_ =	swait.ge [sflag:s22], $0x2800  }
.Ltmp3:
0x37: {  	[sflag:s22] =	ssyncset.done $0x0;
	(pc) =	sbr.rel @p2 .LBB2_7-.Ltmp3, $4  }
0x38: {  	s25 =	sadd.s32 $0x1000, s26;
	[sflag:s22] =	ssyncadd.s32 $0xFFFFD800  }
0x39: {  	[spmem:s1] =	stream.indirect.scatter.add.f32 [tilespmem:s21], [sflag:$0x2], $0x80, s25, s20, $0xb8;
	[tilespmem:$0x18080] =	vst v63  }
0x3a: {  	_ =	swait.ge [sflag:s18], $0x2800  }
0x3b: {  	s25 =	smov.u32 s28;
	[sflag:s18] =	ssyncset.done $0x0  }
0x3c: {  	s23 =	sshra.s32 s23, $0x2;
	[sflag:s18] =	ssyncadd.s32 $0xFFFFD800  }
0x3d: {  	[tilespmem:s21], [sflag:$0x1] =	stream.indirect.gather [hbm4b:s5+s20], $0x80, s23, s20, $0xb8;
	[tilespmem:$0x18080] =	vst v63  }
0x3e: {  	s24 =	sadd.s32 $0x1, s24;
	_ =	swait.ge [sflag:s22], $0x2800  }
0x3f: {  	p2 =	sne.s32 s24, $0xA;
	[sflag:s22] =	ssyncset.done $0x0  }
.Ltmp4:
0x40: {  	s23 =	sadd.s32 $0x1000, s23;
	[sflag:s22] =	ssyncadd.s32 $0xFFFFD800;
	(pc) =	sbr.rel @p2 .LBB2_6-.Ltmp4, $4  }
0x41: {  	[spmem:s1] =	stream.indirect.scatter.add.f32 [tilespmem:s21], [sflag:$0x2], $0x80, s23, s20, $0xb8;
	[tilespmem:$0x18080] =	vst v63  }
0x42: {  	_ =	swait.ge [sflag:s18], $0x2800  }
0x43: {  	[sflag:s18] =	ssyncset.done $0x0  }
0x44: {  	[sflag:s18] =	ssyncadd.s32 $0xFFFFD800  }
0x45: {  	[bflag:$0x0] =	sbarrier.arrive $0xFFFF;
	s23 =	simm.s32 @p1 $0x1FC2  }
0x46: {  	[hbm:s13], [sflag:s23] =	dma.local @p1 [spmem:s15], $0x2800  }
0x47: {  	s23 =	simm.s32 @p1 $0x2  }
0x48: {  	_ =	swait.ge @p1 [sflag:s23], $0x2800  }
0x49: {  	[sflag:s23] =	ssyncset.done @p1 $0x0  }
.Ltmp5:
0x4a: {  	[sflag:s23] =	ssyncadd.s32 @p1 $0xFFFFD800;
	s23 =	simm.s32 @!p1 $0x2;
	(pc) =	sbr.rel .LBB2_10-.Ltmp5, $4  }
0x4b: {  	[hbm:s12], [sflag:s16] =	dma.local @!p1 [spmem:s17], $0x2700  }
0x4c: {  	_ =	swait.ge @!p1 [sflag:s23], $0x2700  }
0x4d: {  	[sflag:s23] =	ssyncset.done @!p1 $0x0  }
0x4e: {  	[sflag:s23] =	ssyncadd.s32 @!p1 $0xFFFFD900  }
.LBB2_2:
0x4f: {  	s24 =	sshll.u32 s23, $0xC  }
0x50: {  	s24 =	sadd.s32 s9, s24  }
0x51: {  	s24 =	sshrl.u32 s24, $0x3  }
0x52: {  	s26 =	simm.s32 $0x0;
	s25 =	sadd.s32 s6, s24  }
0x53: {  	[tilespmem:s26], [sflag:$0x2] =	stream.linear.gather [hbm4b:s25+s26], $0xC80, $0x38;
	[tilespmem:$0x18080] =	vst v63  }
0x54: {  	_ =	swait.ge [sflag:s18], $0xC80  }
0x55: {  	[sflag:s18] =	ssyncset.done $0x0  }
0x56: {  	s24 =	sadd.s32 s7, s24;
	[sflag:s18] =	ssyncadd.s32 $0xFFFFF380  }
0x57: {  	[tilespmem:s19], [sflag:$0x2] =	stream.linear.gather [hbm4b:s24+s26], $0xC80, $0x38;
	[tilespmem:$0x18080] =	vst v63  }
0x58: {  	_ =	swait.ge [sflag:s18], $0xC80  }
0x59: {  	[sflag:s18] =	ssyncset.done $0x0  }
0x5a: {  	s30 =	simm.s32 $0x0;
	[sflag:s18] =	ssyncadd.s32 $0xFFFFF380  }
0x5b: {  	[tilespmem:s21], [sflag:$0x1] =	stream.indirect.gather [hbm4b:s4+s20], $0x80, s30, s20, $0xb8;
	[tilespmem:$0x18080] =	vst v63  }
0x5c: {  	_ =	swait.ge [sflag:s22], $0x2800  }
0x5d: {  	[sflag:s22] =	ssyncset.done $0x0  }
0x5e: {  	s31 =	simm.s32 $0x1000;
	[sflag:s22] =	ssyncadd.s32 $0xFFFFD800  }
0x5f: {  	[spmem:s1] =	stream.indirect.scatter.add.f32 [tilespmem:s21], [sflag:$0x2], $0x80, s31, s20, $0xb8;
	[tilespmem:$0x18080] =	vst v63  }
0x60: {  	_ =	swait.ge [sflag:s18], $0x2800  }
0x61: {  	s25 =	simm.s32 $0x400;
	s24 =	simm.s32 $0x200;
	[sflag:s18] =	ssyncset.done $0x0  }
.LBB2_3:
0x62: {  	s26 =	sshra.s32 s24, $0x2  }
0x63: {  	[sflag:s18] =	ssyncadd.s32 $0xFFFFD800;
	s24 =	smov.u32 s25;
	s28 =	sadd.s32 $0x200, s25  }
0x64: {  	[tilespmem:s21], [sflag:$0x1] =	stream.indirect.gather [hbm4b:s4+s20], $0x80, s26, s20, $0xb8;
	[tilespmem:$0x18080] =	vst v63  }
0x65: {  	p2 =	sne.s32 s25, $0x3000;
	_ =	swait.ge [sflag:s22], $0x2800  }
.Ltmp6:
0x66: {  	[sflag:s22] =	ssyncset.done $0x0;
	(pc) =	sbr.rel @p2 .LBB2_3-.Ltmp6, $4  }
0x67: {  	s25 =	sadd.s32 $0x1000, s26;
	[sflag:s22] =	ssyncadd.s32 $0xFFFFD800  }
0x68: {  	[spmem:s1] =	stream.indirect.scatter.add.f32 [tilespmem:s21], [sflag:$0x2], $0x80, s25, s20, $0xb8;
	[tilespmem:$0x18080] =	vst v63  }
0x69: {  	_ =	swait.ge [sflag:s18], $0x2800  }
0x6a: {  	s25 =	smov.u32 s28;
	[sflag:s18] =	ssyncset.done $0x0  }
0x6b: {  	s24 =	sshra.s32 s24, $0x2;
	[sflag:s18] =	ssyncadd.s32 $0xFFFFD800  }
0x6c: {  	[tilespmem:s21], [sflag:$0x1] =	stream.indirect.gather [hbm4b:s4+s20], $0x80, s24, s20, $0xb8;
	[tilespmem:$0x18080] =	vst v63  }
0x6d: {  	s23 =	sadd.s32 $0x1, s23;
	_ =	swait.ge [sflag:s22], $0x2800  }
0x6e: {  	p2 =	sne.s32 s23, $0xA;
	[sflag:s22] =	ssyncset.done $0x0  }
.Ltmp7:
0x6f: {  	s24 =	sadd.s32 $0x1000, s24;
	[sflag:s22] =	ssyncadd.s32 $0xFFFFD800;
	(pc) =	sbr.rel @p2 .LBB2_2-.Ltmp7, $4  }
0x70: {  	[spmem:s1] =	stream.indirect.scatter.add.f32 [tilespmem:s21], [sflag:$0x2], $0x80, s24, s20, $0xb8;
	[tilespmem:$0x18080] =	vst v63  }
0x71: {  	_ =	swait.ge [sflag:s18], $0x2800  }
0x72: {  	[sflag:s18] =	ssyncset.done $0x0  }
0x73: {  	[sflag:s18] =	ssyncadd.s32 $0xFFFFD800  }
0x74: {  	[bflag:$0x0] =	sbarrier.arrive $0xFFFF;
	s23 =	simm.s32 @p1 $0x1FC2  }
0x75: {  	[hbm:s11], [sflag:s23] =	dma.local @p1 [spmem:s15], $0x2800  }
0x76: {  	s23 =	simm.s32 @p1 $0x2  }
0x77: {  	_ =	swait.ge @p1 [sflag:s23], $0x2800  }
0x78: {  	[sflag:s23] =	ssyncset.done @p1 $0x0  }
.Ltmp8:
0x79: {  	[sflag:s23] =	ssyncadd.s32 @p1 $0xFFFFD800;
	s23 =	simm.s32 @!p1 $0x2;
	(pc) =	sbr.rel .LBB2_10-.Ltmp8, $4  }
0x7a: {  	[hbm:s10], [sflag:s16] =	dma.local @!p1 [spmem:s17], $0x2700  }
0x7b: {  	_ =	swait.ge @!p1 [sflag:s23], $0x2700  }
0x7c: {  	[sflag:s23] =	ssyncset.done @!p1 $0x0  }
0x7d: {  	[sflag:s23] =	ssyncadd.s32 @!p1 $0xFFFFD900  }
.LBB2_11:
0x7e: {  	_ =	sfence.sel $0x180000  }
0x7f: {  	[bflag:$0x0] =	sbarrier.arrive $0xFFFF  }
0x80: {  	p0 =	sne.s32 s3, $0x0;
	_ =	strace $0x9000004A  }
0x81: {  	s0 =	sadd.s32 @!p0 $0x100000, s0;
	[bflag:$0x2] =	sbarrier.arrive $0xFFFF  }
0x82: {  	[sflag:s0] =	ssyncadd.tile.s32 @!p0 $0x1;
	_ =	shalt  }
.Lfunc_end2:
_tile_overlayer_lowered:
.L_overlay_start_2:
0x83: {  	(tag) =	ssettag $0x2  }
0x84: {  	s0 =	rddreg [dreg:$0x0];
	s2 =	stileid.u32  }
0x85: {  	s1 =	rddreg [dreg:$0x1];
	p0 =	sne.s32 s2, $0x0  }
0x86: {  	s3 =	rddreg [dreg:$0x2];
	[bflag:$0x3] =	sbarrier.arrive $0xFFFF;
	s2 =	simm.s32 @!p0 $0x1C02  }
0x87: {  	[timem:s3], [sflag:s2] =	dma.local @!p0 [hbm:s0], s1  }
0x88: {  	s0 =	simm.s32 @!p0 $0x2  }
0x89: {  	_ =	swait.ge @!p0 [sflag:s0], s1  }
0x8a: {  	s1 =	ssub.s32 @!p0 $0x0, s1;
	[sflag:s0] =	ssyncset.done @!p0 $0x0  }
0x8b: {  	[sflag:s0] =	ssyncadd.s32 @!p0 s1  }
0x8c: {  	[bflag:$0x3] =	sbarrier.arrive $0xFFFF  }
0x8d: {  	_ =	shalt  }

// kernel: kernel.16.cloned.1.call-start
scs
__scs_entry_jumppad:
0x0: {  	(pc) =	sbr.rel $0x88, $3  }
0x1: {  	(tag) =	ssettag $0x0;
	lr =	simm.s32 $0x1  }
0x2: {  	[smem:$0x3F8B] =	sst lr;
	_ =	strace $0xD0000000  }
0x3: {  	_ = 	snop  }
0x4: {  	_ = 	snop  }
0x5: {  	_ = 	snop  }
0x6: {  	_ = 	snop  }
0x7: {  	_ = 	snop  }
__scs_overlays_trampoline_lowered:
0x8: {  	[smem:$0x3F9A] =	sst s0  }
0x9: {  	[smem:$0x3F9B] =	sst s1  }
0xa: {  	[smem:$0x3F9C] =	sst s2  }
0xb: {  	[smem:$0x3F9D] =	sst s3  }
0xc: {  	[smem:$0x3F9E] =	sst s4  }
0xd: {  	[smem:$0x3F9F] =	sst s5  }
0xe: {  	[smem:$0x3FA0] =	sst s6  }
0xf: {  	[smem:$0x3FA1] =	sst s7  }
0x10: {  	[smem:$0x3FA2] =	sst s8  }
0x11: {  	[smem:$0x3FA3] =	sst s9;
	s0 =	simm.s32 @!p0 $0x0  }
0x12: {  	s1 =	sld [smem:$0x3F89];
	s0 =	simm.s32 @p0 $0x1  }
0x13: {  	[smem:$0x3FA4] =	sst s0;
	s0 =	simm.s32 @!p1 $0x0  }
0x14: {  	s2 =	sld [smem:$0x3F88];
	s0 =	simm.s32 @p1 $0x1  }
0x15: {  	[smem:$0x3FA5] =	sst s0;
	s0 =	simm.s32 @!p2 $0x0  }
0x16: {  	s3 =	sld [smem:$0x3FDB];
	s0 =	simm.s32 @p2 $0x1  }
0x17: {  	s4 =	simm.s32 $0x1BF5;
	[smem:$0x3FA7] =	sst s0  }
0x18: {  	s0 =	sld [smem:$0x3F8A];
	_ =	swait.ge [sflag:s4], $0x0  }
0x19: {  	s7 =	sld [smem:$0x3F8B]  }
0x1a: {  	s8 =	sadd.s32 $0xFFFFE003, lr  }
0x1b: {  	s9 =	sadd.s32 $0xFFFFFEF7, lr;
	s5 =	simm.s32 $0xFFFFFFFF;
	p2 =	slt.u32 s8, $0xFFFFF086  }
0x1c: {  	p1 =	slt.u32 s9, $0xF7A;
	s5 =	simm.s32 @!p2 $0x0  }
0x1d: {  	s5 =	simm.s32 @p1 $0x1;
	p0 =	seq.s32 s7, s2  }
0x1e: {  	s7 =	smul.u32 @!p0 $0xF7A, s2;
	p2 =	seq.s32 @!p0 s5, $0x0  }
0x1f: {  	s9 =	smul.u32 $0xF7A, s1;
	s8 =	simm.s32 @!p0 $0x1BF5;
	p2 =	por !p2, p0  }
0x20: {  	[sflag:s8] =	ssyncset.s32 @!p0 $0xFFFFF086;
	s6 =	sadd.s32 @!p0 s3, s7;
	s7 =	simm.s32 @!p0 $0x108  }
0x21: {  	s3 =	sadd.s32 s3, s9;
	s6 =	sadd.s32 @!p0 $0x88, s6;
	s7 =	simm.s32 @p2 $0x1082  }
0x22: {  	[simem:s7], [sflag:s8] =	dma.local @!p0 [hbm:s6], $0xF7A  }
0x23: {  	s9 =	sor.u32 $0xD0000000, s2;
	s6 =	simm.s32 $0x108;
	_ =	swait.ge @!p0 [sflag:s8], $0x0  }
0x24: {  	s3 =	sadd.s32 $0x88, s3;
	s6 =	simm.s32 @!p1 $0x1082;
	[sflag:s4] =	ssyncset.s32 $0xFFFFF086  }
0x25: {  	[simem:s6], [sflag:s4] =	dma.local [hbm:s3], $0xF7A  }
0x26: {  	[smem:$0x3F8B] =	sst s1;
	(tag) =	ssettag s2;
	_ =	strace s9  }
0x27: {  	s1 =	sld [smem:$0x3F9B]  }
0x28: {  	s2 =	sld [smem:$0x3F9C]  }
0x29: {  	s4 =	sld [smem:$0x3F9E]  }
0x2a: {  	p0 =	seq.s32 s5, $0x0;
	s5 =	sld [smem:$0x3F9F]  }
0x2b: {  	s6 =	sld [smem:$0x3FA0]  }
0x2c: {  	s7 =	sld [smem:$0x3FA1]  }
0x2d: {  	s3 =	simm.s32 $0x108;
	s8 =	sld [smem:$0x3FA2]  }
0x2e: {  	s3 =	simm.s32 @!p0 $0x1082;
	s9 =	sld [smem:$0x3FA3]  }
0x2f: {  	lr =	sadd.s32 s0, s3;
	s0 =	sld [smem:$0x3F9A]  }
0x30: {  	s3 =	sld [smem:$0x3F9D]  }
0x31: {  	[smem:$0x3FA6] =	sst s10  }
0x32: {  	s10 =	sld [smem:$0x3FA4];
	_ =	sdelay $0x3  }
0x33: {  	p0 =	seq.s32 s10, $0x1;
	s10 =	sld [smem:$0x3FA6];
	_ =	sdelay $0x3  }
0x34: {  	[smem:$0x3FA6] =	sst s10  }
0x35: {  	s10 =	sld [smem:$0x3FA5];
	_ =	sdelay $0x3  }
0x36: {  	p1 =	seq.s32 s10, $0x1;
	s10 =	sld [smem:$0x3FA6];
	_ =	sdelay $0x3  }
0x37: {  	[smem:$0x3FA6] =	sst s10  }
0x38: {  	s10 =	sld [smem:$0x3FA7]  }
0x39: {  	_ = 	snop;
	(pc) =	sbr.ind lr, $3  }
0x3a: {  	_ = 	snop  }
0x3b: {  	_ = 	snop  }
0x3c: {  	p2 =	seq.s32 s10, $0x1;
	s10 =	sld [smem:$0x3FA6]  }
0x3d: {  	_ =	shalt  }
0x3e: {  	_ =	shalt  }
0x3f: {  	_ =	shalt  }
0x40: {  	_ =	shalt  }
0x41: {  	_ =	shalt  }
0x42: {  	_ =	shalt  }
0x43: {  	_ =	shalt  }
0x44: {  	_ =	shalt  }
0x45: {  	_ =	shalt  }
0x46: {  	_ =	shalt  }
0x47: {  	_ =	shalt  }
0x48: {  	_ =	shalt  }
0x49: {  	_ =	shalt  }
0x4a: {  	_ =	shalt  }
0x4b: {  	_ =	shalt  }
0x4c: {  	_ =	shalt  }
0x4d: {  	_ =	shalt  }
0x4e: {  	_ =	shalt  }
0x4f: {  	_ =	shalt  }
0x50: {  	_ =	shalt  }
0x51: {  	_ =	shalt  }
0x52: {  	_ =	shalt  }
0x53: {  	_ =	shalt  }
0x54: {  	_ =	shalt  }
0x55: {  	_ =	shalt  }
0x56: {  	_ =	shalt  }
0x57: {  	_ =	shalt  }
0x58: {  	_ =	shalt  }
0x59: {  	_ =	shalt  }
0x5a: {  	_ =	shalt  }
0x5b: {  	_ =	shalt  }
0x5c: {  	_ =	shalt  }
0x5d: {  	_ =	shalt  }
0x5e: {  	_ =	shalt  }
0x5f: {  	_ =	shalt  }
0x60: {  	_ =	shalt  }
0x61: {  	_ =	shalt  }
0x62: {  	_ =	shalt  }
0x63: {  	_ =	shalt  }
0x64: {  	_ =	shalt  }
0x65: {  	_ =	shalt  }
0x66: {  	_ =	shalt  }
0x67: {  	_ =	shalt  }
0x68: {  	_ =	shalt  }
0x69: {  	_ =	shalt  }
0x6a: {  	_ =	shalt  }
0x6b: {  	_ =	shalt  }
0x6c: {  	_ =	shalt  }
0x6d: {  	_ =	shalt  }
0x6e: {  	_ =	shalt  }
0x6f: {  	_ =	shalt  }
0x70: {  	_ =	shalt  }
0x71: {  	_ =	shalt  }
0x72: {  	_ =	shalt  }
0x73: {  	_ =	shalt  }
0x74: {  	_ =	shalt  }
0x75: {  	_ =	shalt  }
0x76: {  	_ =	shalt  }
0x77: {  	_ =	shalt  }
0x78: {  	_ =	shalt  }
0x79: {  	_ =	shalt  }
0x7a: {  	_ =	shalt  }
0x7b: {  	_ =	shalt  }
0x7c: {  	_ =	shalt  }
0x7d: {  	_ =	shalt  }
0x7e: {  	_ =	shalt  }
0x7f: {  	_ =	shalt  }
0x80: {  	_ =	shalt  }
0x81: {  	_ =	shalt  }
0x82: {  	_ =	shalt  }
0x83: {  	_ =	shalt  }
0x84: {  	_ =	shalt  }
0x85: {  	_ =	shalt  }
0x86: {  	_ =	shalt  }
0x87: {  	_ =	shalt  }
.Lfunc_end0:
.L_simem_size_0:
called_computation.2_lowered:
.L_overlay_start_0:
0x88: {  	s2 =	sld [smem:$0x3FD9]  }
0x89: {  	s3 =	sld [smem:$0x3FFE];
	_ =	sdelay $0x1  }
0x8a: {  	s1 =	srdreg.scid  }
0x8b: {  	s0 =	sand.u32 $0x1, s1  }
0x8c: {  	s16 =	sshll.u32 s0, $0xA;
	s2 =	sadd.s32 s3, s2  }
0x8d: {  	s2 =	sadd.s32 s2, s16  }
0x8e: {  	[smem:$0x3FB2] =	sst s2  }
0x8f: {  	_ = 	snop  }
0x90: {  	(tm) =	ssettm $0x1  }
0x91: {  	s17 =	sld [smem:$0x3FFB];
	_ =	sdelay $0x3  }
0x92: {  	_ =	strace s17  }
0x93: {  	s2 =	sld [smem:$0x3FFC];
	_ =	sdelay $0x3  }
0x94: {  	_ =	strace s2  }
0x95: {  	s2 =	sld [smem:$0x3FFD];
	_ =	sdelay $0x3  }
0x96: {  	_ =	strace s2  }
0x97: {  	_ =	strace $0x8FFFFFFF  }
0x98: {  	s18 =	sld [smem:$0x3FDB];
	_ =	sdelay $0x1  }
0x99: {  	s19 =	simm.s32 $_scs_section_size  }
0x9a: {  	s4 =	simm.s32 $_size__tile_overlayer_lowered;
	s5 =	simm.s32 $_tile_overlayer_lowered  }
0x9b: {  	s22 =	simm.s32 $0x1BFF;
	s21 =	sshll.u32 s5, $0x1;
	s2 =	sadd.s32 s19, s18  }
0x9c: {  	s6 =	simm.s32 $0x0;
	s20 =	sshll.u32 s4, $0x1;
	s4 =	sadd.s32 s21, s2  }
0x9d: {  	[timem:s6], [sflag:s22] =	dma.local [hbm:s4], s20  }
0x9e: {  	_ =	swait.ge [sflag:s22], s20  }
0x9f: {  	s3 =	ssub.s32 $0x0, s20;
	[sflag:s22] =	ssyncset.done $0x0  }
0xa0: {  	[sflag:s22] =	ssyncadd.s32 s3;
	_ =	sdelay $0x1  }
0xa1: {  	s23 =	simm.s32 $0x1B8B  }
0xa2: {  	_ =	swait.ge [sflag:s23], $0x1  }
0xa3: {  	[sflag:s23] =	ssyncset.done $0x0  }
0xa4: {  	s25 =	simm.s32 $0x1B8E;
	s24 =	sld [smem:$0x3FFE];
	[sflag:s23] =	ssyncadd.s32 $0xFFFFFFFF  }
0xa5: {  	s26 =	simm.s32 $execute0_lowered;
	[smem:$0x3FD2] =	sst s25  }
0xa6: {  	s4 =	sshll.u32 s26, $0x1;
	_ =	strace $0x8000004C;
	[dreg:$0x1] =	wrdreg $0xFFFFFFFF  }
0xa7: {  	s28 =	simm.s32 $_size_execute0_lowered;
	s2 =	sadd.s32 s2, s4;
	[dreg:$0x0] =	wrdreg $0x0  }
0xa8: {  	s4 =	sshll.u32 s28, $0x1;
	[dreg:$0x2] =	wrdreg s2  }
0xa9: {  	[dreg:$0x3] =	wrdreg s4  }
0xaa: {  	[dreg:$0x4] =	wrdreg $0xC0  }
0xab: {  	_ =	task [dreg:s6], $0x5FFFF  }
0xac: {  	[dreg:$0x1] =	wrdreg $0xFFFFFFFF  }
0xad: {  	[dreg:$0x0] =	wrdreg $0x60  }
0xae: {  	[dreg:$0x2] =	wrdreg s24  }
0xaf: {  	[dreg:$0x3] =	wrdreg $0x48000  }
0xb0: {  	[dreg:$0x4] =	wrdreg $0x9  }
0xb1: {  	_ =	task.clear_ibuf [dreg:s6], $0x5FFFF;
	_ =	strace $0x9000004C  }
0xb2: {  	s29 =	simm.s32 $0x9;
	_ =	strace $0x8000004E  }
0xb3: {  	_ =	swait.ge [sflag:s29], $0x1  }
0xb4: {  	[sflag:s29] =	ssyncadd.s32 $0xFFFFFFFF  }
0xb5: {  	_ =	strace $0x9000004E  }
0xb6: {  	_ =	sfence  }
0xb7: {  	s30 =	sld [smem:$0x0];
	_ =	sdelay $0x2  }
0xb8: {  	s31 =	sshll.u32 s1, $0xD;
	s1 =	sshrl.u32 s1, $0x2  }
0xb9: {  	s3 =	sand.u32 $0x4000, s31;
	s1 =	sadd.s32 s1, s30  }
0xba: {  	s0 =	sor.u32 s3, s0;
	s1 =	sshll.u32 s1, $0x11  }
0xbb: {  	s0 =	sor.u32 s1, s0  }
0xbc: {  	s0 =	sadd.s32 $0x8F2B, s0  }
0xbd: {  	[sflag:s0] =	ssyncadd.remote.s32 $0x1  }
0xbe: {  	_ =	sfence.sel $0xFFFF  }
0xbf: {  	[dreg:$0x0] =	wrdreg $0xFFFFFFFF;
	(pc) =	sbr.abs _section_cstart, $3  }
0xc0: {  	[dreg:$0x1] =	wrdreg $0xFFFFFFFF  }
0xc1: {  	_ =	task.clear_ibuf [dreg:s6], $0x2FFFF;
	_ =	strace $0x9FFFFFFF  }
0xc2: {  	(tm) =	ssettm $0x7FFFFFFF  }
0xc3: {  	_ =	shalt  }
tec
execute0_lowered:
.L_overlay_start_1:
0x0: {  	(tag) =	ssettag $0x1  }
0x1: {  	s13 =	rddreg [dreg:$0x0]  }
0x2: {  	s1 =	rddreg [dreg:$0x1]  }
0x3: {  	s0 =	rddreg [dreg:$0x2];
	s2 =	simm.s32 $0x0;
	s3 =	stileid.u32  }
0x4: {  	s7 =	srdreg.scid;
	s19 =	simm.s32 $0x1000;
	s20 =	simm.s32 $0x50  }
0x5: {  	s21 =	simm.s32 $0x2000;
	s22 =	simm.s32 $0x1;
	[smem:$0x7FF] =	sst s2  }
0x6: {  	s4 =	sadd.s32 $0xA7000, s13;
	s5 =	sadd.s32 $0x31A00, s13;
	s6 =	sadd.s32 $0x1DA00, s13  }
0x7: {  	s9 =	sand.u32 $0x1, s7;
	s10 =	smul.u32 $0x4E000, s3;
	s7 =	sadd.s32 $0x9A00, s13  }
0x8: {  	s11 =	smul.u32 $0x2700, s3;
	s8 =	sadd.s32 $0xCE200, s13;
	s16 =	sadd.s32 $0x124800, s1  }
0x9: {  	p1 =	seq.s32 s3, $0xF;
	_ =	strace $0x8000004D;
	s12 =	ssub.s32 $0x2, s9  }
0xa: {  	p0 =	seq.s32 s9, $0x1;
	s9 =	smul.u32 $0xA000, s3;
	s18 =	sshll.u32 @!p1 s3, $0x6  }
.Ltmp0:
0xb: {  	s14 =	sshrl.u32 s12, $0x1;
	s10 =	sshrl.u32 s10, $0x2;
	(pc) =	sbr.rel .LBB2_1-.Ltmp0, $4  }
0xc: {  	s15 =	sadd.s32 s11, s13;
	s11 =	sadd.s32 $0x7D500, s13;
	s13 =	sadd.s32 $0xF5300, s13  }
0xd: {  	s14 =	ssub.s32 s12, s14;
	s17 =	sadd.s32 s10, s1;
	s10 =	sadd.s32 $0x58C00, s15  }
0xe: {  	s12 =	sadd.s32 $0xD0A00, s15;
	s15 =	sshrl.u32 @p1 s16, $0x3;
	s16 =	sor.u32 @!p1 $0x1C02, s18  }
0xf: {  	s18 =	simm.s32 $0x2;
	s14 =	smax.u32 s14, $0x1;
	s17 =	sshrl.u32 @!p1 s17, $0x3  }
.LBB2_10:
0x10: {  	s2 =	sadd.s32 $0x1, s2  }
0x11: {  	p2 =	sne.s32 s2, s14  }
.Ltmp1:
0x12: {  	_ = 	snop;
	(pc) =	sbr.rel @!p2 .LBB2_11-.Ltmp1, $1  }
0x13: {  	_ =	sdelay $0x3  }
.LBB2_1:
0x14: {  	s23 =	simm.s32 @p1 $0x1FC2  }
0x15: {  	[spmem:s15], [sflag:s23] =	dma.local @p1 [hbm:s8], $0x2800  }
0x16: {  	s23 =	simm.s32 @p1 $0x2  }
0x17: {  	_ =	swait.ge @p1 [sflag:s23], $0x2800  }
0x18: {  	[sflag:s23] =	ssyncset.done @p1 $0x0  }
0x19: {  	[sflag:s23] =	ssyncadd.s32 @p1 $0xFFFFD800;
	s23 =	simm.s32 @!p1 $0x2  }
0x1a: {  	[spmem:s17], [sflag:s16] =	dma.local @!p1 [hbm:s8], $0x2700  }
.Ltmp2:
0x1b: {  	_ =	swait.ge @!p1 [sflag:s23], $0x2700;
	(pc) =	sbr.rel @!p0 .LBB2_2-.Ltmp2, $4  }
0x1c: {  	[sflag:s23] =	ssyncset.done @!p1 $0x0  }
0x1d: {  	[sflag:s23] =	ssyncadd.s32 @!p1 $0xFFFFD900  }
0x1e: {  	[bflag:$0x0] =	sbarrier.arrive $0xFFFF  }
0x1f: {  	s24 =	simm.s32 $0x0;
	s23 =	simm.s32 $0x0  }
.LBB2_6:
0x20: {  	s23 =	sshll.u32 s24, $0xC  }
0x21: {  	s23 =	sadd.s32 s9, s23  }
0x22: {  	s23 =	sshrl.u32 s23, $0x3  }
0x23: {  	s26 =	simm.s32 $0x0;
	s25 =	sadd.s32 s6, s23  }
0x24: {  	[tilespmem:s26], [sflag:$0x2] =	stream.linear.gather [hbm4b:s25+s26], $0xC80, $0x38;
	[tilespmem:$0x18080] =	vst v63  }
0x25: {  	_ =	swait.ge [sflag:s18], $0xC80  }
0x26: {  	[sflag:s18] =	ssyncset.done $0x0  }
0x27: {  	s23 =	sadd.s32 s7, s23;
	[sflag:s18] =	ssyncadd.s32 $0xFFFFF380  }
0x28: {  	[tilespmem:s19], [sflag:$0x2] =	stream.linear.gather [hbm4b:s23+s26], $0xC80, $0x38;
	[tilespmem:$0x18080] =	vst v63  }
0x29: {  	_ =	swait.ge [sflag:s18], $0xC80  }
0x2a: {  	[sflag:s18] =	ssyncset.done $0x0  }
0x2b: {  	s30 =	simm.s32 $0x0;
	[sflag:s18] =	ssyncadd.s32 $0xFFFFF380  }
0x2c: {  	[tilespmem:s21], [sflag:$0x1] =	stream.indirect.gather [hbm4b:s5+s20], $0x80, s30, s20, $0xb8;
	[tilespmem:$0x18080] =	vst v63  }
0x2d: {  	_ =	swait.ge [sflag:s22], $0x2800  }
0x2e: {  	[sflag:s22] =	ssyncset.done $0x0  }
0x2f: {  	s31 =	simm.s32 $0x1000;
	[sflag:s22] =	ssyncadd.s32 $0xFFFFD800  }
0x30: {  	[spmem:s1] =	stream.indirect.scatter.add.f32 [tilespmem:s21], [sflag:$0x2], $0x80, s31, s20, $0xb8;
	[tilespmem:$0x18080] =	vst v63  }
0x31: {  	_ =	swait.ge [sflag:s18], $0x2800  }
0x32: {  	s25 =	simm.s32 $0x400;
	s23 =	simm.s32 $0x200;
	[sflag:s18] =	ssyncset.done $0x0  }
.LBB2_7:
0x33: {  	s26 =	sshra.s32 s23, $0x2  }
0x34: {  	[sflag:s18] =	ssyncadd.s32 $0xFFFFD800;
	s23 =	smov.u32 s25;
	s28 =	sadd.s32 $0x200, s25  }
0x35: {  	[tilespmem:s21], [sflag:$0x1] =	stream.indirect.gather [hbm4b:s5+s20], $0x80, s26, s20, $0xb8;
	[tilespmem:$0x18080] =	vst v63  }
0x36: {  	p2 =	sne.s32 s25, $0x3000;
	_ =	swait.ge [sflag:s22], $0x2800  }
.Ltmp3:
0x37: {  	[sflag:s22] =	ssyncset.done $0x0;
	(pc) =	sbr.rel @p2 .LBB2_7-.Ltmp3, $4  }
0x38: {  	s25 =	sadd.s32 $0x1000, s26;
	[sflag:s22] =	ssyncadd.s32 $0xFFFFD800  }
0x39: {  	[spmem:s1] =	stream.indirect.scatter.add.f32 [tilespmem:s21], [sflag:$0x2], $0x80, s25, s20, $0xb8;
	[tilespmem:$0x18080] =	vst v63  }
0x3a: {  	_ =	swait.ge [sflag:s18], $0x2800  }
0x3b: {  	s25 =	smov.u32 s28;
	[sflag:s18] =	ssyncset.done $0x0  }
0x3c: {  	s23 =	sshra.s32 s23, $0x2;
	[sflag:s18] =	ssyncadd.s32 $0xFFFFD800  }
0x3d: {  	[tilespmem:s21], [sflag:$0x1] =	stream.indirect.gather [hbm4b:s5+s20], $0x80, s23, s20, $0xb8;
	[tilespmem:$0x18080] =	vst v63  }
0x3e: {  	s24 =	sadd.s32 $0x1, s24;
	_ =	swait.ge [sflag:s22], $0x2800  }
0x3f: {  	p2 =	sne.s32 s24, $0xA;
	[sflag:s22] =	ssyncset.done $0x0  }
.Ltmp4:
0x40: {  	s23 =	sadd.s32 $0x1000, s23;
	[sflag:s22] =	ssyncadd.s32 $0xFFFFD800;
	(pc) =	sbr.rel @p2 .LBB2_6-.Ltmp4, $4  }
0x41: {  	[spmem:s1] =	stream.indirect.scatter.add.f32 [tilespmem:s21], [sflag:$0x2], $0x80, s23, s20, $0xb8;
	[tilespmem:$0x18080] =	vst v63  }
0x42: {  	_ =	swait.ge [sflag:s18], $0x2800  }
0x43: {  	[sflag:s18] =	ssyncset.done $0x0  }
0x44: {  	[sflag:s18] =	ssyncadd.s32 $0xFFFFD800  }
0x45: {  	[bflag:$0x0] =	sbarrier.arrive $0xFFFF;
	s23 =	simm.s32 @p1 $0x1FC2  }
0x46: {  	[hbm:s13], [sflag:s23] =	dma.local @p1 [spmem:s15], $0x2800  }
0x47: {  	s23 =	simm.s32 @p1 $0x2  }
0x48: {  	_ =	swait.ge @p1 [sflag:s23], $0x2800  }
0x49: {  	[sflag:s23] =	ssyncset.done @p1 $0x0  }
.Ltmp5:
0x4a: {  	[sflag:s23] =	ssyncadd.s32 @p1 $0xFFFFD800;
	s23 =	simm.s32 @!p1 $0x2;
	(pc) =	sbr.rel .LBB2_10-.Ltmp5, $4  }
0x4b: {  	[hbm:s12], [sflag:s16] =	dma.local @!p1 [spmem:s17], $0x2700  }
0x4c: {  	_ =	swait.ge @!p1 [sflag:s23], $0x2700  }
0x4d: {  	[sflag:s23] =	ssyncset.done @!p1 $0x0  }
0x4e: {  	[sflag:s23] =	ssyncadd.s32 @!p1 $0xFFFFD900  }
.LBB2_2:
0x4f: {  	s24 =	sshll.u32 s23, $0xC  }
0x50: {  	s24 =	sadd.s32 s9, s24  }
0x51: {  	s24 =	sshrl.u32 s24, $0x3  }
0x52: {  	s26 =	simm.s32 $0x0;
	s25 =	sadd.s32 s6, s24  }
0x53: {  	[tilespmem:s26], [sflag:$0x2] =	stream.linear.gather [hbm4b:s25+s26], $0xC80, $0x38;
	[tilespmem:$0x18080] =	vst v63  }
0x54: {  	_ =	swait.ge [sflag:s18], $0xC80  }
0x55: {  	[sflag:s18] =	ssyncset.done $0x0  }
0x56: {  	s24 =	sadd.s32 s7, s24;
	[sflag:s18] =	ssyncadd.s32 $0xFFFFF380  }
0x57: {  	[tilespmem:s19], [sflag:$0x2] =	stream.linear.gather [hbm4b:s24+s26], $0xC80, $0x38;
	[tilespmem:$0x18080] =	vst v63  }
0x58: {  	_ =	swait.ge [sflag:s18], $0xC80  }
0x59: {  	[sflag:s18] =	ssyncset.done $0x0  }
0x5a: {  	s30 =	simm.s32 $0x0;
	[sflag:s18] =	ssyncadd.s32 $0xFFFFF380  }
0x5b: {  	[tilespmem:s21], [sflag:$0x1] =	stream.indirect.gather [hbm4b:s4+s20], $0x80, s30, s20, $0xb8;
	[tilespmem:$0x18080] =	vst v63  }
0x5c: {  	_ =	swait.ge [sflag:s22], $0x2800  }
0x5d: {  	[sflag:s22] =	ssyncset.done $0x0  }
0x5e: {  	s31 =	simm.s32 $0x1000;
	[sflag:s22] =	ssyncadd.s32 $0xFFFFD800  }
0x5f: {  	[spmem:s1] =	stream.indirect.scatter.add.f32 [tilespmem:s21], [sflag:$0x2], $0x80, s31, s20, $0xb8;
	[tilespmem:$0x18080] =	vst v63  }
0x60: {  	_ =	swait.ge [sflag:s18], $0x2800  }
0x61: {  	s25 =	simm.s32 $0x400;
	s24 =	simm.s32 $0x200;
	[sflag:s18] =	ssyncset.done $0x0  }
.LBB2_3:
0x62: {  	s26 =	sshra.s32 s24, $0x2  }
0x63: {  	[sflag:s18] =	ssyncadd.s32 $0xFFFFD800;
	s24 =	smov.u32 s25;
	s28 =	sadd.s32 $0x200, s25  }
0x64: {  	[tilespmem:s21], [sflag:$0x1] =	stream.indirect.gather [hbm4b:s4+s20], $0x80, s26, s20, $0xb8;
	[tilespmem:$0x18080] =	vst v63  }
0x65: {  	p2 =	sne.s32 s25, $0x3000;
	_ =	swait.ge [sflag:s22], $0x2800  }
.Ltmp6:
0x66: {  	[sflag:s22] =	ssyncset.done $0x0;
	(pc) =	sbr.rel @p2 .LBB2_3-.Ltmp6, $4  }
0x67: {  	s25 =	sadd.s32 $0x1000, s26;
	[sflag:s22] =	ssyncadd.s32 $0xFFFFD800  }
0x68: {  	[spmem:s1] =	stream.indirect.scatter.add.f32 [tilespmem:s21], [sflag:$0x2], $0x80, s25, s20, $0xb8;
	[tilespmem:$0x18080] =	vst v63  }
0x69: {  	_ =	swait.ge [sflag:s18], $0x2800  }
0x6a: {  	s25 =	smov.u32 s28;
	[sflag:s18] =	ssyncset.done $0x0  }
0x6b: {  	s24 =	sshra.s32 s24, $0x2;
	[sflag:s18] =	ssyncadd.s32 $0xFFFFD800  }
0x6c: {  	[tilespmem:s21], [sflag:$0x1] =	stream.indirect.gather [hbm4b:s4+s20], $0x80, s24, s20, $0xb8;
	[tilespmem:$0x18080] =	vst v63  }
0x6d: {  	s23 =	sadd.s32 $0x1, s23;
	_ =	swait.ge [sflag:s22], $0x2800  }
0x6e: {  	p2 =	sne.s32 s23, $0xA;
	[sflag:s22] =	ssyncset.done $0x0  }
.Ltmp7:
0x6f: {  	s24 =	sadd.s32 $0x1000, s24;
	[sflag:s22] =	ssyncadd.s32 $0xFFFFD800;
	(pc) =	sbr.rel @p2 .LBB2_2-.Ltmp7, $4  }
0x70: {  	[spmem:s1] =	stream.indirect.scatter.add.f32 [tilespmem:s21], [sflag:$0x2], $0x80, s24, s20, $0xb8;
	[tilespmem:$0x18080] =	vst v63  }
0x71: {  	_ =	swait.ge [sflag:s18], $0x2800  }
0x72: {  	[sflag:s18] =	ssyncset.done $0x0  }
0x73: {  	[sflag:s18] =	ssyncadd.s32 $0xFFFFD800  }
0x74: {  	[bflag:$0x0] =	sbarrier.arrive $0xFFFF;
	s23 =	simm.s32 @p1 $0x1FC2  }
0x75: {  	[hbm:s11], [sflag:s23] =	dma.local @p1 [spmem:s15], $0x2800  }
0x76: {  	s23 =	simm.s32 @p1 $0x2  }
0x77: {  	_ =	swait.ge @p1 [sflag:s23], $0x2800  }
0x78: {  	[sflag:s23] =	ssyncset.done @p1 $0x0  }
.Ltmp8:
0x79: {  	[sflag:s23] =	ssyncadd.s32 @p1 $0xFFFFD800;
	s23 =	simm.s32 @!p1 $0x2;
	(pc) =	sbr.rel .LBB2_10-.Ltmp8, $4  }
0x7a: {  	[hbm:s10], [sflag:s16] =	dma.local @!p1 [spmem:s17], $0x2700  }
0x7b: {  	_ =	swait.ge @!p1 [sflag:s23], $0x2700  }
0x7c: {  	[sflag:s23] =	ssyncset.done @!p1 $0x0  }
0x7d: {  	[sflag:s23] =	ssyncadd.s32 @!p1 $0xFFFFD900  }
.LBB2_11:
0x7e: {  	_ =	sfence.sel $0x180000  }
0x7f: {  	[bflag:$0x0] =	sbarrier.arrive $0xFFFF  }
0x80: {  	p0 =	sne.s32 s3, $0x0;
	_ =	strace $0x9000004D  }
0x81: {  	s0 =	sadd.s32 @!p0 $0x100000, s0;
	[bflag:$0x2] =	sbarrier.arrive $0xFFFF  }
0x82: {  	[sflag:s0] =	ssyncadd.tile.s32 @!p0 $0x1;
	_ =	shalt  }
.Lfunc_end2:
_tile_overlayer_lowered:
.L_overlay_start_2:
0x83: {  	(tag) =	ssettag $0x2  }
0x84: {  	s0 =	rddreg [dreg:$0x0];
	s2 =	stileid.u32  }
0x85: {  	s1 =	rddreg [dreg:$0x1];
	p0 =	sne.s32 s2, $0x0  }
0x86: {  	s3 =	rddreg [dreg:$0x2];
	[bflag:$0x3] =	sbarrier.arrive $0xFFFF;
	s2 =	simm.s32 @!p0 $0x1C02  }
0x87: {  	[timem:s3], [sflag:s2] =	dma.local @!p0 [hbm:s0], s1  }
0x88: {  	s0 =	simm.s32 @!p0 $0x2  }
0x89: {  	_ =	swait.ge @!p0 [sflag:s0], s1  }
0x8a: {  	s1 =	ssub.s32 @!p0 $0x0, s1;
	[sflag:s0] =	ssyncset.done @!p0 $0x0  }
0x8b: {  	[sflag:s0] =	ssyncadd.s32 @!p0 s1  }
0x8c: {  	[bflag:$0x3] =	sbarrier.arrive $0xFFFF  }
0x8d: {  	_ =	shalt  }

// kernel: kernel.19.cloned.1.call-start
scs
__scs_entry_jumppad:
0x0: {  	(pc) =	sbr.rel $0x88, $3  }
0x1: {  	(tag) =	ssettag $0x0;
	lr =	simm.s32 $0x1  }
0x2: {  	[smem:$0x3F8B] =	sst lr;
	_ =	strace $0xD0000000  }
0x3: {  	_ = 	snop  }
0x4: {  	_ = 	snop  }
0x5: {  	_ = 	snop  }
0x6: {  	_ = 	snop  }
0x7: {  	_ = 	snop  }
__scs_overlays_trampoline_lowered:
0x8: {  	[smem:$0x3F9A] =	sst s0  }
0x9: {  	[smem:$0x3F9B] =	sst s1  }
0xa: {  	[smem:$0x3F9C] =	sst s2  }
0xb: {  	[smem:$0x3F9D] =	sst s3  }
0xc: {  	[smem:$0x3F9E] =	sst s4  }
0xd: {  	[smem:$0x3F9F] =	sst s5  }
0xe: {  	[smem:$0x3FA0] =	sst s6  }
0xf: {  	[smem:$0x3FA1] =	sst s7  }
0x10: {  	[smem:$0x3FA2] =	sst s8  }
0x11: {  	[smem:$0x3FA3] =	sst s9;
	s0 =	simm.s32 @!p0 $0x0  }
0x12: {  	s1 =	sld [smem:$0x3F89];
	s0 =	simm.s32 @p0 $0x1  }
0x13: {  	[smem:$0x3FA4] =	sst s0;
	s0 =	simm.s32 @!p1 $0x0  }
0x14: {  	s2 =	sld [smem:$0x3F88];
	s0 =	simm.s32 @p1 $0x1  }
0x15: {  	[smem:$0x3FA5] =	sst s0;
	s0 =	simm.s32 @!p2 $0x0  }
0x16: {  	s3 =	sld [smem:$0x3FDB];
	s0 =	simm.s32 @p2 $0x1  }
0x17: {  	s4 =	simm.s32 $0x1BF5;
	[smem:$0x3FA7] =	sst s0  }
0x18: {  	s0 =	sld [smem:$0x3F8A];
	_ =	swait.ge [sflag:s4], $0x0  }
0x19: {  	s7 =	sld [smem:$0x3F8B]  }
0x1a: {  	s8 =	sadd.s32 $0xFFFFE003, lr  }
0x1b: {  	s9 =	sadd.s32 $0xFFFFFEF7, lr;
	s5 =	simm.s32 $0xFFFFFFFF;
	p2 =	slt.u32 s8, $0xFFFFF086  }
0x1c: {  	p1 =	slt.u32 s9, $0xF7A;
	s5 =	simm.s32 @!p2 $0x0  }
0x1d: {  	s5 =	simm.s32 @p1 $0x1;
	p0 =	seq.s32 s7, s2  }
0x1e: {  	s7 =	smul.u32 @!p0 $0xF7A, s2;
	p2 =	seq.s32 @!p0 s5, $0x0  }
0x1f: {  	s9 =	smul.u32 $0xF7A, s1;
	s8 =	simm.s32 @!p0 $0x1BF5;
	p2 =	por !p2, p0  }
0x20: {  	[sflag:s8] =	ssyncset.s32 @!p0 $0xFFFFF086;
	s6 =	sadd.s32 @!p0 s3, s7;
	s7 =	simm.s32 @!p0 $0x108  }
0x21: {  	s3 =	sadd.s32 s3, s9;
	s6 =	sadd.s32 @!p0 $0x88, s6;
	s7 =	simm.s32 @p2 $0x1082  }
0x22: {  	[simem:s7], [sflag:s8] =	dma.local @!p0 [hbm:s6], $0xF7A  }
0x23: {  	s9 =	sor.u32 $0xD0000000, s2;
	s6 =	simm.s32 $0x108;
	_ =	swait.ge @!p0 [sflag:s8], $0x0  }
0x24: {  	s3 =	sadd.s32 $0x88, s3;
	s6 =	simm.s32 @!p1 $0x1082;
	[sflag:s4] =	ssyncset.s32 $0xFFFFF086  }
0x25: {  	[simem:s6], [sflag:s4] =	dma.local [hbm:s3], $0xF7A  }
0x26: {  	[smem:$0x3F8B] =	sst s1;
	(tag) =	ssettag s2;
	_ =	strace s9  }
0x27: {  	s1 =	sld [smem:$0x3F9B]  }
0x28: {  	s2 =	sld [smem:$0x3F9C]  }
0x29: {  	s4 =	sld [smem:$0x3F9E]  }
0x2a: {  	p0 =	seq.s32 s5, $0x0;
	s5 =	sld [smem:$0x3F9F]  }
0x2b: {  	s6 =	sld [smem:$0x3FA0]  }
0x2c: {  	s7 =	sld [smem:$0x3FA1]  }
0x2d: {  	s3 =	simm.s32 $0x108;
	s8 =	sld [smem:$0x3FA2]  }
0x2e: {  	s3 =	simm.s32 @!p0 $0x1082;
	s9 =	sld [smem:$0x3FA3]  }
0x2f: {  	lr =	sadd.s32 s0, s3;
	s0 =	sld [smem:$0x3F9A]  }
0x30: {  	s3 =	sld [smem:$0x3F9D]  }
0x31: {  	[smem:$0x3FA6] =	sst s10  }
0x32: {  	s10 =	sld [smem:$0x3FA4];
	_ =	sdelay $0x3  }
0x33: {  	p0 =	seq.s32 s10, $0x1;
	s10 =	sld [smem:$0x3FA6];
	_ =	sdelay $0x3  }
0x34: {  	[smem:$0x3FA6] =	sst s10  }
0x35: {  	s10 =	sld [smem:$0x3FA5];
	_ =	sdelay $0x3  }
0x36: {  	p1 =	seq.s32 s10, $0x1;
	s10 =	sld [smem:$0x3FA6];
	_ =	sdelay $0x3  }
0x37: {  	[smem:$0x3FA6] =	sst s10  }
0x38: {  	s10 =	sld [smem:$0x3FA7]  }
0x39: {  	_ = 	snop;
	(pc) =	sbr.ind lr, $3  }
0x3a: {  	_ = 	snop  }
0x3b: {  	_ = 	snop  }
0x3c: {  	p2 =	seq.s32 s10, $0x1;
	s10 =	sld [smem:$0x3FA6]  }
0x3d: {  	_ =	shalt  }
0x3e: {  	_ =	shalt  }
0x3f: {  	_ =	shalt  }
0x40: {  	_ =	shalt  }
0x41: {  	_ =	shalt  }
0x42: {  	_ =	shalt  }
0x43: {  	_ =	shalt  }
0x44: {  	_ =	shalt  }
0x45: {  	_ =	shalt  }
0x46: {  	_ =	shalt  }
0x47: {  	_ =	shalt  }
0x48: {  	_ =	shalt  }
0x49: {  	_ =	shalt  }
0x4a: {  	_ =	shalt  }
0x4b: {  	_ =	shalt  }
0x4c: {  	_ =	shalt  }
0x4d: {  	_ =	shalt  }
0x4e: {  	_ =	shalt  }
0x4f: {  	_ =	shalt  }
0x50: {  	_ =	shalt  }
0x51: {  	_ =	shalt  }
0x52: {  	_ =	shalt  }
0x53: {  	_ =	shalt  }
0x54: {  	_ =	shalt  }
0x55: {  	_ =	shalt  }
0x56: {  	_ =	shalt  }
0x57: {  	_ =	shalt  }
0x58: {  	_ =	shalt  }
0x59: {  	_ =	shalt  }
0x5a: {  	_ =	shalt  }
0x5b: {  	_ =	shalt  }
0x5c: {  	_ =	shalt  }
0x5d: {  	_ =	shalt  }
0x5e: {  	_ =	shalt  }
0x5f: {  	_ =	shalt  }
0x60: {  	_ =	shalt  }
0x61: {  	_ =	shalt  }
0x62: {  	_ =	shalt  }
0x63: {  	_ =	shalt  }
0x64: {  	_ =	shalt  }
0x65: {  	_ =	shalt  }
0x66: {  	_ =	shalt  }
0x67: {  	_ =	shalt  }
0x68: {  	_ =	shalt  }
0x69: {  	_ =	shalt  }
0x6a: {  	_ =	shalt  }
0x6b: {  	_ =	shalt  }
0x6c: {  	_ =	shalt  }
0x6d: {  	_ =	shalt  }
0x6e: {  	_ =	shalt  }
0x6f: {  	_ =	shalt  }
0x70: {  	_ =	shalt  }
0x71: {  	_ =	shalt  }
0x72: {  	_ =	shalt  }
0x73: {  	_ =	shalt  }
0x74: {  	_ =	shalt  }
0x75: {  	_ =	shalt  }
0x76: {  	_ =	shalt  }
0x77: {  	_ =	shalt  }
0x78: {  	_ =	shalt  }
0x79: {  	_ =	shalt  }
0x7a: {  	_ =	shalt  }
0x7b: {  	_ =	shalt  }
0x7c: {  	_ =	shalt  }
0x7d: {  	_ =	shalt  }
0x7e: {  	_ =	shalt  }
0x7f: {  	_ =	shalt  }
0x80: {  	_ =	shalt  }
0x81: {  	_ =	shalt  }
0x82: {  	_ =	shalt  }
0x83: {  	_ =	shalt  }
0x84: {  	_ =	shalt  }
0x85: {  	_ =	shalt  }
0x86: {  	_ =	shalt  }
0x87: {  	_ =	shalt  }
.Lfunc_end0:
.L_simem_size_0:
called_computation.3_lowered:
.L_overlay_start_0:
0x88: {  	s2 =	sld [smem:$0x3FD9]  }
0x89: {  	s3 =	sld [smem:$0x3FFE];
	_ =	sdelay $0x1  }
0x8a: {  	s1 =	srdreg.scid  }
0x8b: {  	s0 =	sand.u32 $0x1, s1  }
0x8c: {  	s17 =	sshll.u32 s0, $0xA;
	s2 =	sadd.s32 s3, s2  }
0x8d: {  	s2 =	sadd.s32 s2, s17  }
0x8e: {  	[smem:$0x3FB2] =	sst s2  }
0x8f: {  	_ = 	snop  }
0x90: {  	s2 =	sld [smem:$0x3FD0];
	(tm) =	ssettm $0x1  }
0x91: {  	s18 =	sld [smem:$0x3FFB];
	_ =	sdelay $0x3  }
0x92: {  	_ =	strace s18  }
0x93: {  	s3 =	sld [smem:$0x3FFC];
	_ =	sdelay $0x3  }
0x94: {  	_ =	strace s3  }
0x95: {  	s3 =	sld [smem:$0x3FFD];
	_ =	sdelay $0x3  }
0x96: {  	_ =	strace s3  }
0x97: {  	_ =	strace $0x8FFFFFFF  }
0x98: {  	s19 =	sld [smem:$0x3FDB];
	_ =	sdelay $0x1  }
0x99: {  	s4 =	simm.s32 $_scs_section_size  }
0x9a: {  	s5 =	simm.s32 $_size__tile_overlayer_lowered;
	s6 =	simm.s32 $_tile_overlayer_lowered  }
0x9b: {  	s22 =	simm.s32 $0x1BFF;
	s21 =	sshll.u32 s6, $0x1;
	s3 =	sadd.s32 s4, s19  }
0x9c: {  	s7 =	simm.s32 $0x0;
	s20 =	sshll.u32 s5, $0x1;
	s5 =	sadd.s32 s21, s3  }
0x9d: {  	[timem:s7], [sflag:s22] =	dma.local [hbm:s5], s20  }
0x9e: {  	_ =	swait.ge [sflag:s22], s20  }
0x9f: {  	s4 =	ssub.s32 $0x0, s20;
	[sflag:s22] =	ssyncset.done $0x0  }
0xa0: {  	[sflag:s22] =	ssyncadd.s32 s4;
	_ =	sdelay $0x1  }
0xa1: {  	s23 =	simm.s32 $0x1B8B  }
0xa2: {  	_ =	swait.ge [sflag:s23], $0x1  }
0xa3: {  	[sflag:s23] =	ssyncset.done $0x0  }
0xa4: {  	s25 =	simm.s32 $0x1B8E;
	s24 =	sld [smem:$0x3FFE];
	[sflag:s23] =	ssyncadd.s32 $0xFFFFFFFF  }
0xa5: {  	s26 =	simm.s32 $execute0_lowered;
	[smem:$0x3FD2] =	sst s25  }
0xa6: {  	s5 =	sshll.u32 s26, $0x1;
	_ =	strace $0x8000004F;
	[dreg:$0x1] =	wrdreg $0xFFFFFFFF  }
0xa7: {  	s28 =	simm.s32 $_size_execute0_lowered;
	s3 =	sadd.s32 s3, s5;
	[dreg:$0x0] =	wrdreg $0x0  }
0xa8: {  	s5 =	sshll.u32 s28, $0x1;
	[dreg:$0x2] =	wrdreg s3  }
0xa9: {  	[dreg:$0x3] =	wrdreg s5  }
0xaa: {  	[dreg:$0x4] =	wrdreg $0xC0  }
0xab: {  	_ =	task [dreg:s7], $0x5FFFF  }
0xac: {  	[dreg:$0x1] =	wrdreg $0xFFFFFFFF  }
0xad: {  	[dreg:$0x0] =	wrdreg $0x60  }
0xae: {  	[dreg:$0x2] =	wrdreg s24  }
0xaf: {  	[dreg:$0x3] =	wrdreg s2  }
0xb0: {  	[dreg:$0x4] =	wrdreg $0x9  }
0xb1: {  	_ =	task.clear_ibuf [dreg:s7], $0x5FFFF;
	_ =	strace $0x9000004F  }
0xb2: {  	s29 =	simm.s32 $0x9;
	_ =	strace $0x80000051  }
0xb3: {  	_ =	swait.ge [sflag:s29], $0x1  }
0xb4: {  	[sflag:s29] =	ssyncadd.s32 $0xFFFFFFFF  }
0xb5: {  	_ =	strace $0x90000051  }
0xb6: {  	_ =	sfence  }
0xb7: {  	s30 =	sld [smem:$0x0];
	_ =	sdelay $0x2  }
0xb8: {  	s31 =	sshll.u32 s1, $0xD;
	s1 =	sshrl.u32 s1, $0x2  }
0xb9: {  	s3 =	sand.u32 $0x4000, s31;
	s1 =	sadd.s32 s1, s30  }
0xba: {  	s0 =	sor.u32 s3, s0;
	s1 =	sshll.u32 s1, $0x11  }
0xbb: {  	s0 =	sor.u32 s1, s0  }
0xbc: {  	s0 =	sadd.s32 $0x8F2B, s0  }
0xbd: {  	[sflag:s0] =	ssyncadd.remote.s32 $0x1  }
0xbe: {  	_ =	sfence.sel $0xFFFF  }
0xbf: {  	[dreg:$0x0] =	wrdreg $0xFFFFFFFF;
	(pc) =	sbr.abs _section_cstart, $3  }
0xc0: {  	[dreg:$0x1] =	wrdreg $0xFFFFFFFF  }
0xc1: {  	_ =	task.clear_ibuf [dreg:s7], $0x2FFFF;
	_ =	strace $0x9FFFFFFF  }
0xc2: {  	(tm) =	ssettm $0x7FFFFFFF  }
0xc3: {  	_ =	shalt  }
tec
execute0_lowered:
.L_overlay_start_1:
0x0: {  	(tag) =	ssettag $0x1  }
0x1: {  	s5 =	rddreg [dreg:$0x0]  }
0x2: {  	s6 =	rddreg [dreg:$0x1]  }
0x3: {  	s0 =	rddreg [dreg:$0x2];
	s1 =	simm.s32 $0x0;
	s7 =	srdreg.scid  }
0x4: {  	s2 =	stileid.u32;
	s12 =	simm.s32 $0x8000;
	s13 =	simm.s32 $0x8800  }
0x5: {  	s14 =	simm.s32 $0x9000;
	s15 =	simm.s32 $0x9800;
	s16 =	simm.s32 $0xA000  }
0x6: {  	s17 =	simm.s32 $0xA800;
	s18 =	simm.s32 $0xB000;
	s19 =	simm.s32 $0xB800  }
0x7: {  	s20 =	simm.s32 $0xC000;
	s21 =	simm.s32 $0xC800;
	s22 =	simm.s32 $0x1  }
0x8: {  	s23 =	simm.s32 $0x0;
	[smem:$0x7FF] =	sst s1;
	s3 =	sadd.s32 $0x58C00, s5  }
0x9: {  	s4 =	sadd.s32 $0xA6E00, s5;
	s7 =	sand.u32 $0x1, s7;
	s30 =	smul.u32 $0x4E200, s2  }
0xa: {  	s8 =	sshll.u32 s2, $0xB;
	s9 =	sshll.u32 s7, $0xF;
	s10 =	smul.u32 $0x4E2000, s7  }
0xb: {  	_ =	strace $0x80000050;
	s7 =	ssub.s32 $0x2, s7;
	s8 =	sor.u32 s8, s9  }
0xc: {  	s31 =	sshrl.u32 s7, $0x1;
	s11 =	sadd.s32 s8, s5;
	s10 =	sadd.s32 s10, s5  }
0xd: {  	v2 =	vlaneseq.u32;
	s7 =	ssub.s32 s7, s31;
	s5 =	sadd.s32 s6, s8;
	s9 =	sadd.s32 s30, s10  }
0xe: {  	vm0 =	vmmov $0xffff;
	v1 =	vshrl.u32 v2, $0x3;
	s6 =	sadd.s32 $0xF7C00, s11;
	s7 =	smax.u32 s7, $0x1;
	s11 =	simm.s32 $0x4000  }
0xf: {  	v0 =	vand.u32 $0x7, v2;
	v2 =	vor.u32 $0x8, v2;
	v1 =	vmul.u32 $0x8, v1;
	s10 =	simm.s32 $0x2;
	s8 =	sadd.s32 $0x107C00, s9;
	s9 =	sadd.s32 $0xACBC00, s9  }
.LBB2_1:
0x10: {  	[tilespmem:s1], [sflag:$0x2] =	stream.linear.gather [hbm4b:s5+s1], $0x3E80, $0x38;
	[tilespmem:$0xD000] =	vst v63  }
0x11: {  	_ =	swait.ge [sflag:s10], $0x3E80  }
0x12: {  	[sflag:s10] =	ssyncset.done $0x0  }
0x13: {  	[sflag:s10] =	ssyncadd.s32 $0xFFFFC180  }
0x14: {  	[tilespmem:s11], [sflag:$0x2] =	stream.linear.gather [hbm4b:s6+s1], $0x3E80, $0x38;
	[tilespmem:$0xD000] =	vst v63  }
0x15: {  	_ =	swait.ge [sflag:s10], $0x3E80  }
0x16: {  	s24 =	simm.s32 $0x4020;
	[sflag:s10] =	ssyncset.done $0x0  }
0x17: {  	s25 =	simm.s32 $0x20;
	s26 =	simm.s32 $0x0;
	[sflag:s10] =	ssyncadd.s32 $0xFFFFC180  }
.LBB2_2:
0x18: {  	v3 =	vld [tilespmem:s25+$0xFFFFFFE0];
	_ =	sdelay $0x4  }
0x19: {  	v4 =	vshll.u32 v3, $0x1  }
0x1a: {  	v3 =	vand.u32 $0x7, v3;
	v4 =	vand.u32 $0xFFFFFFF0, v4  }
0x1b: {  	v3 =	vor.u32 v3, v4  }
0x1c: {  	v4 =	vperm.xlane v3, v0;
	_ =	sdelay $0x1  }
0x1d: {  	v3 =	vperm.xlane v3, v2;
	v4 =	vadd.s32 v1, v4;
	_ =	sdelay $0x1  }
0x1e: {  	v3 =	vadd.s32 v1, v3;
	_ =	sdelay $0x2  }
0x1f: {  	[tilespmem:s12], [sflag:$0x1] =	stream.indirect_vreg.gather [hbm4b:s3+s1], $0x80, v4, vm0, $0xb8;
	[tilespmem:$0xD000] =	vst v63  }
0x20: {  	_ = 	snop  }
0x21: {  	[tilespmem:s13], [sflag:$0x1] =	stream.indirect_vreg.gather [hbm4b:s3+s1], $0x80, v3, vm0, $0xb8;
	[tilespmem:$0xD000] =	vst v63  }
0x22: {  	v3 =	vld [tilespmem:s25+$0xFFFFFFF0];
	_ =	sdelay $0x4  }
0x23: {  	v55 =	vshll.u32 v3, $0x1  }
0x24: {  	v3 =	vand.u32 $0x7, v3;
	v4 =	vand.u32 $0xFFFFFFF0, v55  }
0x25: {  	v3 =	vor.u32 v3, v4  }
0x26: {  	v4 =	vperm.xlane v3, v0;
	_ =	sdelay $0x1  }
0x27: {  	v3 =	vperm.xlane v3, v2;
	v4 =	vadd.s32 v1, v4;
	_ =	sdelay $0x1  }
0x28: {  	v3 =	vadd.s32 v1, v3;
	_ =	sdelay $0x2  }
0x29: {  	[tilespmem:s14], [sflag:$0x1] =	stream.indirect_vreg.gather [hbm4b:s3+s1], $0x80, v4, vm0, $0xb8;
	[tilespmem:$0xD000] =	vst v63  }
0x2a: {  	_ = 	snop  }
0x2b: {  	[tilespmem:s15], [sflag:$0x1] =	stream.indirect_vreg.gather [hbm4b:s3+s1], $0x80, v3, vm0, $0xb8;
	[tilespmem:$0xD000] =	vst v63  }
0x2c: {  	v3 =	vld [tilespmem:s25+$0x0];
	_ =	sdelay $0x4  }
0x2d: {  	v56 =	vshll.u32 v3, $0x1  }
0x2e: {  	v3 =	vand.u32 $0x7, v3;
	v4 =	vand.u32 $0xFFFFFFF0, v56  }
0x2f: {  	v3 =	vor.u32 v3, v4  }
0x30: {  	v4 =	vperm.xlane v3, v0;
	_ =	sdelay $0x1  }
0x31: {  	v3 =	vperm.xlane v3, v2;
	v4 =	vadd.s32 v1, v4;
	_ =	sdelay $0x1  }
0x32: {  	v3 =	vadd.s32 v1, v3;
	_ =	sdelay $0x2  }
0x33: {  	[tilespmem:s16], [sflag:$0x1] =	stream.indirect_vreg.gather [hbm4b:s3+s1], $0x80, v4, vm0, $0xb8;
	[tilespmem:$0xD000] =	vst v63  }
0x34: {  	_ = 	snop  }
0x35: {  	[tilespmem:s17], [sflag:$0x1] =	stream.indirect_vreg.gather [hbm4b:s3+s1], $0x80, v3, vm0, $0xb8;
	[tilespmem:$0xD000] =	vst v63  }
0x36: {  	v3 =	vld [tilespmem:s25+$0x10];
	_ =	sdelay $0x4  }
0x37: {  	v57 =	vshll.u32 v3, $0x1  }
0x38: {  	v3 =	vand.u32 $0x7, v3;
	v4 =	vand.u32 $0xFFFFFFF0, v57  }
0x39: {  	v3 =	vor.u32 v3, v4  }
0x3a: {  	v4 =	vperm.xlane v3, v0;
	_ =	sdelay $0x1  }
0x3b: {  	v3 =	vperm.xlane v3, v2;
	v4 =	vadd.s32 v1, v4;
	_ =	sdelay $0x1  }
0x3c: {  	v3 =	vadd.s32 v1, v3;
	_ =	sdelay $0x2  }
0x3d: {  	[tilespmem:s18], [sflag:$0x1] =	stream.indirect_vreg.gather [hbm4b:s3+s1], $0x80, v4, vm0, $0xb8;
	[tilespmem:$0xD000] =	vst v63  }
0x3e: {  	_ = 	snop  }
0x3f: {  	[tilespmem:s19], [sflag:$0x1] =	stream.indirect_vreg.gather [hbm4b:s3+s1], $0x80, v3, vm0, $0xb8;
	[tilespmem:$0xD000] =	vst v63  }
0x40: {  	v3 =	vld [tilespmem:s25+$0x20];
	_ =	sdelay $0x4  }
0x41: {  	v58 =	vshll.u32 v3, $0x1  }
0x42: {  	v3 =	vand.u32 $0x7, v3;
	v4 =	vand.u32 $0xFFFFFFF0, v58  }
0x43: {  	v3 =	vor.u32 v3, v4  }
0x44: {  	v4 =	vperm.xlane v3, v0;
	_ =	sdelay $0x1  }
0x45: {  	v3 =	vperm.xlane v3, v2;
	v4 =	vadd.s32 v1, v4;
	_ =	sdelay $0x1  }
0x46: {  	v3 =	vadd.s32 v1, v3;
	_ =	sdelay $0x2  }
0x47: {  	[tilespmem:s20], [sflag:$0x1] =	stream.indirect_vreg.gather [hbm4b:s3+s1], $0x80, v4, vm0, $0xb8;
	[tilespmem:$0xD000] =	vst v63  }
0x48: {  	_ = 	snop  }
0x49: {  	[tilespmem:s21], [sflag:$0x1] =	stream.indirect_vreg.gather [hbm4b:s3+s1], $0x80, v3, vm0, $0xb8;
	[tilespmem:$0xD000] =	vst v63  }
0x4a: {  	_ =	swait.ge [sflag:s22], $0x5000  }
0x4b: {  	[sflag:s22] =	ssyncset.done $0x0  }
0x4c: {  	s28 =	sadd.s32 s26, s8;
	[sflag:s22] =	ssyncadd.s32 $0xFFFFB000  }
0x4d: {  	[hbm4b:s28+s1] =	stream.linear.scatter [tilespmem:s12], [sflag:$0x2], $0x5000, $0x38;
	[tilespmem:$0xD000] =	vst v63  }
0x4e: {  	_ =	swait.ge [sflag:s10], $0x5000  }
0x4f: {  	[sflag:s10] =	ssyncset.done $0x0  }
0x50: {  	[sflag:s10] =	ssyncadd.s32 $0xFFFFB000  }
0x51: {  	v3 =	vld [tilespmem:s24+$0xFFFFFFE0];
	_ =	sdelay $0x4  }
0x52: {  	v59 =	vshll.u32 v3, $0x1  }
0x53: {  	v3 =	vand.u32 $0x7, v3;
	v4 =	vand.u32 $0xFFFFFFF0, v59  }
0x54: {  	v3 =	vor.u32 v3, v4  }
0x55: {  	v4 =	vperm.xlane v3, v0;
	_ =	sdelay $0x1  }
0x56: {  	v3 =	vperm.xlane v3, v2;
	v4 =	vadd.s32 v1, v4;
	_ =	sdelay $0x1  }
0x57: {  	v3 =	vadd.s32 v1, v3;
	_ =	sdelay $0x2  }
0x58: {  	[tilespmem:s12], [sflag:$0x1] =	stream.indirect_vreg.gather [hbm4b:s4+s1], $0x80, v4, vm0, $0xb8;
	[tilespmem:$0xD000] =	vst v63  }
0x59: {  	_ = 	snop  }
0x5a: {  	[tilespmem:s13], [sflag:$0x1] =	stream.indirect_vreg.gather [hbm4b:s4+s1], $0x80, v3, vm0, $0xb8;
	[tilespmem:$0xD000] =	vst v63  }
0x5b: {  	v3 =	vld [tilespmem:s24+$0xFFFFFFF0];
	_ =	sdelay $0x4  }
0x5c: {  	v60 =	vshll.u32 v3, $0x1  }
0x5d: {  	v3 =	vand.u32 $0x7, v3;
	v4 =	vand.u32 $0xFFFFFFF0, v60  }
0x5e: {  	v3 =	vor.u32 v3, v4  }
0x5f: {  	v4 =	vperm.xlane v3, v0;
	_ =	sdelay $0x1  }
0x60: {  	v3 =	vperm.xlane v3, v2;
	v4 =	vadd.s32 v1, v4;
	_ =	sdelay $0x1  }
0x61: {  	v3 =	vadd.s32 v1, v3;
	_ =	sdelay $0x2  }
0x62: {  	[tilespmem:s14], [sflag:$0x1] =	stream.indirect_vreg.gather [hbm4b:s4+s1], $0x80, v4, vm0, $0xb8;
	[tilespmem:$0xD000] =	vst v63  }
0x63: {  	_ = 	snop  }
0x64: {  	[tilespmem:s15], [sflag:$0x1] =	stream.indirect_vreg.gather [hbm4b:s4+s1], $0x80, v3, vm0, $0xb8;
	[tilespmem:$0xD000] =	vst v63  }
0x65: {  	v3 =	vld [tilespmem:s24+$0x0];
	_ =	sdelay $0x4  }
0x66: {  	v61 =	vshll.u32 v3, $0x1  }
0x67: {  	v3 =	vand.u32 $0x7, v3;
	v4 =	vand.u32 $0xFFFFFFF0, v61  }
0x68: {  	v3 =	vor.u32 v3, v4  }
0x69: {  	v4 =	vperm.xlane v3, v0;
	_ =	sdelay $0x1  }
0x6a: {  	v3 =	vperm.xlane v3, v2;
	v4 =	vadd.s32 v1, v4;
	_ =	sdelay $0x1  }
0x6b: {  	v3 =	vadd.s32 v1, v3;
	_ =	sdelay $0x2  }
0x6c: {  	[tilespmem:s16], [sflag:$0x1] =	stream.indirect_vreg.gather [hbm4b:s4+s1], $0x80, v4, vm0, $0xb8;
	[tilespmem:$0xD000] =	vst v63  }
0x6d: {  	_ = 	snop  }
0x6e: {  	[tilespmem:s17], [sflag:$0x1] =	stream.indirect_vreg.gather [hbm4b:s4+s1], $0x80, v3, vm0, $0xb8;
	[tilespmem:$0xD000] =	vst v63  }
0x6f: {  	v3 =	vld [tilespmem:s24+$0x10];
	_ =	sdelay $0x4  }
0x70: {  	v62 =	vshll.u32 v3, $0x1  }
0x71: {  	v3 =	vand.u32 $0x7, v3;
	v4 =	vand.u32 $0xFFFFFFF0, v62  }
0x72: {  	v3 =	vor.u32 v3, v4  }
0x73: {  	v4 =	vperm.xlane v3, v0;
	_ =	sdelay $0x1  }
0x74: {  	v3 =	vperm.xlane v3, v2;
	v4 =	vadd.s32 v1, v4;
	_ =	sdelay $0x1  }
0x75: {  	v3 =	vadd.s32 v1, v3;
	_ =	sdelay $0x2  }
0x76: {  	[tilespmem:s18], [sflag:$0x1] =	stream.indirect_vreg.gather [hbm4b:s4+s1], $0x80, v4, vm0, $0xb8;
	[tilespmem:$0xD000] =	vst v63  }
0x77: {  	_ = 	snop  }
0x78: {  	[tilespmem:s19], [sflag:$0x1] =	stream.indirect_vreg.gather [hbm4b:s4+s1], $0x80, v3, vm0, $0xb8;
	[tilespmem:$0xD000] =	vst v63  }
0x79: {  	v3 =	vld [tilespmem:s24+$0x20];
	_ =	sdelay $0x4  }
0x7a: {  	v63 =	vshll.u32 v3, $0x1  }
0x7b: {  	v3 =	vand.u32 $0x7, v3;
	v4 =	vand.u32 $0xFFFFFFF0, v63  }
0x7c: {  	v3 =	vor.u32 v3, v4  }
0x7d: {  	v4 =	vperm.xlane v3, v0;
	_ =	sdelay $0x1  }
0x7e: {  	v3 =	vperm.xlane v3, v2;
	v4 =	vadd.s32 v1, v4;
	_ =	sdelay $0x1  }
0x7f: {  	v3 =	vadd.s32 v1, v3;
	_ =	sdelay $0x2  }
0x80: {  	[tilespmem:s20], [sflag:$0x1] =	stream.indirect_vreg.gather [hbm4b:s4+s1], $0x80, v4, vm0, $0xb8;
	[tilespmem:$0xD000] =	vst v63  }
0x81: {  	_ = 	snop  }
0x82: {  	[tilespmem:s21], [sflag:$0x1] =	stream.indirect_vreg.gather [hbm4b:s4+s1], $0x80, v3, vm0, $0xb8;
	[tilespmem:$0xD000] =	vst v63  }
0x83: {  	_ =	swait.ge [sflag:s22], $0x5000  }
0x84: {  	p0 =	sne.s32 s26, $0x4D800;
	[sflag:s22] =	ssyncset.done $0x0  }
.Ltmp0:
0x85: {  	s31 =	sadd.s32 s26, s9;
	[sflag:s22] =	ssyncadd.s32 $0xFFFFB000;
	(pc) =	sbr.rel @p0 .LBB2_2-.Ltmp0, $4  }
0x86: {  	[hbm4b:s31+s1] =	stream.linear.scatter [tilespmem:s12], [sflag:$0x2], $0x5000, $0x38;
	[tilespmem:$0xD000] =	vst v63  }
0x87: {  	_ =	swait.ge [sflag:s10], $0x5000  }
0x88: {  	s26 =	sadd.s32 $0xA00, s26;
	[sflag:s10] =	ssyncset.done $0x0  }
0x89: {  	s25 =	sadd.s32 $0x80, s25;
	s24 =	sadd.s32 $0x80, s24;
	[sflag:s10] =	ssyncadd.s32 $0xFFFFB000  }
0x8a: {  	s23 =	sadd.s32 $0x1, s23  }
0x8b: {  	p0 =	sne.s32 s23, s7  }
.Ltmp1:
0x8c: {  	_ = 	snop;
	(pc) =	sbr.rel @p0 .LBB2_1-.Ltmp1, $1  }
0x8d: {  	_ =	sdelay $0x3  }
0x8e: {  	_ =	sfence.sel $0x180000  }
0x8f: {  	[bflag:$0x0] =	sbarrier.arrive $0xFFFF  }
0x90: {  	p0 =	sne.s32 s2, $0x0;
	_ =	strace $0x90000050  }
0x91: {  	s0 =	sadd.s32 @!p0 $0x100000, s0;
	[bflag:$0x2] =	sbarrier.arrive $0xFFFF  }
0x92: {  	[sflag:s0] =	ssyncadd.tile.s32 @!p0 $0x1;
	_ =	shalt  }
.Lfunc_end2:
_tile_overlayer_lowered:
.L_overlay_start_2:
0x93: {  	(tag) =	ssettag $0x2  }
0x94: {  	s0 =	rddreg [dreg:$0x0];
	s2 =	stileid.u32  }
0x95: {  	s1 =	rddreg [dreg:$0x1];
	p0 =	sne.s32 s2, $0x0  }
0x96: {  	s3 =	rddreg [dreg:$0x2];
	[bflag:$0x3] =	sbarrier.arrive $0xFFFF;
	s2 =	simm.s32 @!p0 $0x1C02  }
0x97: {  	[timem:s3], [sflag:s2] =	dma.local @!p0 [hbm:s0], s1  }
0x98: {  	s0 =	simm.s32 @!p0 $0x2  }
0x99: {  	_ =	swait.ge @!p0 [sflag:s0], s1  }
0x9a: {  	s1 =	ssub.s32 @!p0 $0x0, s1;
	[sflag:s0] =	ssyncset.done @!p0 $0x0  }
0x9b: {  	[sflag:s0] =	ssyncadd.s32 @!p0 s1  }
0x9c: {  	[bflag:$0x3] =	sbarrier.arrive $0xFFFF  }
0x9d: {  	_ =	shalt  }

</sc_bundles>
